<compile_context>
chip_gen: v7x
topology: tpu7x:2x2x1
jax: 0.10.2.dev20260603
libtpu: 0.0.44.dev20260713+nightly
codegen_flags: <defaults>
</compile_context>

<pallas_src>
import functools

import jax
import jax.numpy as jnp
from jax import lax
from jax.experimental import pallas as pl
from jax.experimental.pallas import tpu as pltpu
from jax.experimental.pallas import tpu_sc as plsc

N = 10000
E = 320000
D = 128
G = 256
C = 40
EPS = 1e-5

CHUNK = 128
CH_PER_TILE = 80
BLK = 16
NW = 32
CH_TOTAL = CH_PER_TILE * NW
E_PAD = CH_TOTAL * CHUNK
ACC = 10240
SEG = ACC // 16

_mesh = plsc.VectorSubcoreMesh(core_axis_name="c", subcore_axis_name="s")

_sc_params = pltpu.CompilerParams()
if "needs_layout_passes" in pltpu.CompilerParams.__dataclass_fields__:
    import dataclasses as _dc
    _sc_params = _dc.replace(_sc_params, needs_layout_passes=False)



@functools.partial(
    pl.kernel,
    out_type=jax.ShapeDtypeStruct((NW, ACC), jnp.float32),
    mesh=_mesh,
    scratch_types=[
        pltpu.VMEM((CH_PER_TILE, CHUNK), jnp.int32),
        pltpu.VMEM((ACC,), jnp.float32),
    ],
    compiler_params=_sc_params,
)
def _sc_count(row_hbm, out_hbm, idx_v, acc_v):
    c = lax.axis_index("c")
    s = lax.axis_index("s")
    w = c * 16 + s
    zero16 = jnp.zeros((16,), jnp.float32)
    ones16 = jnp.ones((16,), jnp.float32)

    pltpu.sync_copy(row_hbm.at[w], idx_v)

    @pl.loop(0, ACC, step=16)
    def _(i):
        acc_v[pl.ds(i, 16)] = zero16

    @pl.loop(0, CH_PER_TILE)
    def _(it):
        @pl.loop(0, CHUNK, step=16)
        def _(k):
            iv = idx_v[it, pl.ds(k, 16)]
            plsc.addupdate_scatter(acc_v, [iv], ones16)

    pltpu.sync_copy(acc_v, out_hbm.at[w])


@functools.partial(
    pl.kernel,
    out_type=jax.ShapeDtypeStruct((2, ACC, D), jnp.float32),
    mesh=_mesh,
    scratch_types=[
        pltpu.VMEM((BLK, CHUNK), jnp.int32),
        pltpu.VMEM((BLK, CHUNK), jnp.int32),
        pltpu.VMEM((CHUNK, D), jnp.float32),
        pltpu.VMEM((CHUNK, D), jnp.float32),
        pltpu.VMEM_SHARED((ACC, D), jnp.float32),
        pltpu.SemaphoreType.DMA,
        pltpu.SemaphoreType.DMA,
        pltpu.SemaphoreType.DMA,
        pltpu.SemaphoreType.DMA,
    ],
    compiler_params=_sc_params,
)
def _sc_mp(h_hbm, rowg_hbm, cols_hbm, out_hbm,
           ridx, cidx, buf0, buf1, acc_sh, gs0, gs1, ss0, ss1):
    c = lax.axis_index("c")
    s = lax.axis_index("s")
    w = c * 16 + s
    zero16 = jnp.zeros((16,), jnp.float32)
    bufs = [buf0, buf1]
    gsems = [gs0, gs1]
    ssems = [ss0, ss1]

    @pl.loop(0, CHUNK)
    def _(r):
        @pl.loop(0, D, step=16)
        def _(l):
            buf0[r, pl.ds(l, 16)] = zero16

    @pl.loop(0, SEG, step=CHUNK)
    def _(i):
        pltpu.sync_copy(buf0, acc_sh.at[pl.ds(s * SEG + i, CHUNK)])

    plsc.subcore_barrier()

    def _process(grp):
      @pl.loop(0, CH_PER_TILE // BLK)
      def _(blk):
        pltpu.sync_copy(rowg_hbm.at[grp, pl.ds(blk * BLK, BLK)], ridx)
        pltpu.sync_copy(cols_hbm.at[grp, pl.ds(blk * BLK, BLK)], cidx)
        pltpu.async_copy(h_hbm.at[ridx.at[0]], buf0, gs0)

        @pl.loop(0, BLK, step=2)
        def _(it):
            for b in range(2):
                k = it + b
                pltpu.make_async_copy(h_hbm.at[ridx.at[k]], bufs[b],
                                      gsems[b]).wait()
                pltpu.async_copy(bufs[b], acc_sh.at[cidx.at[k]], ssems[b],
                                 add=True)
                b1 = 1 - b

                @pl.when(k + 1 < BLK)
                def _():
                    @pl.when(k >= 1)
                    def _():
                        pltpu.make_async_copy(bufs[b1], acc_sh.at[cidx.at[k]],
                                              ssems[b1]).wait()

                    pltpu.async_copy(h_hbm.at[ridx.at[k + 1]], bufs[b1],
                                     gsems[b1])

        for b in range(2):
            pltpu.make_async_copy(bufs[b], acc_sh.at[cidx.at[0]],
                                  ssems[b]).wait()

    _process(w)

    plsc.subcore_barrier()
    pltpu.sync_copy(acc_sh.at[pl.ds(s * SEG, SEG)],
                    out_hbm.at[c, pl.ds(s * SEG, SEG)])



def _tc1_body(cnt_ref, x_ref, w1_ref, dis_ref, h_ref):
    cnt = cnt_ref[...]
    ones = jnp.ones((NW, 1), jnp.float32)
    deg = lax.dot_general(cnt, ones, (((0,), (0,)), ((), ())))
    dis = lax.rsqrt(deg + 1.0)
    dis_ref[...] = dis
    h = lax.dot_general(x_ref[...], w1_ref[...], (((1,), (1,)), ((), ())))
    h_ref[...] = h * dis[:N]


_tc1 = pl.pallas_call(
    _tc1_body,
    out_shape=(jax.ShapeDtypeStruct((ACC, 1), jnp.float32),
               jax.ShapeDtypeStruct((N, D), jnp.float32)),
)


def _tc2_body(part_ref, dis_ref, g_ref, b_ref, w_ref, out_ref):
    dis = dis_ref[...][:N]
    sarr = (part_ref[0, :N, :] + part_ref[1, :N, :]) * dis
    m = jnp.mean(sarr, axis=0, keepdims=True)
    d = sarr - m
    v = jnp.mean(d * d, axis=0, keepdims=True)
    h = d * lax.rsqrt(v + EPS) * g_ref[...] + b_ref[...]
    h = jnp.maximum(h, 0.0)
    out_ref[...] = lax.dot_general(
        h, w_ref[...], (((1,), (1,)), ((), ()))) * dis


_tc2 = pl.pallas_call(
    _tc2_body,
    out_shape=jax.ShapeDtypeStruct((N, D), jnp.float32),
)


def _tc3_body(part_ref, dis_ref, bat_ref, fw1_ref, fb1_ref, fw2_ref, fb2_ref,
              out_ref):
    dis = dis_ref[...][:N]
    h = (part_ref[0, :N, :] + part_ref[1, :N, :]) * dis
    gid = lax.broadcasted_iota(jnp.int32, (G, N), 0)
    oh = (gid == bat_ref[...]).astype(jnp.float32)
    pooled = lax.dot_general(oh, h, (((1,), (0,)), ((), ())))
    cnt = jnp.sum(oh, axis=1, keepdims=True)
    xg = pooled / jnp.maximum(cnt, 1.0)
    a = lax.dot_general(xg, fw1_ref[...], (((1,), (1,)), ((), ()))) + fb1_ref[...]
    a = jnp.maximum(a, 0.0)
    z = lax.dot_general(a, fw2_ref[...], (((1,), (1,)), ((), ()))) + fb2_ref[...]
    zmax = jnp.max(z, axis=1, keepdims=True)
    lse = zmax + jnp.log(jnp.sum(jnp.exp(z - zmax), axis=1, keepdims=True))
    out_ref[...] = z - lse


_tc3 = pl.pallas_call(
    _tc3_body,
    out_shape=jax.ShapeDtypeStruct((G, C), jnp.float32),
)



def kernel(x, edge_index, batch, W1, W2, W3, g1, beta1, g2, beta2,
           fW1, fb1, fW2, fb2):
    row = edge_index[0].astype(jnp.int32)
    col = edge_index[1].astype(jnp.int32)
    npad = E_PAD - E
    rowg = jnp.concatenate([row, jnp.zeros((npad,), jnp.int32)])
    rowc = jnp.concatenate([row, jnp.full((npad,), N, jnp.int32)])
    cols = jnp.concatenate([col, jnp.full((npad,), N, jnp.int32)])
    rowg = rowg.reshape(NW, CH_PER_TILE, CHUNK)
    rowc = rowc.reshape(NW, CH_PER_TILE, CHUNK)
    cols = cols.reshape(NW, CH_PER_TILE, CHUNK)
    bat = batch.astype(jnp.int32).reshape(1, N)

    cnt = _sc_count(rowc)
    dis, h1 = _tc1(cnt, x, W1)
    p1 = _sc_mp(h1, rowg, cols)
    h2 = _tc2(p1, dis, g1.reshape(1, D), beta1.reshape(1, D), W2)
    p2 = _sc_mp(h2, rowg, cols)
    h3 = _tc2(p2, dis, g2.reshape(1, D), beta2.reshape(1, D), W3)
    p3 = _sc_mp(h3, rowg, cols)
    return _tc3(p3, dis, bat, fW1, fb1.reshape(1, D), fW2, fb2.reshape(1, C))

# --- scband reference (transcript-rebuilt; emitter-appended) ---
"""Pipeline reference for scband-gcn-88502096101881 (READ-ONLY COPY).

The authoritative reference and input builder live on the scoring server;
editing this copy changes nothing except your own understanding.
"""

import jax, jax.numpy as jnp
import numpy as np

N_NODES = 10000
N_EDGES = 320000
D_FEAT = 128
HIDDEN = 128
NUM_CLASSES = 40
NUM_GRAPHS = 256
EPS = 1e-5


def setup_inputs(seed: int = 0) -> dict:
    key = jax.random.key(seed)
    ks = jax.random.split(key, 16)
    x = jax.random.normal(ks[0], (N_NODES, D_FEAT), dtype=jnp.float32)
    edge_index = jax.random.randint(ks[1], (2, N_EDGES), 0, N_NODES, dtype=jnp.int64)
    batch = jnp.sort(jax.random.randint(ks[2], (N_NODES,), 0, NUM_GRAPHS, dtype=jnp.int64))
    def xavier(k, shape, gain=np.sqrt(2.0)):
        fan_in, fan_out = shape[1], shape[0]
        a = gain * np.sqrt(6.0 / (fan_in + fan_out))
        return jax.random.uniform(k, shape, dtype=jnp.float32, minval=-a, maxval=a)
    W1 = xavier(ks[3], (HIDDEN, D_FEAT))
    W2 = xavier(ks[4], (HIDDEN, HIDDEN))
    W3 = xavier(ks[5], (HIDDEN, HIDDEN))
    g1 = jnp.ones((HIDDEN,), jnp.float32)
    beta1 = jnp.zeros((HIDDEN,), jnp.float32)
    g2 = jnp.ones((HIDDEN,), jnp.float32)
    beta2 = jnp.zeros((HIDDEN,), jnp.float32)
    fW1 = xavier(ks[6], (HIDDEN, HIDDEN))
    fb1 = jnp.zeros((HIDDEN,), jnp.float32)
    fW2 = xavier(ks[7], (NUM_CLASSES, HIDDEN))
    fb2 = jnp.zeros((NUM_CLASSES,), jnp.float32)
    return {"x": x, "edge_index": edge_index, "batch": batch,
            "W1": W1, "W2": W2, "W3": W3,
            "g1": g1, "beta1": beta1, "g2": g2, "beta2": beta2,
            "fW1": fW1, "fb1": fb1, "fW2": fW2, "fb2": fb2}


def gcn_conv(x, W, edge_index):
    x = x @ W.T
    row, col = edge_index[0], edge_index[1]
    n = x.shape[0]
    deg = jnp.zeros((n,), x.dtype).at[row].add(1.0) + 1.0
    dis = deg ** -0.5
    norm = dis[row] * dis[col]
    msg = norm[:, None] * x[row]
    return jax.ops.segment_sum(msg, col, num_segments=n)


def batch_norm(x, gamma, beta):
    mean = jnp.mean(x, axis=0)
    var = jnp.var(x, axis=0)
    return (x - mean) / jnp.sqrt(var + EPS) * gamma + beta


def global_mean_pool(x, batch, num_graphs):
    s = jax.ops.segment_sum(x, batch, num_segments=num_graphs)
    cnt = jax.ops.segment_sum(jnp.ones((x.shape[0],), x.dtype), batch, num_segments=num_graphs)
    cnt = jnp.maximum(cnt, 1.0)
    return s / cnt[:, None]


def reference(x, edge_index, batch, W1, W2, W3, g1, beta1, g2, beta2, fW1, fb1, fW2, fb2):
    # layer 1
    h = gcn_conv(x, W1, edge_index)
    h = batch_norm(h, g1, beta1)
    h = jax.nn.relu(h)
    # dropout is identity in eval mode
    # layer 2
    h = gcn_conv(h, W2, edge_index)
    h = batch_norm(h, g2, beta2)
    h = jax.nn.relu(h)
    # final conv layer (no bn/relu)
    h = gcn_conv(h, W3, edge_index)
    # readout
    xg = global_mean_pool(h, batch, NUM_GRAPHS)
    xg = jax.nn.relu(xg @ fW1.T + fb1)
    xg = xg @ fW2.T + fb2
    return jax.nn.log_softmax(xg, axis=-1)

if __name__ == "__main__":
    import jax
    _d = setup_inputs()
    print(jax.jit(kernel)(*tuple(_d.values())))

</pallas_src>

<mosaic_0001>
#map = affine_map<(d0, d1) -> (0, 0, 0)>
#map1 = affine_map<(d0, d1) -> (0, 0)>
module attributes {stable_mosaic.version = 14 : i64} {
  func.func @_sc_count(%arg0: i32, %arg1: i32, %arg2: memref<32x80x128xi32, #tpu.memory_space<hbm>>, %arg3: memref<32x10240xf32, #tpu.memory_space<hbm>>, %arg4: memref<80x128xi32, #tpu.memory_space<vmem>>, %arg5: memref<10240xf32, #tpu.memory_space<vmem>>) attributes {dimension_semantics = [#tpu.dimension_semantics<core_parallel>, #tpu.dimension_semantics<subcore_parallel>], iteration_bounds = array<i64: 2, 16>, scalar_prefetch = 0 : i64, scratch_operands = 2 : i64, tpu.core_type = #tpu.core_type<sc_vector_subcore>, window_params = [{transform_indices = #map}, {transform_indices = #map1}]} {
    %mul3A = arith.constant 16 : i32
    %mul3A_0 = arith.muli %arg0, %mul3A : i32
    %add3A = arith.addi %mul3A_0, %arg1 : i32
    %broadcast_in_dim3A = arith.constant 0.000000e+00 : f32
    %broadcast_in_dim3A_1 = vector.broadcast %broadcast_in_dim3A : f32 to vector<16xf32>
    %broadcast_in_dim3A_2 = arith.constant 1.000000e+00 : f32
    %broadcast_in_dim3A_3 = vector.broadcast %broadcast_in_dim3A_2 : f32 to vector<16xf32>
    "tpu.region"() ({
      %run_scoped3A = tpu.sem_alloc : memref<!tpu.dma_semaphore, #tpu.memory_space<semaphore_mem>>
      %dma_start3A = arith.constant 0 : i32
      %dma_start3A_13 = arith.constant 0 : i32
      %dma_start3A_14 = tpu.memref_slice %arg2[%add3A, %dma_start3A, %dma_start3A_13] : memref<32x80x128xi32, #tpu.memory_space<hbm>> -> memref<1x80x128xi32, #tpu.memory_space<hbm>>
      %dma_start3A_15 = tpu.memref_squeeze %dma_start3A_14 : memref<1x80x128xi32, #tpu.memory_space<hbm>> -> memref<80x128xi32, #tpu.memory_space<hbm>>
      %dma_start3A_16 = arith.constant 0 : i32
      %dma_start3A_17 = arith.constant 0 : i32
      %dma_start3A_18 = tpu.memref_slice %arg2[%add3A, %dma_start3A_16, %dma_start3A_17] : memref<32x80x128xi32, #tpu.memory_space<hbm>> -> memref<1x80x128xi32, #tpu.memory_space<hbm>>
      %dma_start3A_19 = tpu.memref_squeeze %dma_start3A_18 : memref<1x80x128xi32, #tpu.memory_space<hbm>> -> memref<80x128xi32, #tpu.memory_space<hbm>>
      tpu.enqueue_dma source(%dma_start3A_19 : memref<80x128xi32, #tpu.memory_space<hbm>>) target(%arg4 : memref<80x128xi32, #tpu.memory_space<vmem>>) target_semaphore(%run_scoped3A : memref<!tpu.dma_semaphore, #tpu.memory_space<semaphore_mem>>)
      %dma_wait3A = arith.constant 0 : i32
      %dma_wait3A_20 = arith.constant 0 : i32
      %dma_wait3A_21 = tpu.memref_slice %arg2[%add3A, %dma_wait3A, %dma_wait3A_20] : memref<32x80x128xi32, #tpu.memory_space<hbm>> -> memref<1x80x128xi32, #tpu.memory_space<hbm>>
      %dma_wait3A_22 = tpu.memref_squeeze %dma_wait3A_21 : memref<1x80x128xi32, #tpu.memory_space<hbm>> -> memref<80x128xi32, #tpu.memory_space<hbm>>
      %dma_wait3A_23 = arith.constant 0 : i32
      %dma_wait3A_24 = arith.constant 0 : i32
      %dma_wait3A_25 = tpu.memref_slice %arg2[%add3A, %dma_wait3A_23, %dma_wait3A_24] : memref<32x80x128xi32, #tpu.memory_space<hbm>> -> memref<1x80x128xi32, #tpu.memory_space<hbm>>
      %dma_wait3A_26 = tpu.memref_squeeze %dma_wait3A_25 : memref<1x80x128xi32, #tpu.memory_space<hbm>> -> memref<80x128xi32, #tpu.memory_space<hbm>>
      tpu.wait_dma2 semaphore(%run_scoped3A : memref<!tpu.dma_semaphore, #tpu.memory_space<semaphore_mem>>) src(%dma_wait3A_26 : memref<80x128xi32, #tpu.memory_space<hbm>>) dst(%arg4 : memref<80x128xi32, #tpu.memory_space<vmem>>)
      tpu.yield
    }) : () -> ()
    %scan3A = arith.constant 0 : i32
    %scan3A_4 = arith.constant 640 : i32
    %scan3A_5 = arith.addi %scan3A, %scan3A_4 : i32
    %scan3A_6 = arith.constant 1 : i32
    scf.for %scan3A_13 = %scan3A to %scan3A_5 step %scan3A_6  : i32 {
      %mul3A_14 = arith.constant 16 : i32
      %mul3A_15 = arith.muli %scan3A_13, %mul3A_14 : i32
      %add3A_16 = arith.constant 0 : i32
      %add3A_17 = arith.addi %add3A_16, %mul3A_15 : i32
      %swap3A = arith.index_cast %add3A_17 : i32 to index
      %swap3A_18 = tpu.vector_load %arg5[%swap3A] {strides = array<i32>} : memref<10240xf32, #tpu.memory_space<vmem>>, vector<16xf32>,
      tpu.vector_store %arg5[%swap3A], %broadcast_in_dim3A_1 {strides = array<i32>} : memref<10240xf32, #tpu.memory_space<vmem>>, vector<16xf32>,
    }
    %scan3A_7 = arith.constant 640 : i32
    %scan3A_8 = arith.constant 0 : i32
    %scan3A_9 = arith.constant 80 : i32
    %scan3A_10 = arith.addi %scan3A_8, %scan3A_9 : i32
    %scan3A_11 = arith.constant 1 : i32
    scf.for %scan3A_13 = %scan3A_8 to %scan3A_10 step %scan3A_11  : i32 {
      %mul3A_14 = arith.constant 1 : i32
      %mul3A_15 = arith.muli %scan3A_13, %mul3A_14 : i32
      %add3A_16 = arith.constant 0 : i32
      %add3A_17 = arith.addi %add3A_16, %mul3A_15 : i32
      %scan3A_18 = arith.constant 0 : i32
      %scan3A_19 = arith.constant 8 : i32
      %scan3A_20 = arith.addi %scan3A_18, %scan3A_19 : i32
      %scan3A_21 = arith.constant 1 : i32
      scf.for %scan3A_23 = %scan3A_18 to %scan3A_20 step %scan3A_21  : i32 {
        %mul3A_24 = arith.constant 16 : i32
        %mul3A_25 = arith.muli %scan3A_23, %mul3A_24 : i32
        %add3A_26 = arith.constant 0 : i32
        %add3A_27 = arith.addi %add3A_26, %mul3A_25 : i32
        %get3A = arith.index_cast %add3A_17 : i32 to index
        %get3A_28 = arith.index_cast %add3A_27 : i32 to index
        %get3A_29 = tpu.vector_load %arg4[%get3A, %get3A_28] {strides = array<i32>} : memref<80x128xi32, #tpu.memory_space<vmem>>, vector<16xi32>,
        tpu.vector_store_idx %arg5[%get3A_29], %broadcast_in_dim3A_3 {add = true} : memref<10240xf32, #tpu.memory_space<vmem>>[vector<16xi32>], vector<16xf32>,
      }
      %scan3A_22 = arith.constant 8 : i32
    }
    %scan3A_12 = arith.constant 80 : i32
    "tpu.region"() ({
      %run_scoped3A = tpu.sem_alloc : memref<!tpu.dma_semaphore, #tpu.memory_space<semaphore_mem>>
      %dma_start3A = arith.constant 0 : i32
      %dma_start3A_13 = tpu.memref_slice %arg3[%add3A, %dma_start3A] : memref<32x10240xf32, #tpu.memory_space<hbm>> -> memref<1x10240xf32, #tpu.memory_space<hbm>>
      %dma_start3A_14 = tpu.memref_squeeze %dma_start3A_13 : memref<1x10240xf32, #tpu.memory_space<hbm>> -> memref<10240xf32, #tpu.memory_space<hbm>>
      %dma_start3A_15 = arith.constant 0 : i32
      %dma_start3A_16 = tpu.memref_slice %arg3[%add3A, %dma_start3A_15] : memref<32x10240xf32, #tpu.memory_space<hbm>> -> memref<1x10240xf32, #tpu.memory_space<hbm>>
      %dma_start3A_17 = tpu.memref_squeeze %dma_start3A_16 : memref<1x10240xf32, #tpu.memory_space<hbm>> -> memref<10240xf32, #tpu.memory_space<hbm>>
      tpu.enqueue_dma source(%arg5 : memref<10240xf32, #tpu.memory_space<vmem>>) target(%dma_start3A_17 : memref<10240xf32, #tpu.memory_space<hbm>>) target_semaphore(%run_scoped3A : memref<!tpu.dma_semaphore, #tpu.memory_space<semaphore_mem>>)
      %dma_wait3A = arith.constant 0 : i32
      %dma_wait3A_18 = tpu.memref_slice %arg3[%add3A, %dma_wait3A] : memref<32x10240xf32, #tpu.memory_space<hbm>> -> memref<1x10240xf32, #tpu.memory_space<hbm>>
      %dma_wait3A_19 = tpu.memref_squeeze %dma_wait3A_18 : memref<1x10240xf32, #tpu.memory_space<hbm>> -> memref<10240xf32, #tpu.memory_space<hbm>>
      %dma_wait3A_20 = arith.constant 0 : i32
      %dma_wait3A_21 = tpu.memref_slice %arg3[%add3A, %dma_wait3A_20] : memref<32x10240xf32, #tpu.memory_space<hbm>> -> memref<1x10240xf32, #tpu.memory_space<hbm>>
      %dma_wait3A_22 = tpu.memref_squeeze %dma_wait3A_21 : memref<1x10240xf32, #tpu.memory_space<hbm>> -> memref<10240xf32, #tpu.memory_space<hbm>>
      tpu.wait_dma2 semaphore(%run_scoped3A : memref<!tpu.dma_semaphore, #tpu.memory_space<semaphore_mem>>) src(%arg5 : memref<10240xf32, #tpu.memory_space<vmem>>) dst(%dma_wait3A_22 : memref<10240xf32, #tpu.memory_space<hbm>>)
      tpu.yield
    }) : () -> ()
    return
  }
}

#map = affine_map<(d0, d1) -> (0, 0)>
#map1 = affine_map<(d0, d1) -> (0, 0, 0)>
module attributes {stable_mosaic.version = 14 : i64} {
  func.func @_sc_mp(%arg0: i32, %arg1: i32, %arg2: memref<10000x128xf32, #tpu.memory_space<hbm>>, %arg3: memref<32x80x128xi32, #tpu.memory_space<hbm>>, %arg4: memref<32x80x128xi32, #tpu.memory_space<hbm>>, %arg5: memref<2x10240x128xf32, #tpu.memory_space<hbm>>, %arg6: memref<16x128xi32, #tpu.memory_space<vmem>>, %arg7: memref<16x128xi32, #tpu.memory_space<vmem>>, %arg8: memref<128x128xf32, #tpu.memory_space<vmem>>, %arg9: memref<128x128xf32, #tpu.memory_space<vmem>>, %arg10: memref<10240x128xf32, #tpu.memory_space<vmem_shared>>, %arg11: memref<!tpu.dma_semaphore, #tpu.memory_space<semaphore_mem>>, %arg12: memref<!tpu.dma_semaphore, #tpu.memory_space<semaphore_mem>>, %arg13: memref<!tpu.dma_semaphore, #tpu.memory_space<semaphore_mem>>, %arg14: memref<!tpu.dma_semaphore, #tpu.memory_space<semaphore_mem>>) attributes {dimension_semantics = [#tpu.dimension_semantics<core_parallel>, #tpu.dimension_semantics<subcore_parallel>], iteration_bounds = array<i64: 2, 16>, scalar_prefetch = 0 : i64, scratch_operands = 9 : i64, tpu.core_type = #tpu.core_type<sc_vector_subcore>, window_params = [{transform_indices = #map}, {transform_indices = #map1}, {transform_indices = #map1}, {transform_indices = #map1}]} {
    %mul3A = arith.constant 16 : i32
    %mul3A_0 = arith.muli %arg0, %mul3A : i32
    %add3A = arith.addi %mul3A_0, %arg1 : i32
    %broadcast_in_dim3A = arith.constant 0.000000e+00 : f32
    %broadcast_in_dim3A_1 = vector.broadcast %broadcast_in_dim3A : f32 to vector<16xf32>
    %scan3A = arith.constant 0 : i32
    %scan3A_2 = arith.constant 128 : i32
    %scan3A_3 = arith.addi %scan3A, %scan3A_2 : i32
    %scan3A_4 = arith.constant 1 : i32
    scf.for %scan3A_21 = %scan3A to %scan3A_3 step %scan3A_4  : i32 {
      %mul3A_22 = arith.constant 1 : i32
      %mul3A_23 = arith.muli %scan3A_21, %mul3A_22 : i32
      %add3A_24 = arith.constant 0 : i32
      %add3A_25 = arith.addi %add3A_24, %mul3A_23 : i32
      %scan3A_26 = arith.constant 0 : i32
      %scan3A_27 = arith.constant 8 : i32
      %scan3A_28 = arith.addi %scan3A_26, %scan3A_27 : i32
      %scan3A_29 = arith.constant 1 : i32
      scf.for %scan3A_31 = %scan3A_26 to %scan3A_28 step %scan3A_29  : i32 {
        %mul3A_32 = arith.constant 16 : i32
        %mul3A_33 = arith.muli %scan3A_31, %mul3A_32 : i32
        %add3A_34 = arith.constant 0 : i32
        %add3A_35 = arith.addi %add3A_34, %mul3A_33 : i32
        %swap3A = arith.index_cast %add3A_25 : i32 to index
        %swap3A_36 = arith.index_cast %add3A_35 : i32 to index
        %swap3A_37 = tpu.vector_load %arg8[%swap3A, %swap3A_36] {strides = array<i32>} : memref<128x128xf32, #tpu.memory_space<vmem>>, vector<16xf32>,
        tpu.vector_store %arg8[%swap3A, %swap3A_36], %broadcast_in_dim3A_1 {strides = array<i32>} : memref<128x128xf32, #tpu.memory_space<vmem>>, vector<16xf32>,
      }
      %scan3A_30 = arith.constant 8 : i32
    }
    %scan3A_5 = arith.constant 128 : i32
    %scan3A_6 = arith.constant 0 : i32
    %scan3A_7 = arith.constant 5 : i32
    %scan3A_8 = arith.addi %scan3A_6, %scan3A_7 : i32
    %scan3A_9 = arith.constant 1 : i32
    scf.for %scan3A_21 = %scan3A_6 to %scan3A_8 step %scan3A_9  : i32 {
      %mul3A_22 = arith.constant 128 : i32
      %mul3A_23 = arith.muli %scan3A_21, %mul3A_22 : i32
      %add3A_24 = arith.constant 0 : i32
      %add3A_25 = arith.addi %add3A_24, %mul3A_23 : i32
      %mul3A_26 = arith.constant 640 : i32
      %mul3A_27 = arith.muli %arg1, %mul3A_26 : i32
      %add3A_28 = arith.addi %mul3A_27, %add3A_25 : i32
      "tpu.region"() ({
        %run_scoped3A = tpu.sem_alloc : memref<!tpu.dma_semaphore, #tpu.memory_space<semaphore_mem>>
        %dma_start3A = arith.constant 0 : i32
        %dma_start3A_29 = tpu.memref_slice %arg10[%add3A_28, %dma_start3A] : memref<10240x128xf32, #tpu.memory_space<vmem_shared>> -> memref<128x128xf32, #tpu.memory_space<vmem_shared>>
        %dma_start3A_30 = arith.constant 0 : i32
        %dma_start3A_31 = tpu.memref_slice %arg10[%add3A_28, %dma_start3A_30] : memref<10240x128xf32, #tpu.memory_space<vmem_shared>> -> memref<128x128xf32, #tpu.memory_space<vmem_shared>>
        tpu.enqueue_dma source(%arg8 : memref<128x128xf32, #tpu.memory_space<vmem>>) target(%dma_start3A_31 : memref<128x128xf32, #tpu.memory_space<vmem_shared>>) target_semaphore(%run_scoped3A : memref<!tpu.dma_semaphore, #tpu.memory_space<semaphore_mem>>)
        %dma_wait3A = arith.constant 0 : i32
        %dma_wait3A_32 = tpu.memref_slice %arg10[%add3A_28, %dma_wait3A] : memref<10240x128xf32, #tpu.memory_space<vmem_shared>> -> memref<128x128xf32, #tpu.memory_space<vmem_shared>>
        %dma_wait3A_33 = arith.constant 0 : i32
        %dma_wait3A_34 = tpu.memref_slice %arg10[%add3A_28, %dma_wait3A_33] : memref<10240x128xf32, #tpu.memory_space<vmem_shared>> -> memref<128x128xf32, #tpu.memory_space<vmem_shared>>
        tpu.wait_dma2 semaphore(%run_scoped3A : memref<!tpu.dma_semaphore, #tpu.memory_space<semaphore_mem>>) src(%arg8 : memref<128x128xf32, #tpu.memory_space<vmem>>) dst(%dma_wait3A_34 : memref<128x128xf32, #tpu.memory_space<vmem_shared>>)
        tpu.yield
      }) : () -> ()
    }
    %scan3A_10 = arith.constant 5 : i32
    %barrier3A = arith.constant 0 : index
    tpu.barrier barrier_id(%barrier3A)
    %scan3A_11 = arith.constant 0 : i32
    %scan3A_12 = arith.constant 5 : i32
    %scan3A_13 = arith.addi %scan3A_11, %scan3A_12 : i32
    %scan3A_14 = arith.constant 1 : i32
    scf.for %scan3A_21 = %scan3A_11 to %scan3A_13 step %scan3A_14  : i32 {
      %mul3A_22 = arith.constant 1 : i32
      %mul3A_23 = arith.muli %scan3A_21, %mul3A_22 : i32
      %add3A_24 = arith.constant 0 : i32
      %add3A_25 = arith.addi %add3A_24, %mul3A_23 : i32
      %mul3A_26 = arith.constant 16 : i32
      %mul3A_27 = arith.muli %add3A_25, %mul3A_26 : i32
      "tpu.region"() ({
        %run_scoped3A = tpu.sem_alloc : memref<!tpu.dma_semaphore, #tpu.memory_space<semaphore_mem>>
        %dma_start3A_54 = arith.constant 0 : i32
        %dma_start3A_55 = tpu.memref_slice %arg3[%add3A, %mul3A_27, %dma_start3A_54] : memref<32x80x128xi32, #tpu.memory_space<hbm>> -> memref<1x16x128xi32, #tpu.memory_space<hbm>>
        %dma_start3A_56 = tpu.memref_squeeze %dma_start3A_55 : memref<1x16x128xi32, #tpu.memory_space<hbm>> -> memref<16x128xi32, #tpu.memory_space<hbm>>
        %dma_start3A_57 = arith.constant 0 : i32
        %dma_start3A_58 = tpu.memref_slice %arg3[%add3A, %mul3A_27, %dma_start3A_57] : memref<32x80x128xi32, #tpu.memory_space<hbm>> -> memref<1x16x128xi32, #tpu.memory_space<hbm>>
        %dma_start3A_59 = tpu.memref_squeeze %dma_start3A_58 : memref<1x16x128xi32, #tpu.memory_space<hbm>> -> memref<16x128xi32, #tpu.memory_space<hbm>>
        tpu.enqueue_dma source(%dma_start3A_59 : memref<16x128xi32, #tpu.memory_space<hbm>>) target(%arg6 : memref<16x128xi32, #tpu.memory_space<vmem>>) target_semaphore(%run_scoped3A : memref<!tpu.dma_semaphore, #tpu.memory_space<semaphore_mem>>)
        %dma_wait3A_60 = arith.constant 0 : i32
        %dma_wait3A_61 = tpu.memref_slice %arg3[%add3A, %mul3A_27, %dma_wait3A_60] : memref<32x80x128xi32, #tpu.memory_space<hbm>> -> memref<1x16x128xi32, #tpu.memory_space<hbm>>
        %dma_wait3A_62 = tpu.memref_squeeze %dma_wait3A_61 : memref<1x16x128xi32, #tpu.memory_space<hbm>> -> memref<16x128xi32, #tpu.memory_space<hbm>>
        %dma_wait3A_63 = arith.constant 0 : i32
        %dma_wait3A_64 = tpu.memref_slice %arg3[%add3A, %mul3A_27, %dma_wait3A_63] : memref<32x80x128xi32, #tpu.memory_space<hbm>> -> memref<1x16x128xi32, #tpu.memory_space<hbm>>
        %dma_wait3A_65 = tpu.memref_squeeze %dma_wait3A_64 : memref<1x16x128xi32, #tpu.memory_space<hbm>> -> memref<16x128xi32, #tpu.memory_space<hbm>>
        tpu.wait_dma2 semaphore(%run_scoped3A : memref<!tpu.dma_semaphore, #tpu.memory_space<semaphore_mem>>) src(%dma_wait3A_65 : memref<16x128xi32, #tpu.memory_space<hbm>>) dst(%arg6 : memref<16x128xi32, #tpu.memory_space<vmem>>)
        tpu.yield
      }) : () -> ()
      %mul3A_28 = arith.constant 16 : i32
      %mul3A_29 = arith.muli %add3A_25, %mul3A_28 : i32
      "tpu.region"() ({
        %run_scoped3A = tpu.sem_alloc : memref<!tpu.dma_semaphore, #tpu.memory_space<semaphore_mem>>
        %dma_start3A_54 = arith.constant 0 : i32
        %dma_start3A_55 = tpu.memref_slice %arg4[%add3A, %mul3A_29, %dma_start3A_54] : memref<32x80x128xi32, #tpu.memory_space<hbm>> -> memref<1x16x128xi32, #tpu.memory_space<hbm>>
        %dma_start3A_56 = tpu.memref_squeeze %dma_start3A_55 : memref<1x16x128xi32, #tpu.memory_space<hbm>> -> memref<16x128xi32, #tpu.memory_space<hbm>>
        %dma_start3A_57 = arith.constant 0 : i32
        %dma_start3A_58 = tpu.memref_slice %arg4[%add3A, %mul3A_29, %dma_start3A_57] : memref<32x80x128xi32, #tpu.memory_space<hbm>> -> memref<1x16x128xi32, #tpu.memory_space<hbm>>
        %dma_start3A_59 = tpu.memref_squeeze %dma_start3A_58 : memref<1x16x128xi32, #tpu.memory_space<hbm>> -> memref<16x128xi32, #tpu.memory_space<hbm>>
        tpu.enqueue_dma source(%dma_start3A_59 : memref<16x128xi32, #tpu.memory_space<hbm>>) target(%arg7 : memref<16x128xi32, #tpu.memory_space<vmem>>) target_semaphore(%run_scoped3A : memref<!tpu.dma_semaphore, #tpu.memory_space<semaphore_mem>>)
        %dma_wait3A_60 = arith.constant 0 : i32
        %dma_wait3A_61 = tpu.memref_slice %arg4[%add3A, %mul3A_29, %dma_wait3A_60] : memref<32x80x128xi32, #tpu.memory_space<hbm>> -> memref<1x16x128xi32, #tpu.memory_space<hbm>>
        %dma_wait3A_62 = tpu.memref_squeeze %dma_wait3A_61 : memref<1x16x128xi32, #tpu.memory_space<hbm>> -> memref<16x128xi32, #tpu.memory_space<hbm>>
        %dma_wait3A_63 = arith.constant 0 : i32
        %dma_wait3A_64 = tpu.memref_slice %arg4[%add3A, %mul3A_29, %dma_wait3A_63] : memref<32x80x128xi32, #tpu.memory_space<hbm>> -> memref<1x16x128xi32, #tpu.memory_space<hbm>>
        %dma_wait3A_65 = tpu.memref_squeeze %dma_wait3A_64 : memref<1x16x128xi32, #tpu.memory_space<hbm>> -> memref<16x128xi32, #tpu.memory_space<hbm>>
        tpu.wait_dma2 semaphore(%run_scoped3A : memref<!tpu.dma_semaphore, #tpu.memory_space<semaphore_mem>>) src(%dma_wait3A_65 : memref<16x128xi32, #tpu.memory_space<hbm>>) dst(%arg7 : memref<16x128xi32, #tpu.memory_space<vmem>>)
        tpu.yield
      }) : () -> ()
      %dma_start3A = arith.constant 0 : i32
      %dma_start3A_30 = arith.constant 0 : i32
      %dma_start3A_31 = tpu.memref_slice %arg6[%dma_start3A, %dma_start3A_30] : memref<16x128xi32, #tpu.memory_space<vmem>> -> memref<1x128xi32, #tpu.memory_space<vmem>>
      %dma_start3A_32 = tpu.memref_squeeze %dma_start3A_31 : memref<1x128xi32, #tpu.memory_space<vmem>> -> memref<128xi32, #tpu.memory_space<vmem>>
      %dma_start3A_33 = arith.constant 0 : i32
      %dma_start3A_34 = arith.constant 0 : i32
      %dma_start3A_35 = tpu.memref_slice %arg2[%dma_start3A_33, %dma_start3A_34] : memref<10000x128xf32, #tpu.memory_space<hbm>> -> memref<10000x128xf32, #tpu.memory_space<hbm>>
      tpu.enqueue_indirect_dma source(%dma_start3A_35 : memref<10000x128xf32, #tpu.memory_space<hbm>>) target(%arg8 : memref<128x128xf32, #tpu.memory_space<vmem>>) offsets(%dma_start3A_32 : memref<128xi32, #tpu.memory_space<vmem>>) semaphore(%arg11 : memref<!tpu.dma_semaphore, #tpu.memory_space<semaphore_mem>>)
      %scan3A_36 = arith.constant 0 : i32
      %scan3A_37 = arith.constant 8 : i32
      %scan3A_38 = arith.addi %scan3A_36, %scan3A_37 : i32
      %scan3A_39 = arith.constant 1 : i32
      scf.for %scan3A_54 = %scan3A_36 to %scan3A_38 step %scan3A_39  : i32 {
        %mul3A_55 = arith.constant 2 : i32
        %mul3A_56 = arith.muli %scan3A_54, %mul3A_55 : i32
        %add3A_57 = arith.constant 0 : i32
        %add3A_58 = arith.addi %add3A_57, %mul3A_56 : i32
        %add3A_59 = arith.constant 0 : i32
        %add3A_60 = arith.addi %add3A_58, %add3A_59 : i32
        %dma_wait3A_61 = arith.constant 0 : i32
        %dma_wait3A_62 = tpu.memref_slice %arg6[%add3A_60, %dma_wait3A_61] : memref<16x128xi32, #tpu.memory_space<vmem>> -> memref<1x128xi32, #tpu.memory_space<vmem>>
        %dma_wait3A_63 = tpu.memref_squeeze %dma_wait3A_62 : memref<1x128xi32, #tpu.memory_space<vmem>> -> memref<128xi32, #tpu.memory_space<vmem>>
        %dma_wait3A_64 = arith.constant 0 : i32
        %dma_wait3A_65 = arith.constant 0 : i32
        %dma_wait3A_66 = tpu.memref_slice %arg2[%dma_wait3A_64, %dma_wait3A_65] : memref<10000x128xf32, #tpu.memory_space<hbm>> -> memref<10000x128xf32, #tpu.memory_space<hbm>>
        tpu.wait_indirect_dma semaphore(%arg11 : memref<!tpu.dma_semaphore, #tpu.memory_space<semaphore_mem>>) src(%dma_wait3A_66 : memref<10000x128xf32, #tpu.memory_space<hbm>>) dst(%arg8 : memref<128x128xf32, #tpu.memory_space<vmem>>)
        %dma_start3A_67 = arith.constant 0 : i32
        %dma_start3A_68 = tpu.memref_slice %arg7[%add3A_60, %dma_start3A_67] : memref<16x128xi32, #tpu.memory_space<vmem>> -> memref<1x128xi32, #tpu.memory_space<vmem>>
        %dma_start3A_69 = tpu.memref_squeeze %dma_start3A_68 : memref<1x128xi32, #tpu.memory_space<vmem>> -> memref<128xi32, #tpu.memory_space<vmem>>
        %dma_start3A_70 = arith.constant 0 : i32
        %dma_start3A_71 = arith.constant 0 : i32
        %dma_start3A_72 = tpu.memref_slice %arg10[%dma_start3A_70, %dma_start3A_71] : memref<10240x128xf32, #tpu.memory_space<vmem_shared>> -> memref<10240x128xf32, #tpu.memory_space<vmem_shared>>
        tpu.enqueue_indirect_dma source(%arg8 : memref<128x128xf32, #tpu.memory_space<vmem>>) target(%dma_start3A_72 : memref<10240x128xf32, #tpu.memory_space<vmem_shared>>) offsets(%dma_start3A_69 : memref<128xi32, #tpu.memory_space<vmem>>) semaphore(%arg13 : memref<!tpu.dma_semaphore, #tpu.memory_space<semaphore_mem>>) {add = true}
        %add3A_73 = arith.constant 1 : i32
        %add3A_74 = arith.addi %add3A_60, %add3A_73 : i32
        %lt3A = arith.constant 16 : i32
        %lt3A_75 = arith.cmpi slt, %add3A_74, %lt3A : i32
        %convert_element_type3A = arith.extui %lt3A_75 : i1 to i32
        %cond3A = arith.constant 0 : i32
        %cond3A_76 = arith.cmpi ne, %convert_element_type3A, %cond3A : i32
        scf.if %cond3A_76 {
          %ge3A = arith.constant 1 : i32
          %ge3A_98 = arith.cmpi sge, %add3A_60, %ge3A : i32
          %convert_element_type3A_99 = arith.extui %ge3A_98 : i1 to i32
          %cond3A_100 = arith.constant 0 : i32
          %cond3A_101 = arith.cmpi ne, %convert_element_type3A_99, %cond3A_100 : i32
          scf.if %cond3A_101 {
            %dma_wait3A_110 = arith.constant 0 : i32
            %dma_wait3A_111 = tpu.memref_slice %arg7[%add3A_60, %dma_wait3A_110] : memref<16x128xi32, #tpu.memory_space<vmem>> -> memref<1x128xi32, #tpu.memory_space<vmem>>
            %dma_wait3A_112 = tpu.memref_squeeze %dma_wait3A_111 : memref<1x128xi32, #tpu.memory_space<vmem>> -> memref<128xi32, #tpu.memory_space<vmem>>
            %dma_wait3A_113 = arith.constant 0 : i32
            %dma_wait3A_114 = arith.constant 0 : i32
            %dma_wait3A_115 = tpu.memref_slice %arg10[%dma_wait3A_113, %dma_wait3A_114] : memref<10240x128xf32, #tpu.memory_space<vmem_shared>> -> memref<10240x128xf32, #tpu.memory_space<vmem_shared>>
            tpu.wait_indirect_dma semaphore(%arg14 : memref<!tpu.dma_semaphore, #tpu.memory_space<semaphore_mem>>) src(%arg9 : memref<128x128xf32, #tpu.memory_space<vmem>>) dst(%dma_wait3A_115 : memref<10240x128xf32, #tpu.memory_space<vmem_shared>>)
          } else {
          }
          %add3A_102 = arith.constant 1 : i32
          %add3A_103 = arith.addi %add3A_60, %add3A_102 : i32
          %dma_start3A_104 = arith.constant 0 : i32
          %dma_start3A_105 = tpu.memref_slice %arg6[%add3A_103, %dma_start3A_104] : memref<16x128xi32, #tpu.memory_space<vmem>> -> memref<1x128xi32, #tpu.memory_space<vmem>>
          %dma_start3A_106 = tpu.memref_squeeze %dma_start3A_105 : memref<1x128xi32, #tpu.memory_space<vmem>> -> memref<128xi32, #tpu.memory_space<vmem>>
          %dma_start3A_107 = arith.constant 0 : i32
          %dma_start3A_108 = arith.constant 0 : i32
          %dma_start3A_109 = tpu.memref_slice %arg2[%dma_start3A_107, %dma_start3A_108] : memref<10000x128xf32, #tpu.memory_space<hbm>> -> memref<10000x128xf32, #tpu.memory_space<hbm>>
          tpu.enqueue_indirect_dma source(%dma_start3A_109 : memref<10000x128xf32, #tpu.memory_space<hbm>>) target(%arg9 : memref<128x128xf32, #tpu.memory_space<vmem>>) offsets(%dma_start3A_106 : memref<128xi32, #tpu.memory_space<vmem>>) semaphore(%arg12 : memref<!tpu.dma_semaphore, #tpu.memory_space<semaphore_mem>>)
        } else {
        }
        %add3A_77 = arith.constant 1 : i32
        %add3A_78 = arith.addi %add3A_58, %add3A_77 : i32
        %dma_wait3A_79 = arith.constant 0 : i32
        %dma_wait3A_80 = tpu.memref_slice %arg6[%add3A_78, %dma_wait3A_79] : memref<16x128xi32, #tpu.memory_space<vmem>> -> memref<1x128xi32, #tpu.memory_space<vmem>>
        %dma_wait3A_81 = tpu.memref_squeeze %dma_wait3A_80 : memref<1x128xi32, #tpu.memory_space<vmem>> -> memref<128xi32, #tpu.memory_space<vmem>>
        %dma_wait3A_82 = arith.constant 0 : i32
        %dma_wait3A_83 = arith.constant 0 : i32
        %dma_wait3A_84 = tpu.memref_slice %arg2[%dma_wait3A_82, %dma_wait3A_83] : memref<10000x128xf32, #tpu.memory_space<hbm>> -> memref<10000x128xf32, #tpu.memory_space<hbm>>
        tpu.wait_indirect_dma semaphore(%arg12 : memref<!tpu.dma_semaphore, #tpu.memory_space<semaphore_mem>>) src(%dma_wait3A_84 : memref<10000x128xf32, #tpu.memory_space<hbm>>) dst(%arg9 : memref<128x128xf32, #tpu.memory_space<vmem>>)
        %dma_start3A_85 = arith.constant 0 : i32
        %dma_start3A_86 = tpu.memref_slice %arg7[%add3A_78, %dma_start3A_85] : memref<16x128xi32, #tpu.memory_space<vmem>> -> memref<1x128xi32, #tpu.memory_space<vmem>>
        %dma_start3A_87 = tpu.memref_squeeze %dma_start3A_86 : memref<1x128xi32, #tpu.memory_space<vmem>> -> memref<128xi32, #tpu.memory_space<vmem>>
        %dma_start3A_88 = arith.constant 0 : i32
        %dma_start3A_89 = arith.constant 0 : i32
        %dma_start3A_90 = tpu.memref_slice %arg10[%dma_start3A_88, %dma_start3A_89] : memref<10240x128xf32, #tpu.memory_space<vmem_shared>> -> memref<10240x128xf32, #tpu.memory_space<vmem_shared>>
        tpu.enqueue_indirect_dma source(%arg9 : memref<128x128xf32, #tpu.memory_space<vmem>>) target(%dma_start3A_90 : memref<10240x128xf32, #tpu.memory_space<vmem_shared>>) offsets(%dma_start3A_87 : memref<128xi32, #tpu.memory_space<vmem>>) semaphore(%arg14 : memref<!tpu.dma_semaphore, #tpu.memory_space<semaphore_mem>>) {add = true}
        %add3A_91 = arith.constant 1 : i32
        %add3A_92 = arith.addi %add3A_78, %add3A_91 : i32
        %lt3A_93 = arith.constant 16 : i32
        %lt3A_94 = arith.cmpi slt, %add3A_92, %lt3A_93 : i32
        %convert_element_type3A_95 = arith.extui %lt3A_94 : i1 to i32
        %cond3A_96 = arith.constant 0 : i32
        %cond3A_97 = arith.cmpi ne, %convert_element_type3A_95, %cond3A_96 : i32
        scf.if %cond3A_97 {
          %ge3A = arith.constant 1 : i32
          %ge3A_98 = arith.cmpi sge, %add3A_78, %ge3A : i32
          %convert_element_type3A_99 = arith.extui %ge3A_98 : i1 to i32
          %cond3A_100 = arith.constant 0 : i32
          %cond3A_101 = arith.cmpi ne, %convert_element_type3A_99, %cond3A_100 : i32
          scf.if %cond3A_101 {
            %dma_wait3A_110 = arith.constant 0 : i32
            %dma_wait3A_111 = tpu.memref_slice %arg7[%add3A_78, %dma_wait3A_110] : memref<16x128xi32, #tpu.memory_space<vmem>> -> memref<1x128xi32, #tpu.memory_space<vmem>>
            %dma_wait3A_112 = tpu.memref_squeeze %dma_wait3A_111 : memref<1x128xi32, #tpu.memory_space<vmem>> -> memref<128xi32, #tpu.memory_space<vmem>>
            %dma_wait3A_113 = arith.constant 0 : i32
            %dma_wait3A_114 = arith.constant 0 : i32
            %dma_wait3A_115 = tpu.memref_slice %arg10[%dma_wait3A_113, %dma_wait3A_114] : memref<10240x128xf32, #tpu.memory_space<vmem_shared>> -> memref<10240x128xf32, #tpu.memory_space<vmem_shared>>
            tpu.wait_indirect_dma semaphore(%arg13 : memref<!tpu.dma_semaphore, #tpu.memory_space<semaphore_mem>>) src(%arg8 : memref<128x128xf32, #tpu.memory_space<vmem>>) dst(%dma_wait3A_115 : memref<10240x128xf32, #tpu.memory_space<vmem_shared>>)
          } else {
          }
          %add3A_102 = arith.constant 1 : i32
          %add3A_103 = arith.addi %add3A_78, %add3A_102 : i32
          %dma_start3A_104 = arith.constant 0 : i32
          %dma_start3A_105 = tpu.memref_slice %arg6[%add3A_103, %dma_start3A_104] : memref<16x128xi32, #tpu.memory_space<vmem>> -> memref<1x128xi32, #tpu.memory_space<vmem>>
          %dma_start3A_106 = tpu.memref_squeeze %dma_start3A_105 : memref<1x128xi32, #tpu.memory_space<vmem>> -> memref<128xi32, #tpu.memory_space<vmem>>
          %dma_start3A_107 = arith.constant 0 : i32
          %dma_start3A_108 = arith.constant 0 : i32
          %dma_start3A_109 = tpu.memref_slice %arg2[%dma_start3A_107, %dma_start3A_108] : memref<10000x128xf32, #tpu.memory_space<hbm>> -> memref<10000x128xf32, #tpu.memory_space<hbm>>
          tpu.enqueue_indirect_dma source(%dma_start3A_109 : memref<10000x128xf32, #tpu.memory_space<hbm>>) target(%arg8 : memref<128x128xf32, #tpu.memory_space<vmem>>) offsets(%dma_start3A_106 : memref<128xi32, #tpu.memory_space<vmem>>) semaphore(%arg11 : memref<!tpu.dma_semaphore, #tpu.memory_space<semaphore_mem>>)
        } else {
        }
      }
      %scan3A_40 = arith.constant 8 : i32
      %dma_wait3A = arith.constant 0 : i32
      %dma_wait3A_41 = arith.constant 0 : i32
      %dma_wait3A_42 = tpu.memref_slice %arg7[%dma_wait3A, %dma_wait3A_41] : memref<16x128xi32, #tpu.memory_space<vmem>> -> memref<1x128xi32, #tpu.memory_space<vmem>>
      %dma_wait3A_43 = tpu.memref_squeeze %dma_wait3A_42 : memref<1x128xi32, #tpu.memory_space<vmem>> -> memref<128xi32, #tpu.memory_space<vmem>>
      %dma_wait3A_44 = arith.constant 0 : i32
      %dma_wait3A_45 = arith.constant 0 : i32
      %dma_wait3A_46 = tpu.memref_slice %arg10[%dma_wait3A_44, %dma_wait3A_45] : memref<10240x128xf32, #tpu.memory_space<vmem_shared>> -> memref<10240x128xf32, #tpu.memory_space<vmem_shared>>
      tpu.wait_indirect_dma semaphore(%arg13 : memref<!tpu.dma_semaphore, #tpu.memory_space<semaphore_mem>>) src(%arg8 : memref<128x128xf32, #tpu.memory_space<vmem>>) dst(%dma_wait3A_46 : memref<10240x128xf32, #tpu.memory_space<vmem_shared>>)
      %dma_wait3A_47 = arith.constant 0 : i32
      %dma_wait3A_48 = arith.constant 0 : i32
      %dma_wait3A_49 = tpu.memref_slice %arg7[%dma_wait3A_47, %dma_wait3A_48] : memref<16x128xi32, #tpu.memory_space<vmem>> -> memref<1x128xi32, #tpu.memory_space<vmem>>
      %dma_wait3A_50 = tpu.memref_squeeze %dma_wait3A_49 : memref<1x128xi32, #tpu.memory_space<vmem>> -> memref<128xi32, #tpu.memory_space<vmem>>
      %dma_wait3A_51 = arith.constant 0 : i32
      %dma_wait3A_52 = arith.constant 0 : i32
      %dma_wait3A_53 = tpu.memref_slice %arg10[%dma_wait3A_51, %dma_wait3A_52] : memref<10240x128xf32, #tpu.memory_space<vmem_shared>> -> memref<10240x128xf32, #tpu.memory_space<vmem_shared>>
      tpu.wait_indirect_dma semaphore(%arg14 : memref<!tpu.dma_semaphore, #tpu.memory_space<semaphore_mem>>) src(%arg9 : memref<128x128xf32, #tpu.memory_space<vmem>>) dst(%dma_wait3A_53 : memref<10240x128xf32, #tpu.memory_space<vmem_shared>>)
    }
    %scan3A_15 = arith.constant 5 : i32
    %barrier3A_16 = arith.constant 0 : index
    tpu.barrier barrier_id(%barrier3A_16)
    %mul3A_17 = arith.constant 640 : i32
    %mul3A_18 = arith.muli %arg1, %mul3A_17 : i32
    %mul3A_19 = arith.constant 640 : i32
    %mul3A_20 = arith.muli %arg1, %mul3A_19 : i32
    "tpu.region"() ({
      %run_scoped3A = tpu.sem_alloc : memref<!tpu.dma_semaphore, #tpu.memory_space<semaphore_mem>>
      %dma_start3A = arith.constant 0 : i32
      %dma_start3A_21 = tpu.memref_slice %arg5[%arg0, %mul3A_20, %dma_start3A] : memref<2x10240x128xf32, #tpu.memory_space<hbm>> -> memref<1x640x128xf32, #tpu.memory_space<hbm>>
      %dma_start3A_22 = tpu.memref_squeeze %dma_start3A_21 : memref<1x640x128xf32, #tpu.memory_space<hbm>> -> memref<640x128xf32, #tpu.memory_space<hbm>>
      %dma_start3A_23 = arith.constant 0 : i32
      %dma_start3A_24 = tpu.memref_slice %arg10[%mul3A_18, %dma_start3A_23] : memref<10240x128xf32, #tpu.memory_space<vmem_shared>> -> memref<640x128xf32, #tpu.memory_space<vmem_shared>>
      tpu.enqueue_dma source(%dma_start3A_24 : memref<640x128xf32, #tpu.memory_space<vmem_shared>>) target(%dma_start3A_22 : memref<640x128xf32, #tpu.memory_space<hbm>>) target_semaphore(%run_scoped3A : memref<!tpu.dma_semaphore, #tpu.memory_space<semaphore_mem>>)
      %dma_wait3A = arith.constant 0 : i32
      %dma_wait3A_25 = tpu.memref_slice %arg5[%arg0, %mul3A_20, %dma_wait3A] : memref<2x10240x128xf32, #tpu.memory_space<hbm>> -> memref<1x640x128xf32, #tpu.memory_space<hbm>>
      %dma_wait3A_26 = tpu.memref_squeeze %dma_wait3A_25 : memref<1x640x128xf32, #tpu.memory_space<hbm>> -> memref<640x128xf32, #tpu.memory_space<hbm>>
      %dma_wait3A_27 = arith.constant 0 : i32
      %dma_wait3A_28 = tpu.memref_slice %arg10[%mul3A_18, %dma_wait3A_27] : memref<10240x128xf32, #tpu.memory_space<vmem_shared>> -> memref<640x128xf32, #tpu.memory_space<vmem_shared>>
      tpu.wait_dma2 semaphore(%run_scoped3A : memref<!tpu.dma_semaphore, #tpu.memory_space<semaphore_mem>>) src(%dma_wait3A_28 : memref<640x128xf32, #tpu.memory_space<vmem_shared>>) dst(%dma_wait3A_26 : memref<640x128xf32, #tpu.memory_space<hbm>>)
      tpu.yield
    }) : () -> ()
    return
  }
}

#map = affine_map<(d0, d1) -> (0, 0)>
#map1 = affine_map<(d0, d1) -> (0, 0, 0)>
module attributes {stable_mosaic.version = 14 : i64} {
  func.func @_sc_mp(%arg0: i32, %arg1: i32, %arg2: memref<10000x128xf32, #tpu.memory_space<hbm>>, %arg3: memref<32x80x128xi32, #tpu.memory_space<hbm>>, %arg4: memref<32x80x128xi32, #tpu.memory_space<hbm>>, %arg5: memref<2x10240x128xf32, #tpu.memory_space<hbm>>, %arg6: memref<16x128xi32, #tpu.memory_space<vmem>>, %arg7: memref<16x128xi32, #tpu.memory_space<vmem>>, %arg8: memref<128x128xf32, #tpu.memory_space<vmem>>, %arg9: memref<128x128xf32, #tpu.memory_space<vmem>>, %arg10: memref<10240x128xf32, #tpu.memory_space<vmem_shared>>, %arg11: memref<!tpu.dma_semaphore, #tpu.memory_space<semaphore_mem>>, %arg12: memref<!tpu.dma_semaphore, #tpu.memory_space<semaphore_mem>>, %arg13: memref<!tpu.dma_semaphore, #tpu.memory_space<semaphore_mem>>, %arg14: memref<!tpu.dma_semaphore, #tpu.memory_space<semaphore_mem>>) attributes {dimension_semantics = [#tpu.dimension_semantics<core_parallel>, #tpu.dimension_semantics<subcore_parallel>], iteration_bounds = array<i64: 2, 16>, scalar_prefetch = 0 : i64, scratch_operands = 9 : i64, tpu.core_type = #tpu.core_type<sc_vector_subcore>, window_params = [{transform_indices = #map}, {transform_indices = #map1}, {transform_indices = #map1}, {transform_indices = #map1}]} {
    %mul3A = arith.constant 16 : i32
    %mul3A_0 = arith.muli %arg0, %mul3A : i32
    %add3A = arith.addi %mul3A_0, %arg1 : i32
    %broadcast_in_dim3A = arith.constant 0.000000e+00 : f32
    %broadcast_in_dim3A_1 = vector.broadcast %broadcast_in_dim3A : f32 to vector<16xf32>
    %scan3A = arith.constant 0 : i32
    %scan3A_2 = arith.constant 128 : i32
    %scan3A_3 = arith.addi %scan3A, %scan3A_2 : i32
    %scan3A_4 = arith.constant 1 : i32
    scf.for %scan3A_21 = %scan3A to %scan3A_3 step %scan3A_4  : i32 {
      %mul3A_22 = arith.constant 1 : i32
      %mul3A_23 = arith.muli %scan3A_21, %mul3A_22 : i32
      %add3A_24 = arith.constant 0 : i32
      %add3A_25 = arith.addi %add3A_24, %mul3A_23 : i32
      %scan3A_26 = arith.constant 0 : i32
      %scan3A_27 = arith.constant 8 : i32
      %scan3A_28 = arith.addi %scan3A_26, %scan3A_27 : i32
      %scan3A_29 = arith.constant 1 : i32
      scf.for %scan3A_31 = %scan3A_26 to %scan3A_28 step %scan3A_29  : i32 {
        %mul3A_32 = arith.constant 16 : i32
        %mul3A_33 = arith.muli %scan3A_31, %mul3A_32 : i32
        %add3A_34 = arith.constant 0 : i32
        %add3A_35 = arith.addi %add3A_34, %mul3A_33 : i32
        %swap3A = arith.index_cast %add3A_25 : i32 to index
        %swap3A_36 = arith.index_cast %add3A_35 : i32 to index
        %swap3A_37 = tpu.vector_load %arg8[%swap3A, %swap3A_36] {strides = array<i32>} : memref<128x128xf32, #tpu.memory_space<vmem>>, vector<16xf32>,
        tpu.vector_store %arg8[%swap3A, %swap3A_36], %broadcast_in_dim3A_1 {strides = array<i32>} : memref<128x128xf32, #tpu.memory_space<vmem>>, vector<16xf32>,
      }
      %scan3A_30 = arith.constant 8 : i32
    }
    %scan3A_5 = arith.constant 128 : i32
    %scan3A_6 = arith.constant 0 : i32
    %scan3A_7 = arith.constant 5 : i32
    %scan3A_8 = arith.addi %scan3A_6, %scan3A_7 : i32
    %scan3A_9 = arith.constant 1 : i32
    scf.for %scan3A_21 = %scan3A_6 to %scan3A_8 step %scan3A_9  : i32 {
      %mul3A_22 = arith.constant 128 : i32
      %mul3A_23 = arith.muli %scan3A_21, %mul3A_22 : i32
      %add3A_24 = arith.constant 0 : i32
      %add3A_25 = arith.addi %add3A_24, %mul3A_23 : i32
      %mul3A_26 = arith.constant 640 : i32
      %mul3A_27 = arith.muli %arg1, %mul3A_26 : i32
      %add3A_28 = arith.addi %mul3A_27, %add3A_25 : i32
      "tpu.region"() ({
        %run_scoped3A = tpu.sem_alloc : memref<!tpu.dma_semaphore, #tpu.memory_space<semaphore_mem>>
        %dma_start3A = arith.constant 0 : i32
        %dma_start3A_29 = tpu.memref_slice %arg10[%add3A_28, %dma_start3A] : memref<10240x128xf32, #tpu.memory_space<vmem_shared>> -> memref<128x128xf32, #tpu.memory_space<vmem_shared>>
        %dma_start3A_30 = arith.constant 0 : i32
        %dma_start3A_31 = tpu.memref_slice %arg10[%add3A_28, %dma_start3A_30] : memref<10240x128xf32, #tpu.memory_space<vmem_shared>> -> memref<128x128xf32, #tpu.memory_space<vmem_shared>>
        tpu.enqueue_dma source(%arg8 : memref<128x128xf32, #tpu.memory_space<vmem>>) target(%dma_start3A_31 : memref<128x128xf32, #tpu.memory_space<vmem_shared>>) target_semaphore(%run_scoped3A : memref<!tpu.dma_semaphore, #tpu.memory_space<semaphore_mem>>)
        %dma_wait3A = arith.constant 0 : i32
        %dma_wait3A_32 = tpu.memref_slice %arg10[%add3A_28, %dma_wait3A] : memref<10240x128xf32, #tpu.memory_space<vmem_shared>> -> memref<128x128xf32, #tpu.memory_space<vmem_shared>>
        %dma_wait3A_33 = arith.constant 0 : i32
        %dma_wait3A_34 = tpu.memref_slice %arg10[%add3A_28, %dma_wait3A_33] : memref<10240x128xf32, #tpu.memory_space<vmem_shared>> -> memref<128x128xf32, #tpu.memory_space<vmem_shared>>
        tpu.wait_dma2 semaphore(%run_scoped3A : memref<!tpu.dma_semaphore, #tpu.memory_space<semaphore_mem>>) src(%arg8 : memref<128x128xf32, #tpu.memory_space<vmem>>) dst(%dma_wait3A_34 : memref<128x128xf32, #tpu.memory_space<vmem_shared>>)
        tpu.yield
      }) : () -> ()
    }
    %scan3A_10 = arith.constant 5 : i32
    %barrier3A = arith.constant 0 : index
    tpu.barrier barrier_id(%barrier3A)
    %scan3A_11 = arith.constant 0 : i32
    %scan3A_12 = arith.constant 5 : i32
    %scan3A_13 = arith.addi %scan3A_11, %scan3A_12 : i32
    %scan3A_14 = arith.constant 1 : i32
    scf.for %scan3A_21 = %scan3A_11 to %scan3A_13 step %scan3A_14  : i32 {
      %mul3A_22 = arith.constant 1 : i32
      %mul3A_23 = arith.muli %scan3A_21, %mul3A_22 : i32
      %add3A_24 = arith.constant 0 : i32
      %add3A_25 = arith.addi %add3A_24, %mul3A_23 : i32
      %mul3A_26 = arith.constant 16 : i32
      %mul3A_27 = arith.muli %add3A_25, %mul3A_26 : i32
      "tpu.region"() ({
        %run_scoped3A = tpu.sem_alloc : memref<!tpu.dma_semaphore, #tpu.memory_space<semaphore_mem>>
        %dma_start3A_54 = arith.constant 0 : i32
        %dma_start3A_55 = tpu.memref_slice %arg3[%add3A, %mul3A_27, %dma_start3A_54] : memref<32x80x128xi32, #tpu.memory_space<hbm>> -> memref<1x16x128xi32, #tpu.memory_space<hbm>>
        %dma_start3A_56 = tpu.memref_squeeze %dma_start3A_55 : memref<1x16x128xi32, #tpu.memory_space<hbm>> -> memref<16x128xi32, #tpu.memory_space<hbm>>
        %dma_start3A_57 = arith.constant 0 : i32
        %dma_start3A_58 = tpu.memref_slice %arg3[%add3A, %mul3A_27, %dma_start3A_57] : memref<32x80x128xi32, #tpu.memory_space<hbm>> -> memref<1x16x128xi32, #tpu.memory_space<hbm>>
        %dma_start3A_59 = tpu.memref_squeeze %dma_start3A_58 : memref<1x16x128xi32, #tpu.memory_space<hbm>> -> memref<16x128xi32, #tpu.memory_space<hbm>>
        tpu.enqueue_dma source(%dma_start3A_59 : memref<16x128xi32, #tpu.memory_space<hbm>>) target(%arg6 : memref<16x128xi32, #tpu.memory_space<vmem>>) target_semaphore(%run_scoped3A : memref<!tpu.dma_semaphore, #tpu.memory_space<semaphore_mem>>)
        %dma_wait3A_60 = arith.constant 0 : i32
        %dma_wait3A_61 = tpu.memref_slice %arg3[%add3A, %mul3A_27, %dma_wait3A_60] : memref<32x80x128xi32, #tpu.memory_space<hbm>> -> memref<1x16x128xi32, #tpu.memory_space<hbm>>
        %dma_wait3A_62 = tpu.memref_squeeze %dma_wait3A_61 : memref<1x16x128xi32, #tpu.memory_space<hbm>> -> memref<16x128xi32, #tpu.memory_space<hbm>>
        %dma_wait3A_63 = arith.constant 0 : i32
        %dma_wait3A_64 = tpu.memref_slice %arg3[%add3A, %mul3A_27, %dma_wait3A_63] : memref<32x80x128xi32, #tpu.memory_space<hbm>> -> memref<1x16x128xi32, #tpu.memory_space<hbm>>
        %dma_wait3A_65 = tpu.memref_squeeze %dma_wait3A_64 : memref<1x16x128xi32, #tpu.memory_space<hbm>> -> memref<16x128xi32, #tpu.memory_space<hbm>>
        tpu.wait_dma2 semaphore(%run_scoped3A : memref<!tpu.dma_semaphore, #tpu.memory_space<semaphore_mem>>) src(%dma_wait3A_65 : memref<16x128xi32, #tpu.memory_space<hbm>>) dst(%arg6 : memref<16x128xi32, #tpu.memory_space<vmem>>)
        tpu.yield
      }) : () -> ()
      %mul3A_28 = arith.constant 16 : i32
      %mul3A_29 = arith.muli %add3A_25, %mul3A_28 : i32
      "tpu.region"() ({
        %run_scoped3A = tpu.sem_alloc : memref<!tpu.dma_semaphore, #tpu.memory_space<semaphore_mem>>
        %dma_start3A_54 = arith.constant 0 : i32
        %dma_start3A_55 = tpu.memref_slice %arg4[%add3A, %mul3A_29, %dma_start3A_54] : memref<32x80x128xi32, #tpu.memory_space<hbm>> -> memref<1x16x128xi32, #tpu.memory_space<hbm>>
        %dma_start3A_56 = tpu.memref_squeeze %dma_start3A_55 : memref<1x16x128xi32, #tpu.memory_space<hbm>> -> memref<16x128xi32, #tpu.memory_space<hbm>>
        %dma_start3A_57 = arith.constant 0 : i32
        %dma_start3A_58 = tpu.memref_slice %arg4[%add3A, %mul3A_29, %dma_start3A_57] : memref<32x80x128xi32, #tpu.memory_space<hbm>> -> memref<1x16x128xi32, #tpu.memory_space<hbm>>
        %dma_start3A_59 = tpu.memref_squeeze %dma_start3A_58 : memref<1x16x128xi32, #tpu.memory_space<hbm>> -> memref<16x128xi32, #tpu.memory_space<hbm>>
        tpu.enqueue_dma source(%dma_start3A_59 : memref<16x128xi32, #tpu.memory_space<hbm>>) target(%arg7 : memref<16x128xi32, #tpu.memory_space<vmem>>) target_semaphore(%run_scoped3A : memref<!tpu.dma_semaphore, #tpu.memory_space<semaphore_mem>>)
        %dma_wait3A_60 = arith.constant 0 : i32
        %dma_wait3A_61 = tpu.memref_slice %arg4[%add3A, %mul3A_29, %dma_wait3A_60] : memref<32x80x128xi32, #tpu.memory_space<hbm>> -> memref<1x16x128xi32, #tpu.memory_space<hbm>>
        %dma_wait3A_62 = tpu.memref_squeeze %dma_wait3A_61 : memref<1x16x128xi32, #tpu.memory_space<hbm>> -> memref<16x128xi32, #tpu.memory_space<hbm>>
        %dma_wait3A_63 = arith.constant 0 : i32
        %dma_wait3A_64 = tpu.memref_slice %arg4[%add3A, %mul3A_29, %dma_wait3A_63] : memref<32x80x128xi32, #tpu.memory_space<hbm>> -> memref<1x16x128xi32, #tpu.memory_space<hbm>>
        %dma_wait3A_65 = tpu.memref_squeeze %dma_wait3A_64 : memref<1x16x128xi32, #tpu.memory_space<hbm>> -> memref<16x128xi32, #tpu.memory_space<hbm>>
        tpu.wait_dma2 semaphore(%run_scoped3A : memref<!tpu.dma_semaphore, #tpu.memory_space<semaphore_mem>>) src(%dma_wait3A_65 : memref<16x128xi32, #tpu.memory_space<hbm>>) dst(%arg7 : memref<16x128xi32, #tpu.memory_space<vmem>>)
        tpu.yield
      }) : () -> ()
      %dma_start3A = arith.constant 0 : i32
      %dma_start3A_30 = arith.constant 0 : i32
      %dma_start3A_31 = tpu.memref_slice %arg6[%dma_start3A, %dma_start3A_30] : memref<16x128xi32, #tpu.memory_space<vmem>> -> memref<1x128xi32, #tpu.memory_space<vmem>>
      %dma_start3A_32 = tpu.memref_squeeze %dma_start3A_31 : memref<1x128xi32, #tpu.memory_space<vmem>> -> memref<128xi32, #tpu.memory_space<vmem>>
      %dma_start3A_33 = arith.constant 0 : i32
      %dma_start3A_34 = arith.constant 0 : i32
      %dma_start3A_35 = tpu.memref_slice %arg2[%dma_start3A_33, %dma_start3A_34] : memref<10000x128xf32, #tpu.memory_space<hbm>> -> memref<10000x128xf32, #tpu.memory_space<hbm>>
      tpu.enqueue_indirect_dma source(%dma_start3A_35 : memref<10000x128xf32, #tpu.memory_space<hbm>>) target(%arg8 : memref<128x128xf32, #tpu.memory_space<vmem>>) offsets(%dma_start3A_32 : memref<128xi32, #tpu.memory_space<vmem>>) semaphore(%arg11 : memref<!tpu.dma_semaphore, #tpu.memory_space<semaphore_mem>>)
      %scan3A_36 = arith.constant 0 : i32
      %scan3A_37 = arith.constant 8 : i32
      %scan3A_38 = arith.addi %scan3A_36, %scan3A_37 : i32
      %scan3A_39 = arith.constant 1 : i32
      scf.for %scan3A_54 = %scan3A_36 to %scan3A_38 step %scan3A_39  : i32 {
        %mul3A_55 = arith.constant 2 : i32
        %mul3A_56 = arith.muli %scan3A_54, %mul3A_55 : i32
        %add3A_57 = arith.constant 0 : i32
        %add3A_58 = arith.addi %add3A_57, %mul3A_56 : i32
        %add3A_59 = arith.constant 0 : i32
        %add3A_60 = arith.addi %add3A_58, %add3A_59 : i32
        %dma_wait3A_61 = arith.constant 0 : i32
        %dma_wait3A_62 = tpu.memref_slice %arg6[%add3A_60, %dma_wait3A_61] : memref<16x128xi32, #tpu.memory_space<vmem>> -> memref<1x128xi32, #tpu.memory_space<vmem>>
        %dma_wait3A_63 = tpu.memref_squeeze %dma_wait3A_62 : memref<1x128xi32, #tpu.memory_space<vmem>> -> memref<128xi32, #tpu.memory_space<vmem>>
        %dma_wait3A_64 = arith.constant 0 : i32
        %dma_wait3A_65 = arith.constant 0 : i32
        %dma_wait3A_66 = tpu.memref_slice %arg2[%dma_wait3A_64, %dma_wait3A_65] : memref<10000x128xf32, #tpu.memory_space<hbm>> -> memref<10000x128xf32, #tpu.memory_space<hbm>>
        tpu.wait_indirect_dma semaphore(%arg11 : memref<!tpu.dma_semaphore, #tpu.memory_space<semaphore_mem>>) src(%dma_wait3A_66 : memref<10000x128xf32, #tpu.memory_space<hbm>>) dst(%arg8 : memref<128x128xf32, #tpu.memory_space<vmem>>)
        %dma_start3A_67 = arith.constant 0 : i32
        %dma_start3A_68 = tpu.memref_slice %arg7[%add3A_60, %dma_start3A_67] : memref<16x128xi32, #tpu.memory_space<vmem>> -> memref<1x128xi32, #tpu.memory_space<vmem>>
        %dma_start3A_69 = tpu.memref_squeeze %dma_start3A_68 : memref<1x128xi32, #tpu.memory_space<vmem>> -> memref<128xi32, #tpu.memory_space<vmem>>
        %dma_start3A_70 = arith.constant 0 : i32
        %dma_start3A_71 = arith.constant 0 : i32
        %dma_start3A_72 = tpu.memref_slice %arg10[%dma_start3A_70, %dma_start3A_71] : memref<10240x128xf32, #tpu.memory_space<vmem_shared>> -> memref<10240x128xf32, #tpu.memory_space<vmem_shared>>
        tpu.enqueue_indirect_dma source(%arg8 : memref<128x128xf32, #tpu.memory_space<vmem>>) target(%dma_start3A_72 : memref<10240x128xf32, #tpu.memory_space<vmem_shared>>) offsets(%dma_start3A_69 : memref<128xi32, #tpu.memory_space<vmem>>) semaphore(%arg13 : memref<!tpu.dma_semaphore, #tpu.memory_space<semaphore_mem>>) {add = true}
        %add3A_73 = arith.constant 1 : i32
        %add3A_74 = arith.addi %add3A_60, %add3A_73 : i32
        %lt3A = arith.constant 16 : i32
        %lt3A_75 = arith.cmpi slt, %add3A_74, %lt3A : i32
        %convert_element_type3A = arith.extui %lt3A_75 : i1 to i32
        %cond3A = arith.constant 0 : i32
        %cond3A_76 = arith.cmpi ne, %convert_element_type3A, %cond3A : i32
        scf.if %cond3A_76 {
          %ge3A = arith.constant 1 : i32
          %ge3A_98 = arith.cmpi sge, %add3A_60, %ge3A : i32
          %convert_element_type3A_99 = arith.extui %ge3A_98 : i1 to i32
          %cond3A_100 = arith.constant 0 : i32
          %cond3A_101 = arith.cmpi ne, %convert_element_type3A_99, %cond3A_100 : i32
          scf.if %cond3A_101 {
            %dma_wait3A_110 = arith.constant 0 : i32
            %dma_wait3A_111 = tpu.memref_slice %arg7[%add3A_60, %dma_wait3A_110] : memref<16x128xi32, #tpu.memory_space<vmem>> -> memref<1x128xi32, #tpu.memory_space<vmem>>
            %dma_wait3A_112 = tpu.memref_squeeze %dma_wait3A_111 : memref<1x128xi32, #tpu.memory_space<vmem>> -> memref<128xi32, #tpu.memory_space<vmem>>
            %dma_wait3A_113 = arith.constant 0 : i32
            %dma_wait3A_114 = arith.constant 0 : i32
            %dma_wait3A_115 = tpu.memref_slice %arg10[%dma_wait3A_113, %dma_wait3A_114] : memref<10240x128xf32, #tpu.memory_space<vmem_shared>> -> memref<10240x128xf32, #tpu.memory_space<vmem_shared>>
            tpu.wait_indirect_dma semaphore(%arg14 : memref<!tpu.dma_semaphore, #tpu.memory_space<semaphore_mem>>) src(%arg9 : memref<128x128xf32, #tpu.memory_space<vmem>>) dst(%dma_wait3A_115 : memref<10240x128xf32, #tpu.memory_space<vmem_shared>>)
          } else {
          }
          %add3A_102 = arith.constant 1 : i32
          %add3A_103 = arith.addi %add3A_60, %add3A_102 : i32
          %dma_start3A_104 = arith.constant 0 : i32
          %dma_start3A_105 = tpu.memref_slice %arg6[%add3A_103, %dma_start3A_104] : memref<16x128xi32, #tpu.memory_space<vmem>> -> memref<1x128xi32, #tpu.memory_space<vmem>>
          %dma_start3A_106 = tpu.memref_squeeze %dma_start3A_105 : memref<1x128xi32, #tpu.memory_space<vmem>> -> memref<128xi32, #tpu.memory_space<vmem>>
          %dma_start3A_107 = arith.constant 0 : i32
          %dma_start3A_108 = arith.constant 0 : i32
          %dma_start3A_109 = tpu.memref_slice %arg2[%dma_start3A_107, %dma_start3A_108] : memref<10000x128xf32, #tpu.memory_space<hbm>> -> memref<10000x128xf32, #tpu.memory_space<hbm>>
          tpu.enqueue_indirect_dma source(%dma_start3A_109 : memref<10000x128xf32, #tpu.memory_space<hbm>>) target(%arg9 : memref<128x128xf32, #tpu.memory_space<vmem>>) offsets(%dma_start3A_106 : memref<128xi32, #tpu.memory_space<vmem>>) semaphore(%arg12 : memref<!tpu.dma_semaphore, #tpu.memory_space<semaphore_mem>>)
        } else {
        }
        %add3A_77 = arith.constant 1 : i32
        %add3A_78 = arith.addi %add3A_58, %add3A_77 : i32
        %dma_wait3A_79 = arith.constant 0 : i32
        %dma_wait3A_80 = tpu.memref_slice %arg6[%add3A_78, %dma_wait3A_79] : memref<16x128xi32, #tpu.memory_space<vmem>> -> memref<1x128xi32, #tpu.memory_space<vmem>>
        %dma_wait3A_81 = tpu.memref_squeeze %dma_wait3A_80 : memref<1x128xi32, #tpu.memory_space<vmem>> -> memref<128xi32, #tpu.memory_space<vmem>>
        %dma_wait3A_82 = arith.constant 0 : i32
        %dma_wait3A_83 = arith.constant 0 : i32
        %dma_wait3A_84 = tpu.memref_slice %arg2[%dma_wait3A_82, %dma_wait3A_83] : memref<10000x128xf32, #tpu.memory_space<hbm>> -> memref<10000x128xf32, #tpu.memory_space<hbm>>
        tpu.wait_indirect_dma semaphore(%arg12 : memref<!tpu.dma_semaphore, #tpu.memory_space<semaphore_mem>>) src(%dma_wait3A_84 : memref<10000x128xf32, #tpu.memory_space<hbm>>) dst(%arg9 : memref<128x128xf32, #tpu.memory_space<vmem>>)
        %dma_start3A_85 = arith.constant 0 : i32
        %dma_start3A_86 = tpu.memref_slice %arg7[%add3A_78, %dma_start3A_85] : memref<16x128xi32, #tpu.memory_space<vmem>> -> memref<1x128xi32, #tpu.memory_space<vmem>>
        %dma_start3A_87 = tpu.memref_squeeze %dma_start3A_86 : memref<1x128xi32, #tpu.memory_space<vmem>> -> memref<128xi32, #tpu.memory_space<vmem>>
        %dma_start3A_88 = arith.constant 0 : i32
        %dma_start3A_89 = arith.constant 0 : i32
        %dma_start3A_90 = tpu.memref_slice %arg10[%dma_start3A_88, %dma_start3A_89] : memref<10240x128xf32, #tpu.memory_space<vmem_shared>> -> memref<10240x128xf32, #tpu.memory_space<vmem_shared>>
        tpu.enqueue_indirect_dma source(%arg9 : memref<128x128xf32, #tpu.memory_space<vmem>>) target(%dma_start3A_90 : memref<10240x128xf32, #tpu.memory_space<vmem_shared>>) offsets(%dma_start3A_87 : memref<128xi32, #tpu.memory_space<vmem>>) semaphore(%arg14 : memref<!tpu.dma_semaphore, #tpu.memory_space<semaphore_mem>>) {add = true}
        %add3A_91 = arith.constant 1 : i32
        %add3A_92 = arith.addi %add3A_78, %add3A_91 : i32
        %lt3A_93 = arith.constant 16 : i32
        %lt3A_94 = arith.cmpi slt, %add3A_92, %lt3A_93 : i32
        %convert_element_type3A_95 = arith.extui %lt3A_94 : i1 to i32
        %cond3A_96 = arith.constant 0 : i32
        %cond3A_97 = arith.cmpi ne, %convert_element_type3A_95, %cond3A_96 : i32
        scf.if %cond3A_97 {
          %ge3A = arith.constant 1 : i32
          %ge3A_98 = arith.cmpi sge, %add3A_78, %ge3A : i32
          %convert_element_type3A_99 = arith.extui %ge3A_98 : i1 to i32
          %cond3A_100 = arith.constant 0 : i32
          %cond3A_101 = arith.cmpi ne, %convert_element_type3A_99, %cond3A_100 : i32
          scf.if %cond3A_101 {
            %dma_wait3A_110 = arith.constant 0 : i32
            %dma_wait3A_111 = tpu.memref_slice %arg7[%add3A_78, %dma_wait3A_110] : memref<16x128xi32, #tpu.memory_space<vmem>> -> memref<1x128xi32, #tpu.memory_space<vmem>>
            %dma_wait3A_112 = tpu.memref_squeeze %dma_wait3A_111 : memref<1x128xi32, #tpu.memory_space<vmem>> -> memref<128xi32, #tpu.memory_space<vmem>>
            %dma_wait3A_113 = arith.constant 0 : i32
            %dma_wait3A_114 = arith.constant 0 : i32
            %dma_wait3A_115 = tpu.memref_slice %arg10[%dma_wait3A_113, %dma_wait3A_114] : memref<10240x128xf32, #tpu.memory_space<vmem_shared>> -> memref<10240x128xf32, #tpu.memory_space<vmem_shared>>
            tpu.wait_indirect_dma semaphore(%arg13 : memref<!tpu.dma_semaphore, #tpu.memory_space<semaphore_mem>>) src(%arg8 : memref<128x128xf32, #tpu.memory_space<vmem>>) dst(%dma_wait3A_115 : memref<10240x128xf32, #tpu.memory_space<vmem_shared>>)
          } else {
          }
          %add3A_102 = arith.constant 1 : i32
          %add3A_103 = arith.addi %add3A_78, %add3A_102 : i32
          %dma_start3A_104 = arith.constant 0 : i32
          %dma_start3A_105 = tpu.memref_slice %arg6[%add3A_103, %dma_start3A_104] : memref<16x128xi32, #tpu.memory_space<vmem>> -> memref<1x128xi32, #tpu.memory_space<vmem>>
          %dma_start3A_106 = tpu.memref_squeeze %dma_start3A_105 : memref<1x128xi32, #tpu.memory_space<vmem>> -> memref<128xi32, #tpu.memory_space<vmem>>
          %dma_start3A_107 = arith.constant 0 : i32
          %dma_start3A_108 = arith.constant 0 : i32
          %dma_start3A_109 = tpu.memref_slice %arg2[%dma_start3A_107, %dma_start3A_108] : memref<10000x128xf32, #tpu.memory_space<hbm>> -> memref<10000x128xf32, #tpu.memory_space<hbm>>
          tpu.enqueue_indirect_dma source(%dma_start3A_109 : memref<10000x128xf32, #tpu.memory_space<hbm>>) target(%arg8 : memref<128x128xf32, #tpu.memory_space<vmem>>) offsets(%dma_start3A_106 : memref<128xi32, #tpu.memory_space<vmem>>) semaphore(%arg11 : memref<!tpu.dma_semaphore, #tpu.memory_space<semaphore_mem>>)
        } else {
        }
      }
      %scan3A_40 = arith.constant 8 : i32
      %dma_wait3A = arith.constant 0 : i32
      %dma_wait3A_41 = arith.constant 0 : i32
      %dma_wait3A_42 = tpu.memref_slice %arg7[%dma_wait3A, %dma_wait3A_41] : memref<16x128xi32, #tpu.memory_space<vmem>> -> memref<1x128xi32, #tpu.memory_space<vmem>>
      %dma_wait3A_43 = tpu.memref_squeeze %dma_wait3A_42 : memref<1x128xi32, #tpu.memory_space<vmem>> -> memref<128xi32, #tpu.memory_space<vmem>>
      %dma_wait3A_44 = arith.constant 0 : i32
      %dma_wait3A_45 = arith.constant 0 : i32
      %dma_wait3A_46 = tpu.memref_slice %arg10[%dma_wait3A_44, %dma_wait3A_45] : memref<10240x128xf32, #tpu.memory_space<vmem_shared>> -> memref<10240x128xf32, #tpu.memory_space<vmem_shared>>
      tpu.wait_indirect_dma semaphore(%arg13 : memref<!tpu.dma_semaphore, #tpu.memory_space<semaphore_mem>>) src(%arg8 : memref<128x128xf32, #tpu.memory_space<vmem>>) dst(%dma_wait3A_46 : memref<10240x128xf32, #tpu.memory_space<vmem_shared>>)
      %dma_wait3A_47 = arith.constant 0 : i32
      %dma_wait3A_48 = arith.constant 0 : i32
      %dma_wait3A_49 = tpu.memref_slice %arg7[%dma_wait3A_47, %dma_wait3A_48] : memref<16x128xi32, #tpu.memory_space<vmem>> -> memref<1x128xi32, #tpu.memory_space<vmem>>
      %dma_wait3A_50 = tpu.memref_squeeze %dma_wait3A_49 : memref<1x128xi32, #tpu.memory_space<vmem>> -> memref<128xi32, #tpu.memory_space<vmem>>
      %dma_wait3A_51 = arith.constant 0 : i32
      %dma_wait3A_52 = arith.constant 0 : i32
      %dma_wait3A_53 = tpu.memref_slice %arg10[%dma_wait3A_51, %dma_wait3A_52] : memref<10240x128xf32, #tpu.memory_space<vmem_shared>> -> memref<10240x128xf32, #tpu.memory_space<vmem_shared>>
      tpu.wait_indirect_dma semaphore(%arg14 : memref<!tpu.dma_semaphore, #tpu.memory_space<semaphore_mem>>) src(%arg9 : memref<128x128xf32, #tpu.memory_space<vmem>>) dst(%dma_wait3A_53 : memref<10240x128xf32, #tpu.memory_space<vmem_shared>>)
    }
    %scan3A_15 = arith.constant 5 : i32
    %barrier3A_16 = arith.constant 0 : index
    tpu.barrier barrier_id(%barrier3A_16)
    %mul3A_17 = arith.constant 640 : i32
    %mul3A_18 = arith.muli %arg1, %mul3A_17 : i32
    %mul3A_19 = arith.constant 640 : i32
    %mul3A_20 = arith.muli %arg1, %mul3A_19 : i32
    "tpu.region"() ({
      %run_scoped3A = tpu.sem_alloc : memref<!tpu.dma_semaphore, #tpu.memory_space<semaphore_mem>>
      %dma_start3A = arith.constant 0 : i32
      %dma_start3A_21 = tpu.memref_slice %arg5[%arg0, %mul3A_20, %dma_start3A] : memref<2x10240x128xf32, #tpu.memory_space<hbm>> -> memref<1x640x128xf32, #tpu.memory_space<hbm>>
      %dma_start3A_22 = tpu.memref_squeeze %dma_start3A_21 : memref<1x640x128xf32, #tpu.memory_space<hbm>> -> memref<640x128xf32, #tpu.memory_space<hbm>>
      %dma_start3A_23 = arith.constant 0 : i32
      %dma_start3A_24 = tpu.memref_slice %arg10[%mul3A_18, %dma_start3A_23] : memref<10240x128xf32, #tpu.memory_space<vmem_shared>> -> memref<640x128xf32, #tpu.memory_space<vmem_shared>>
      tpu.enqueue_dma source(%dma_start3A_24 : memref<640x128xf32, #tpu.memory_space<vmem_shared>>) target(%dma_start3A_22 : memref<640x128xf32, #tpu.memory_space<hbm>>) target_semaphore(%run_scoped3A : memref<!tpu.dma_semaphore, #tpu.memory_space<semaphore_mem>>)
      %dma_wait3A = arith.constant 0 : i32
      %dma_wait3A_25 = tpu.memref_slice %arg5[%arg0, %mul3A_20, %dma_wait3A] : memref<2x10240x128xf32, #tpu.memory_space<hbm>> -> memref<1x640x128xf32, #tpu.memory_space<hbm>>
      %dma_wait3A_26 = tpu.memref_squeeze %dma_wait3A_25 : memref<1x640x128xf32, #tpu.memory_space<hbm>> -> memref<640x128xf32, #tpu.memory_space<hbm>>
      %dma_wait3A_27 = arith.constant 0 : i32
      %dma_wait3A_28 = tpu.memref_slice %arg10[%mul3A_18, %dma_wait3A_27] : memref<10240x128xf32, #tpu.memory_space<vmem_shared>> -> memref<640x128xf32, #tpu.memory_space<vmem_shared>>
      tpu.wait_dma2 semaphore(%run_scoped3A : memref<!tpu.dma_semaphore, #tpu.memory_space<semaphore_mem>>) src(%dma_wait3A_28 : memref<640x128xf32, #tpu.memory_space<vmem_shared>>) dst(%dma_wait3A_26 : memref<640x128xf32, #tpu.memory_space<hbm>>)
      tpu.yield
    }) : () -> ()
    return
  }
}

#map = affine_map<(d0, d1) -> (0, 0)>
#map1 = affine_map<(d0, d1) -> (0, 0, 0)>
module attributes {stable_mosaic.version = 14 : i64} {
  func.func @_sc_mp(%arg0: i32, %arg1: i32, %arg2: memref<10000x128xf32, #tpu.memory_space<hbm>>, %arg3: memref<32x80x128xi32, #tpu.memory_space<hbm>>, %arg4: memref<32x80x128xi32, #tpu.memory_space<hbm>>, %arg5: memref<2x10240x128xf32, #tpu.memory_space<hbm>>, %arg6: memref<16x128xi32, #tpu.memory_space<vmem>>, %arg7: memref<16x128xi32, #tpu.memory_space<vmem>>, %arg8: memref<128x128xf32, #tpu.memory_space<vmem>>, %arg9: memref<128x128xf32, #tpu.memory_space<vmem>>, %arg10: memref<10240x128xf32, #tpu.memory_space<vmem_shared>>, %arg11: memref<!tpu.dma_semaphore, #tpu.memory_space<semaphore_mem>>, %arg12: memref<!tpu.dma_semaphore, #tpu.memory_space<semaphore_mem>>, %arg13: memref<!tpu.dma_semaphore, #tpu.memory_space<semaphore_mem>>, %arg14: memref<!tpu.dma_semaphore, #tpu.memory_space<semaphore_mem>>) attributes {dimension_semantics = [#tpu.dimension_semantics<core_parallel>, #tpu.dimension_semantics<subcore_parallel>], iteration_bounds = array<i64: 2, 16>, scalar_prefetch = 0 : i64, scratch_operands = 9 : i64, tpu.core_type = #tpu.core_type<sc_vector_subcore>, window_params = [{transform_indices = #map}, {transform_indices = #map1}, {transform_indices = #map1}, {transform_indices = #map1}]} {
    %mul3A = arith.constant 16 : i32
    %mul3A_0 = arith.muli %arg0, %mul3A : i32
    %add3A = arith.addi %mul3A_0, %arg1 : i32
    %broadcast_in_dim3A = arith.constant 0.000000e+00 : f32
    %broadcast_in_dim3A_1 = vector.broadcast %broadcast_in_dim3A : f32 to vector<16xf32>
    %scan3A = arith.constant 0 : i32
    %scan3A_2 = arith.constant 128 : i32
    %scan3A_3 = arith.addi %scan3A, %scan3A_2 : i32
    %scan3A_4 = arith.constant 1 : i32
    scf.for %scan3A_21 = %scan3A to %scan3A_3 step %scan3A_4  : i32 {
      %mul3A_22 = arith.constant 1 : i32
      %mul3A_23 = arith.muli %scan3A_21, %mul3A_22 : i32
      %add3A_24 = arith.constant 0 : i32
      %add3A_25 = arith.addi %add3A_24, %mul3A_23 : i32
      %scan3A_26 = arith.constant 0 : i32
      %scan3A_27 = arith.constant 8 : i32
      %scan3A_28 = arith.addi %scan3A_26, %scan3A_27 : i32
      %scan3A_29 = arith.constant 1 : i32
      scf.for %scan3A_31 = %scan3A_26 to %scan3A_28 step %scan3A_29  : i32 {
        %mul3A_32 = arith.constant 16 : i32
        %mul3A_33 = arith.muli %scan3A_31, %mul3A_32 : i32
        %add3A_34 = arith.constant 0 : i32
        %add3A_35 = arith.addi %add3A_34, %mul3A_33 : i32
        %swap3A = arith.index_cast %add3A_25 : i32 to index
        %swap3A_36 = arith.index_cast %add3A_35 : i32 to index
        %swap3A_37 = tpu.vector_load %arg8[%swap3A, %swap3A_36] {strides = array<i32>} : memref<128x128xf32, #tpu.memory_space<vmem>>, vector<16xf32>,
        tpu.vector_store %arg8[%swap3A, %swap3A_36], %broadcast_in_dim3A_1 {strides = array<i32>} : memref<128x128xf32, #tpu.memory_space<vmem>>, vector<16xf32>,
      }
      %scan3A_30 = arith.constant 8 : i32
    }
    %scan3A_5 = arith.constant 128 : i32
    %scan3A_6 = arith.constant 0 : i32
    %scan3A_7 = arith.constant 5 : i32
    %scan3A_8 = arith.addi %scan3A_6, %scan3A_7 : i32
    %scan3A_9 = arith.constant 1 : i32
    scf.for %scan3A_21 = %scan3A_6 to %scan3A_8 step %scan3A_9  : i32 {
      %mul3A_22 = arith.constant 128 : i32
      %mul3A_23 = arith.muli %scan3A_21, %mul3A_22 : i32
      %add3A_24 = arith.constant 0 : i32
      %add3A_25 = arith.addi %add3A_24, %mul3A_23 : i32
      %mul3A_26 = arith.constant 640 : i32
      %mul3A_27 = arith.muli %arg1, %mul3A_26 : i32
      %add3A_28 = arith.addi %mul3A_27, %add3A_25 : i32
      "tpu.region"() ({
        %run_scoped3A = tpu.sem_alloc : memref<!tpu.dma_semaphore, #tpu.memory_space<semaphore_mem>>
        %dma_start3A = arith.constant 0 : i32
        %dma_start3A_29 = tpu.memref_slice %arg10[%add3A_28, %dma_start3A] : memref<10240x128xf32, #tpu.memory_space<vmem_shared>> -> memref<128x128xf32, #tpu.memory_space<vmem_shared>>
        %dma_start3A_30 = arith.constant 0 : i32
        %dma_start3A_31 = tpu.memref_slice %arg10[%add3A_28, %dma_start3A_30] : memref<10240x128xf32, #tpu.memory_space<vmem_shared>> -> memref<128x128xf32, #tpu.memory_space<vmem_shared>>
        tpu.enqueue_dma source(%arg8 : memref<128x128xf32, #tpu.memory_space<vmem>>) target(%dma_start3A_31 : memref<128x128xf32, #tpu.memory_space<vmem_shared>>) target_semaphore(%run_scoped3A : memref<!tpu.dma_semaphore, #tpu.memory_space<semaphore_mem>>)
        %dma_wait3A = arith.constant 0 : i32
        %dma_wait3A_32 = tpu.memref_slice %arg10[%add3A_28, %dma_wait3A] : memref<10240x128xf32, #tpu.memory_space<vmem_shared>> -> memref<128x128xf32, #tpu.memory_space<vmem_shared>>
        %dma_wait3A_33 = arith.constant 0 : i32
        %dma_wait3A_34 = tpu.memref_slice %arg10[%add3A_28, %dma_wait3A_33] : memref<10240x128xf32, #tpu.memory_space<vmem_shared>> -> memref<128x128xf32, #tpu.memory_space<vmem_shared>>
        tpu.wait_dma2 semaphore(%run_scoped3A : memref<!tpu.dma_semaphore, #tpu.memory_space<semaphore_mem>>) src(%arg8 : memref<128x128xf32, #tpu.memory_space<vmem>>) dst(%dma_wait3A_34 : memref<128x128xf32, #tpu.memory_space<vmem_shared>>)
        tpu.yield
      }) : () -> ()
    }
    %scan3A_10 = arith.constant 5 : i32
    %barrier3A = arith.constant 0 : index
    tpu.barrier barrier_id(%barrier3A)
    %scan3A_11 = arith.constant 0 : i32
    %scan3A_12 = arith.constant 5 : i32
    %scan3A_13 = arith.addi %scan3A_11, %scan3A_12 : i32
    %scan3A_14 = arith.constant 1 : i32
    scf.for %scan3A_21 = %scan3A_11 to %scan3A_13 step %scan3A_14  : i32 {
      %mul3A_22 = arith.constant 1 : i32
      %mul3A_23 = arith.muli %scan3A_21, %mul3A_22 : i32
      %add3A_24 = arith.constant 0 : i32
      %add3A_25 = arith.addi %add3A_24, %mul3A_23 : i32
      %mul3A_26 = arith.constant 16 : i32
      %mul3A_27 = arith.muli %add3A_25, %mul3A_26 : i32
      "tpu.region"() ({
        %run_scoped3A = tpu.sem_alloc : memref<!tpu.dma_semaphore, #tpu.memory_space<semaphore_mem>>
        %dma_start3A_54 = arith.constant 0 : i32
        %dma_start3A_55 = tpu.memref_slice %arg3[%add3A, %mul3A_27, %dma_start3A_54] : memref<32x80x128xi32, #tpu.memory_space<hbm>> -> memref<1x16x128xi32, #tpu.memory_space<hbm>>
        %dma_start3A_56 = tpu.memref_squeeze %dma_start3A_55 : memref<1x16x128xi32, #tpu.memory_space<hbm>> -> memref<16x128xi32, #tpu.memory_space<hbm>>
        %dma_start3A_57 = arith.constant 0 : i32
        %dma_start3A_58 = tpu.memref_slice %arg3[%add3A, %mul3A_27, %dma_start3A_57] : memref<32x80x128xi32, #tpu.memory_space<hbm>> -> memref<1x16x128xi32, #tpu.memory_space<hbm>>
        %dma_start3A_59 = tpu.memref_squeeze %dma_start3A_58 : memref<1x16x128xi32, #tpu.memory_space<hbm>> -> memref<16x128xi32, #tpu.memory_space<hbm>>
        tpu.enqueue_dma source(%dma_start3A_59 : memref<16x128xi32, #tpu.memory_space<hbm>>) target(%arg6 : memref<16x128xi32, #tpu.memory_space<vmem>>) target_semaphore(%run_scoped3A : memref<!tpu.dma_semaphore, #tpu.memory_space<semaphore_mem>>)
        %dma_wait3A_60 = arith.constant 0 : i32
        %dma_wait3A_61 = tpu.memref_slice %arg3[%add3A, %mul3A_27, %dma_wait3A_60] : memref<32x80x128xi32, #tpu.memory_space<hbm>> -> memref<1x16x128xi32, #tpu.memory_space<hbm>>
        %dma_wait3A_62 = tpu.memref_squeeze %dma_wait3A_61 : memref<1x16x128xi32, #tpu.memory_space<hbm>> -> memref<16x128xi32, #tpu.memory_space<hbm>>
        %dma_wait3A_63 = arith.constant 0 : i32
        %dma_wait3A_64 = tpu.memref_slice %arg3[%add3A, %mul3A_27, %dma_wait3A_63] : memref<32x80x128xi32, #tpu.memory_space<hbm>> -> memref<1x16x128xi32, #tpu.memory_space<hbm>>
        %dma_wait3A_65 = tpu.memref_squeeze %dma_wait3A_64 : memref<1x16x128xi32, #tpu.memory_space<hbm>> -> memref<16x128xi32, #tpu.memory_space<hbm>>
        tpu.wait_dma2 semaphore(%run_scoped3A : memref<!tpu.dma_semaphore, #tpu.memory_space<semaphore_mem>>) src(%dma_wait3A_65 : memref<16x128xi32, #tpu.memory_space<hbm>>) dst(%arg6 : memref<16x128xi32, #tpu.memory_space<vmem>>)
        tpu.yield
      }) : () -> ()
      %mul3A_28 = arith.constant 16 : i32
      %mul3A_29 = arith.muli %add3A_25, %mul3A_28 : i32
      "tpu.region"() ({
        %run_scoped3A = tpu.sem_alloc : memref<!tpu.dma_semaphore, #tpu.memory_space<semaphore_mem>>
        %dma_start3A_54 = arith.constant 0 : i32
        %dma_start3A_55 = tpu.memref_slice %arg4[%add3A, %mul3A_29, %dma_start3A_54] : memref<32x80x128xi32, #tpu.memory_space<hbm>> -> memref<1x16x128xi32, #tpu.memory_space<hbm>>
        %dma_start3A_56 = tpu.memref_squeeze %dma_start3A_55 : memref<1x16x128xi32, #tpu.memory_space<hbm>> -> memref<16x128xi32, #tpu.memory_space<hbm>>
        %dma_start3A_57 = arith.constant 0 : i32
        %dma_start3A_58 = tpu.memref_slice %arg4[%add3A, %mul3A_29, %dma_start3A_57] : memref<32x80x128xi32, #tpu.memory_space<hbm>> -> memref<1x16x128xi32, #tpu.memory_space<hbm>>
        %dma_start3A_59 = tpu.memref_squeeze %dma_start3A_58 : memref<1x16x128xi32, #tpu.memory_space<hbm>> -> memref<16x128xi32, #tpu.memory_space<hbm>>
        tpu.enqueue_dma source(%dma_start3A_59 : memref<16x128xi32, #tpu.memory_space<hbm>>) target(%arg7 : memref<16x128xi32, #tpu.memory_space<vmem>>) target_semaphore(%run_scoped3A : memref<!tpu.dma_semaphore, #tpu.memory_space<semaphore_mem>>)
        %dma_wait3A_60 = arith.constant 0 : i32
        %dma_wait3A_61 = tpu.memref_slice %arg4[%add3A, %mul3A_29, %dma_wait3A_60] : memref<32x80x128xi32, #tpu.memory_space<hbm>> -> memref<1x16x128xi32, #tpu.memory_space<hbm>>
        %dma_wait3A_62 = tpu.memref_squeeze %dma_wait3A_61 : memref<1x16x128xi32, #tpu.memory_space<hbm>> -> memref<16x128xi32, #tpu.memory_space<hbm>>
        %dma_wait3A_63 = arith.constant 0 : i32
        %dma_wait3A_64 = tpu.memref_slice %arg4[%add3A, %mul3A_29, %dma_wait3A_63] : memref<32x80x128xi32, #tpu.memory_space<hbm>> -> memref<1x16x128xi32, #tpu.memory_space<hbm>>
        %dma_wait3A_65 = tpu.memref_squeeze %dma_wait3A_64 : memref<1x16x128xi32, #tpu.memory_space<hbm>> -> memref<16x128xi32, #tpu.memory_space<hbm>>
        tpu.wait_dma2 semaphore(%run_scoped3A : memref<!tpu.dma_semaphore, #tpu.memory_space<semaphore_mem>>) src(%dma_wait3A_65 : memref<16x128xi32, #tpu.memory_space<hbm>>) dst(%arg7 : memref<16x128xi32, #tpu.memory_space<vmem>>)
        tpu.yield
      }) : () -> ()
      %dma_start3A = arith.constant 0 : i32
      %dma_start3A_30 = arith.constant 0 : i32
      %dma_start3A_31 = tpu.memref_slice %arg6[%dma_start3A, %dma_start3A_30] : memref<16x128xi32, #tpu.memory_space<vmem>> -> memref<1x128xi32, #tpu.memory_space<vmem>>
      %dma_start3A_32 = tpu.memref_squeeze %dma_start3A_31 : memref<1x128xi32, #tpu.memory_space<vmem>> -> memref<128xi32, #tpu.memory_space<vmem>>
      %dma_start3A_33 = arith.constant 0 : i32
      %dma_start3A_34 = arith.constant 0 : i32
      %dma_start3A_35 = tpu.memref_slice %arg2[%dma_start3A_33, %dma_start3A_34] : memref<10000x128xf32, #tpu.memory_space<hbm>> -> memref<10000x128xf32, #tpu.memory_space<hbm>>
      tpu.enqueue_indirect_dma source(%dma_start3A_35 : memref<10000x128xf32, #tpu.memory_space<hbm>>) target(%arg8 : memref<128x128xf32, #tpu.memory_space<vmem>>) offsets(%dma_start3A_32 : memref<128xi32, #tpu.memory_space<vmem>>) semaphore(%arg11 : memref<!tpu.dma_semaphore, #tpu.memory_space<semaphore_mem>>)
      %scan3A_36 = arith.constant 0 : i32
      %scan3A_37 = arith.constant 8 : i32
      %scan3A_38 = arith.addi %scan3A_36, %scan3A_37 : i32
      %scan3A_39 = arith.constant 1 : i32
      scf.for %scan3A_54 = %scan3A_36 to %scan3A_38 step %scan3A_39  : i32 {
        %mul3A_55 = arith.constant 2 : i32
        %mul3A_56 = arith.muli %scan3A_54, %mul3A_55 : i32
        %add3A_57 = arith.constant 0 : i32
        %add3A_58 = arith.addi %add3A_57, %mul3A_56 : i32
        %add3A_59 = arith.constant 0 : i32
        %add3A_60 = arith.addi %add3A_58, %add3A_59 : i32
        %dma_wait3A_61 = arith.constant 0 : i32
        %dma_wait3A_62 = tpu.memref_slice %arg6[%add3A_60, %dma_wait3A_61] : memref<16x128xi32, #tpu.memory_space<vmem>> -> memref<1x128xi32, #tpu.memory_space<vmem>>
        %dma_wait3A_63 = tpu.memref_squeeze %dma_wait3A_62 : memref<1x128xi32, #tpu.memory_space<vmem>> -> memref<128xi32, #tpu.memory_space<vmem>>
        %dma_wait3A_64 = arith.constant 0 : i32
        %dma_wait3A_65 = arith.constant 0 : i32
        %dma_wait3A_66 = tpu.memref_slice %arg2[%dma_wait3A_64, %dma_wait3A_65] : memref<10000x128xf32, #tpu.memory_space<hbm>> -> memref<10000x128xf32, #tpu.memory_space<hbm>>
        tpu.wait_indirect_dma semaphore(%arg11 : memref<!tpu.dma_semaphore, #tpu.memory_space<semaphore_mem>>) src(%dma_wait3A_66 : memref<10000x128xf32, #tpu.memory_space<hbm>>) dst(%arg8 : memref<128x128xf32, #tpu.memory_space<vmem>>)
        %dma_start3A_67 = arith.constant 0 : i32
        %dma_start3A_68 = tpu.memref_slice %arg7[%add3A_60, %dma_start3A_67] : memref<16x128xi32, #tpu.memory_space<vmem>> -> memref<1x128xi32, #tpu.memory_space<vmem>>
        %dma_start3A_69 = tpu.memref_squeeze %dma_start3A_68 : memref<1x128xi32, #tpu.memory_space<vmem>> -> memref<128xi32, #tpu.memory_space<vmem>>
        %dma_start3A_70 = arith.constant 0 : i32
        %dma_start3A_71 = arith.constant 0 : i32
        %dma_start3A_72 = tpu.memref_slice %arg10[%dma_start3A_70, %dma_start3A_71] : memref<10240x128xf32, #tpu.memory_space<vmem_shared>> -> memref<10240x128xf32, #tpu.memory_space<vmem_shared>>
        tpu.enqueue_indirect_dma source(%arg8 : memref<128x128xf32, #tpu.memory_space<vmem>>) target(%dma_start3A_72 : memref<10240x128xf32, #tpu.memory_space<vmem_shared>>) offsets(%dma_start3A_69 : memref<128xi32, #tpu.memory_space<vmem>>) semaphore(%arg13 : memref<!tpu.dma_semaphore, #tpu.memory_space<semaphore_mem>>) {add = true}
        %add3A_73 = arith.constant 1 : i32
        %add3A_74 = arith.addi %add3A_60, %add3A_73 : i32
        %lt3A = arith.constant 16 : i32
        %lt3A_75 = arith.cmpi slt, %add3A_74, %lt3A : i32
        %convert_element_type3A = arith.extui %lt3A_75 : i1 to i32
        %cond3A = arith.constant 0 : i32
        %cond3A_76 = arith.cmpi ne, %convert_element_type3A, %cond3A : i32
        scf.if %cond3A_76 {
          %ge3A = arith.constant 1 : i32
          %ge3A_98 = arith.cmpi sge, %add3A_60, %ge3A : i32
          %convert_element_type3A_99 = arith.extui %ge3A_98 : i1 to i32
          %cond3A_100 = arith.constant 0 : i32
          %cond3A_101 = arith.cmpi ne, %convert_element_type3A_99, %cond3A_100 : i32
          scf.if %cond3A_101 {
            %dma_wait3A_110 = arith.constant 0 : i32
            %dma_wait3A_111 = tpu.memref_slice %arg7[%add3A_60, %dma_wait3A_110] : memref<16x128xi32, #tpu.memory_space<vmem>> -> memref<1x128xi32, #tpu.memory_space<vmem>>
            %dma_wait3A_112 = tpu.memref_squeeze %dma_wait3A_111 : memref<1x128xi32, #tpu.memory_space<vmem>> -> memref<128xi32, #tpu.memory_space<vmem>>
            %dma_wait3A_113 = arith.constant 0 : i32
            %dma_wait3A_114 = arith.constant 0 : i32
            %dma_wait3A_115 = tpu.memref_slice %arg10[%dma_wait3A_113, %dma_wait3A_114] : memref<10240x128xf32, #tpu.memory_space<vmem_shared>> -> memref<10240x128xf32, #tpu.memory_space<vmem_shared>>
            tpu.wait_indirect_dma semaphore(%arg14 : memref<!tpu.dma_semaphore, #tpu.memory_space<semaphore_mem>>) src(%arg9 : memref<128x128xf32, #tpu.memory_space<vmem>>) dst(%dma_wait3A_115 : memref<10240x128xf32, #tpu.memory_space<vmem_shared>>)
          } else {
          }
          %add3A_102 = arith.constant 1 : i32
          %add3A_103 = arith.addi %add3A_60, %add3A_102 : i32
          %dma_start3A_104 = arith.constant 0 : i32
          %dma_start3A_105 = tpu.memref_slice %arg6[%add3A_103, %dma_start3A_104] : memref<16x128xi32, #tpu.memory_space<vmem>> -> memref<1x128xi32, #tpu.memory_space<vmem>>
          %dma_start3A_106 = tpu.memref_squeeze %dma_start3A_105 : memref<1x128xi32, #tpu.memory_space<vmem>> -> memref<128xi32, #tpu.memory_space<vmem>>
          %dma_start3A_107 = arith.constant 0 : i32
          %dma_start3A_108 = arith.constant 0 : i32
          %dma_start3A_109 = tpu.memref_slice %arg2[%dma_start3A_107, %dma_start3A_108] : memref<10000x128xf32, #tpu.memory_space<hbm>> -> memref<10000x128xf32, #tpu.memory_space<hbm>>
          tpu.enqueue_indirect_dma source(%dma_start3A_109 : memref<10000x128xf32, #tpu.memory_space<hbm>>) target(%arg9 : memref<128x128xf32, #tpu.memory_space<vmem>>) offsets(%dma_start3A_106 : memref<128xi32, #tpu.memory_space<vmem>>) semaphore(%arg12 : memref<!tpu.dma_semaphore, #tpu.memory_space<semaphore_mem>>)
        } else {
        }
        %add3A_77 = arith.constant 1 : i32
        %add3A_78 = arith.addi %add3A_58, %add3A_77 : i32
        %dma_wait3A_79 = arith.constant 0 : i32
        %dma_wait3A_80 = tpu.memref_slice %arg6[%add3A_78, %dma_wait3A_79] : memref<16x128xi32, #tpu.memory_space<vmem>> -> memref<1x128xi32, #tpu.memory_space<vmem>>
        %dma_wait3A_81 = tpu.memref_squeeze %dma_wait3A_80 : memref<1x128xi32, #tpu.memory_space<vmem>> -> memref<128xi32, #tpu.memory_space<vmem>>
        %dma_wait3A_82 = arith.constant 0 : i32
        %dma_wait3A_83 = arith.constant 0 : i32
        %dma_wait3A_84 = tpu.memref_slice %arg2[%dma_wait3A_82, %dma_wait3A_83] : memref<10000x128xf32, #tpu.memory_space<hbm>> -> memref<10000x128xf32, #tpu.memory_space<hbm>>
        tpu.wait_indirect_dma semaphore(%arg12 : memref<!tpu.dma_semaphore, #tpu.memory_space<semaphore_mem>>) src(%dma_wait3A_84 : memref<10000x128xf32, #tpu.memory_space<hbm>>) dst(%arg9 : memref<128x128xf32, #tpu.memory_space<vmem>>)
        %dma_start3A_85 = arith.constant 0 : i32
        %dma_start3A_86 = tpu.memref_slice %arg7[%add3A_78, %dma_start3A_85] : memref<16x128xi32, #tpu.memory_space<vmem>> -> memref<1x128xi32, #tpu.memory_space<vmem>>
        %dma_start3A_87 = tpu.memref_squeeze %dma_start3A_86 : memref<1x128xi32, #tpu.memory_space<vmem>> -> memref<128xi32, #tpu.memory_space<vmem>>
        %dma_start3A_88 = arith.constant 0 : i32
        %dma_start3A_89 = arith.constant 0 : i32
        %dma_start3A_90 = tpu.memref_slice %arg10[%dma_start3A_88, %dma_start3A_89] : memref<10240x128xf32, #tpu.memory_space<vmem_shared>> -> memref<10240x128xf32, #tpu.memory_space<vmem_shared>>
        tpu.enqueue_indirect_dma source(%arg9 : memref<128x128xf32, #tpu.memory_space<vmem>>) target(%dma_start3A_90 : memref<10240x128xf32, #tpu.memory_space<vmem_shared>>) offsets(%dma_start3A_87 : memref<128xi32, #tpu.memory_space<vmem>>) semaphore(%arg14 : memref<!tpu.dma_semaphore, #tpu.memory_space<semaphore_mem>>) {add = true}
        %add3A_91 = arith.constant 1 : i32
        %add3A_92 = arith.addi %add3A_78, %add3A_91 : i32
        %lt3A_93 = arith.constant 16 : i32
        %lt3A_94 = arith.cmpi slt, %add3A_92, %lt3A_93 : i32
        %convert_element_type3A_95 = arith.extui %lt3A_94 : i1 to i32
        %cond3A_96 = arith.constant 0 : i32
        %cond3A_97 = arith.cmpi ne, %convert_element_type3A_95, %cond3A_96 : i32
        scf.if %cond3A_97 {
          %ge3A = arith.constant 1 : i32
          %ge3A_98 = arith.cmpi sge, %add3A_78, %ge3A : i32
          %convert_element_type3A_99 = arith.extui %ge3A_98 : i1 to i32
          %cond3A_100 = arith.constant 0 : i32
          %cond3A_101 = arith.cmpi ne, %convert_element_type3A_99, %cond3A_100 : i32
          scf.if %cond3A_101 {
            %dma_wait3A_110 = arith.constant 0 : i32
            %dma_wait3A_111 = tpu.memref_slice %arg7[%add3A_78, %dma_wait3A_110] : memref<16x128xi32, #tpu.memory_space<vmem>> -> memref<1x128xi32, #tpu.memory_space<vmem>>
            %dma_wait3A_112 = tpu.memref_squeeze %dma_wait3A_111 : memref<1x128xi32, #tpu.memory_space<vmem>> -> memref<128xi32, #tpu.memory_space<vmem>>
            %dma_wait3A_113 = arith.constant 0 : i32
            %dma_wait3A_114 = arith.constant 0 : i32
            %dma_wait3A_115 = tpu.memref_slice %arg10[%dma_wait3A_113, %dma_wait3A_114] : memref<10240x128xf32, #tpu.memory_space<vmem_shared>> -> memref<10240x128xf32, #tpu.memory_space<vmem_shared>>
            tpu.wait_indirect_dma semaphore(%arg13 : memref<!tpu.dma_semaphore, #tpu.memory_space<semaphore_mem>>) src(%arg8 : memref<128x128xf32, #tpu.memory_space<vmem>>) dst(%dma_wait3A_115 : memref<10240x128xf32, #tpu.memory_space<vmem_shared>>)
          } else {
          }
          %add3A_102 = arith.constant 1 : i32
          %add3A_103 = arith.addi %add3A_78, %add3A_102 : i32
          %dma_start3A_104 = arith.constant 0 : i32
          %dma_start3A_105 = tpu.memref_slice %arg6[%add3A_103, %dma_start3A_104] : memref<16x128xi32, #tpu.memory_space<vmem>> -> memref<1x128xi32, #tpu.memory_space<vmem>>
          %dma_start3A_106 = tpu.memref_squeeze %dma_start3A_105 : memref<1x128xi32, #tpu.memory_space<vmem>> -> memref<128xi32, #tpu.memory_space<vmem>>
          %dma_start3A_107 = arith.constant 0 : i32
          %dma_start3A_108 = arith.constant 0 : i32
          %dma_start3A_109 = tpu.memref_slice %arg2[%dma_start3A_107, %dma_start3A_108] : memref<10000x128xf32, #tpu.memory_space<hbm>> -> memref<10000x128xf32, #tpu.memory_space<hbm>>
          tpu.enqueue_indirect_dma source(%dma_start3A_109 : memref<10000x128xf32, #tpu.memory_space<hbm>>) target(%arg8 : memref<128x128xf32, #tpu.memory_space<vmem>>) offsets(%dma_start3A_106 : memref<128xi32, #tpu.memory_space<vmem>>) semaphore(%arg11 : memref<!tpu.dma_semaphore, #tpu.memory_space<semaphore_mem>>)
        } else {
        }
      }
      %scan3A_40 = arith.constant 8 : i32
      %dma_wait3A = arith.constant 0 : i32
      %dma_wait3A_41 = arith.constant 0 : i32
      %dma_wait3A_42 = tpu.memref_slice %arg7[%dma_wait3A, %dma_wait3A_41] : memref<16x128xi32, #tpu.memory_space<vmem>> -> memref<1x128xi32, #tpu.memory_space<vmem>>
      %dma_wait3A_43 = tpu.memref_squeeze %dma_wait3A_42 : memref<1x128xi32, #tpu.memory_space<vmem>> -> memref<128xi32, #tpu.memory_space<vmem>>
      %dma_wait3A_44 = arith.constant 0 : i32
      %dma_wait3A_45 = arith.constant 0 : i32
      %dma_wait3A_46 = tpu.memref_slice %arg10[%dma_wait3A_44, %dma_wait3A_45] : memref<10240x128xf32, #tpu.memory_space<vmem_shared>> -> memref<10240x128xf32, #tpu.memory_space<vmem_shared>>
      tpu.wait_indirect_dma semaphore(%arg13 : memref<!tpu.dma_semaphore, #tpu.memory_space<semaphore_mem>>) src(%arg8 : memref<128x128xf32, #tpu.memory_space<vmem>>) dst(%dma_wait3A_46 : memref<10240x128xf32, #tpu.memory_space<vmem_shared>>)
      %dma_wait3A_47 = arith.constant 0 : i32
      %dma_wait3A_48 = arith.constant 0 : i32
      %dma_wait3A_49 = tpu.memref_slice %arg7[%dma_wait3A_47, %dma_wait3A_48] : memref<16x128xi32, #tpu.memory_space<vmem>> -> memref<1x128xi32, #tpu.memory_space<vmem>>
      %dma_wait3A_50 = tpu.memref_squeeze %dma_wait3A_49 : memref<1x128xi32, #tpu.memory_space<vmem>> -> memref<128xi32, #tpu.memory_space<vmem>>
      %dma_wait3A_51 = arith.constant 0 : i32
      %dma_wait3A_52 = arith.constant 0 : i32
      %dma_wait3A_53 = tpu.memref_slice %arg10[%dma_wait3A_51, %dma_wait3A_52] : memref<10240x128xf32, #tpu.memory_space<vmem_shared>> -> memref<10240x128xf32, #tpu.memory_space<vmem_shared>>
      tpu.wait_indirect_dma semaphore(%arg14 : memref<!tpu.dma_semaphore, #tpu.memory_space<semaphore_mem>>) src(%arg9 : memref<128x128xf32, #tpu.memory_space<vmem>>) dst(%dma_wait3A_53 : memref<10240x128xf32, #tpu.memory_space<vmem_shared>>)
    }
    %scan3A_15 = arith.constant 5 : i32
    %barrier3A_16 = arith.constant 0 : index
    tpu.barrier barrier_id(%barrier3A_16)
    %mul3A_17 = arith.constant 640 : i32
    %mul3A_18 = arith.muli %arg1, %mul3A_17 : i32
    %mul3A_19 = arith.constant 640 : i32
    %mul3A_20 = arith.muli %arg1, %mul3A_19 : i32
    "tpu.region"() ({
      %run_scoped3A = tpu.sem_alloc : memref<!tpu.dma_semaphore, #tpu.memory_space<semaphore_mem>>
      %dma_start3A = arith.constant 0 : i32
      %dma_start3A_21 = tpu.memref_slice %arg5[%arg0, %mul3A_20, %dma_start3A] : memref<2x10240x128xf32, #tpu.memory_space<hbm>> -> memref<1x640x128xf32, #tpu.memory_space<hbm>>
      %dma_start3A_22 = tpu.memref_squeeze %dma_start3A_21 : memref<1x640x128xf32, #tpu.memory_space<hbm>> -> memref<640x128xf32, #tpu.memory_space<hbm>>
      %dma_start3A_23 = arith.constant 0 : i32
      %dma_start3A_24 = tpu.memref_slice %arg10[%mul3A_18, %dma_start3A_23] : memref<10240x128xf32, #tpu.memory_space<vmem_shared>> -> memref<640x128xf32, #tpu.memory_space<vmem_shared>>
      tpu.enqueue_dma source(%dma_start3A_24 : memref<640x128xf32, #tpu.memory_space<vmem_shared>>) target(%dma_start3A_22 : memref<640x128xf32, #tpu.memory_space<hbm>>) target_semaphore(%run_scoped3A : memref<!tpu.dma_semaphore, #tpu.memory_space<semaphore_mem>>)
      %dma_wait3A = arith.constant 0 : i32
      %dma_wait3A_25 = tpu.memref_slice %arg5[%arg0, %mul3A_20, %dma_wait3A] : memref<2x10240x128xf32, #tpu.memory_space<hbm>> -> memref<1x640x128xf32, #tpu.memory_space<hbm>>
      %dma_wait3A_26 = tpu.memref_squeeze %dma_wait3A_25 : memref<1x640x128xf32, #tpu.memory_space<hbm>> -> memref<640x128xf32, #tpu.memory_space<hbm>>
      %dma_wait3A_27 = arith.constant 0 : i32
      %dma_wait3A_28 = tpu.memref_slice %arg10[%mul3A_18, %dma_wait3A_27] : memref<10240x128xf32, #tpu.memory_space<vmem_shared>> -> memref<640x128xf32, #tpu.memory_space<vmem_shared>>
      tpu.wait_dma2 semaphore(%run_scoped3A : memref<!tpu.dma_semaphore, #tpu.memory_space<semaphore_mem>>) src(%dma_wait3A_28 : memref<640x128xf32, #tpu.memory_space<vmem_shared>>) dst(%dma_wait3A_26 : memref<640x128xf32, #tpu.memory_space<hbm>>)
      tpu.yield
    }) : () -> ()
    return
  }
}

module attributes {stable_mosaic.version = 14 : i64} {
  func.func @_tc1_body(%arg0: memref<32x10240xf32, #tpu.memory_space<vmem>>, %arg1: memref<10000x128xf32, #tpu.memory_space<vmem>>, %arg2: memref<128x128xf32, #tpu.memory_space<vmem>>, %arg3: memref<10240x1xf32, #tpu.memory_space<vmem>>, %arg4: memref<10000x128xf32, #tpu.memory_space<vmem>>) attributes {dimension_semantics = [], scalar_prefetch = 0 : i64, scratch_operands = 0 : i64, tpu.core_type = #tpu.core_type<tc>} {
    %get3A = arith.constant 0 : index
    %get3A_0 = arith.constant 0 : index
    %get3A_1 = vector.load %arg0[%get3A, %get3A_0] : memref<32x10240xf32, #tpu.memory_space<vmem>>, vector<32x10240xf32>
    %broadcast_in_dim3A = arith.constant 1.000000e+00 : f32
    %broadcast_in_dim3A_2 = vector.broadcast %broadcast_in_dim3A : f32 to vector<32x1xf32>
    %dot_general3A = arith.constant dense<0.000000e+00> : vector<10240x1xf32>
    %dot_general3A_3 = tpu.matmul %get3A_1, %broadcast_in_dim3A_2, %dot_general3A {dimension_numbers = #tpu.dot_dimension_numbers<[0], [0], [1], [1], [0, 1, 1, 1], [], []>, transpose_lhs_hint = false} : vector<32x10240xf32>, vector<32x1xf32>, vector<10240x1xf32> -> vector<10240x1xf32>
    %add3A = arith.constant 1.000000e+00 : f32
    %add3A_4 = vector.broadcast %add3A : f32 to vector<10240x1xf32>
    %add3A_5 = arith.addf %dot_general3A_3, %add3A_4 : vector<10240x1xf32>
    %rsqrt3A = math.rsqrt %add3A_5 : vector<10240x1xf32>
    %swap3A = arith.constant 0 : index
    %swap3A_6 = arith.constant 0 : index
    %swap3A_7 = vector.load %arg3[%swap3A, %swap3A_6] : memref<10240x1xf32, #tpu.memory_space<vmem>>, vector<10240x1xf32>
    tpu.vector_store %arg3[%swap3A, %swap3A_6], %rsqrt3A {strides = array<i32>} : memref<10240x1xf32, #tpu.memory_space<vmem>>, vector<10240x1xf32>,
    %get3A_8 = arith.constant 0 : index
    %get3A_9 = arith.constant 0 : index
    %get3A_10 = vector.load %arg1[%get3A_8, %get3A_9] : memref<10000x128xf32, #tpu.memory_space<vmem>>, vector<10000x128xf32>
    %get3A_11 = arith.constant 0 : index
    %get3A_12 = arith.constant 0 : index
    %get3A_13 = vector.load %arg2[%get3A_11, %get3A_12] : memref<128x128xf32, #tpu.memory_space<vmem>>, vector<128x128xf32>
    %dot_general3A_14 = arith.constant dense<0.000000e+00> : vector<10000x128xf32>
    %dot_general3A_15 = tpu.matmul %get3A_10, %get3A_13, %dot_general3A_14 {dimension_numbers = #tpu.dot_dimension_numbers<[1], [1], [0], [0], [0, 0, 1, 0], [], []>, transpose_lhs_hint = false} : vector<10000x128xf32>, vector<128x128xf32>, vector<10000x128xf32> -> vector<10000x128xf32>
    %slice3A = vector.extract_strided_slice %rsqrt3A {offsets = [0, 0], sizes = [10000, 1], strides = [1, 1]} : vector<10240x1xf32> to vector<10000x1xf32>
    %mul3A = vector.broadcast %slice3A : vector<10000x1xf32> to vector<10000x128xf32>
    %mul3A_16 = arith.mulf %dot_general3A_15, %mul3A : vector<10000x128xf32>
    %swap3A_17 = arith.constant 0 : index
    %swap3A_18 = arith.constant 0 : index
    %swap3A_19 = vector.load %arg4[%swap3A_17, %swap3A_18] : memref<10000x128xf32, #tpu.memory_space<vmem>>, vector<10000x128xf32>
    tpu.vector_store %arg4[%swap3A_17, %swap3A_18], %mul3A_16 {strides = array<i32>} : memref<10000x128xf32, #tpu.memory_space<vmem>>, vector<10000x128xf32>,
    return
  }
}

module attributes {stable_mosaic.version = 14 : i64} {
  func.func @_tc2_body(%arg0: memref<2x10240x128xf32, #tpu.memory_space<vmem>>, %arg1: memref<10240x1xf32, #tpu.memory_space<vmem>>, %arg2: memref<1x128xf32, #tpu.memory_space<vmem>>, %arg3: memref<1x128xf32, #tpu.memory_space<vmem>>, %arg4: memref<128x128xf32, #tpu.memory_space<vmem>>, %arg5: memref<10000x128xf32, #tpu.memory_space<vmem>>) attributes {dimension_semantics = [], scalar_prefetch = 0 : i64, scratch_operands = 0 : i64, tpu.core_type = #tpu.core_type<tc>} {
    %get3A = arith.constant 0 : index
    %get3A_0 = arith.constant 0 : index
    %get3A_1 = vector.load %arg1[%get3A, %get3A_0] : memref<10240x1xf32, #tpu.memory_space<vmem>>, vector<10240x1xf32>
    %slice3A = vector.extract_strided_slice %get3A_1 {offsets = [0, 0], sizes = [10000, 1], strides = [1, 1]} : vector<10240x1xf32> to vector<10000x1xf32>
    %get3A_2 = arith.constant 0 : index
    %get3A_3 = arith.constant 0 : index
    %get3A_4 = arith.constant 0 : index
    %get3A_5 = vector.load %arg0[%get3A_2, %get3A_3, %get3A_4] : memref<2x10240x128xf32, #tpu.memory_space<vmem>>, vector<1x10000x128xf32>
    %get3A_6 = vector.shape_cast %get3A_5 : vector<1x10000x128xf32> to vector<10000x128xf32>
    %get3A_7 = arith.constant 1 : index
    %get3A_8 = arith.constant 0 : index
    %get3A_9 = arith.constant 0 : index
    %get3A_10 = vector.load %arg0[%get3A_7, %get3A_8, %get3A_9] : memref<2x10240x128xf32, #tpu.memory_space<vmem>>, vector<1x10000x128xf32>
    %get3A_11 = vector.shape_cast %get3A_10 : vector<1x10000x128xf32> to vector<10000x128xf32>
    %add3A = arith.addf %get3A_6, %get3A_11 : vector<10000x128xf32>
    %mul3A = vector.broadcast %slice3A : vector<10000x1xf32> to vector<10000x128xf32>
    %mul3A_12 = arith.mulf %add3A, %mul3A : vector<10000x128xf32>
    %reduce_sum3A = arith.constant dense<0.000000e+00> : vector<128xf32>
    %reduce_sum3A_13 = vector.multi_reduction <add>, %mul3A_12, %reduce_sum3A [0] : vector<10000x128xf32> to vector<128xf32>
    %broadcast_in_dim3A = vector.shape_cast %reduce_sum3A_13 : vector<128xf32> to vector<1x128xf32>
    %div3A = arith.constant 1.000000e+04 : f32
    %div3A_14 = vector.broadcast %div3A : f32 to vector<1x128xf32>
    %div3A_15 = arith.divf %broadcast_in_dim3A, %div3A_14 : vector<1x128xf32>
    %sub3A = vector.broadcast %div3A_15 : vector<1x128xf32> to vector<10000x128xf32>
    %sub3A_16 = arith.subf %mul3A_12, %sub3A : vector<10000x128xf32>
    %mul3A_17 = arith.mulf %sub3A_16, %sub3A_16 : vector<10000x128xf32>
    %reduce_sum3A_18 = arith.constant dense<0.000000e+00> : vector<128xf32>
    %reduce_sum3A_19 = vector.multi_reduction <add>, %mul3A_17, %reduce_sum3A_18 [0] : vector<10000x128xf32> to vector<128xf32>
    %broadcast_in_dim3A_20 = vector.shape_cast %reduce_sum3A_19 : vector<128xf32> to vector<1x128xf32>
    %div3A_21 = arith.constant 1.000000e+04 : f32
    %div3A_22 = vector.broadcast %div3A_21 : f32 to vector<1x128xf32>
    %div3A_23 = arith.divf %broadcast_in_dim3A_20, %div3A_22 : vector<1x128xf32>
    %add3A_24 = arith.constant 9.99999974E-6 : f32
    %add3A_25 = vector.broadcast %add3A_24 : f32 to vector<1x128xf32>
    %add3A_26 = arith.addf %div3A_23, %add3A_25 : vector<1x128xf32>
    %rsqrt3A = math.rsqrt %add3A_26 : vector<1x128xf32>
    %mul3A_27 = vector.broadcast %rsqrt3A : vector<1x128xf32> to vector<10000x128xf32>
    %mul3A_28 = arith.mulf %sub3A_16, %mul3A_27 : vector<10000x128xf32>
    %get3A_29 = arith.constant 0 : index
    %get3A_30 = arith.constant 0 : index
    %get3A_31 = vector.load %arg2[%get3A_29, %get3A_30] : memref<1x128xf32, #tpu.memory_space<vmem>>, vector<1x128xf32>
    %mul3A_32 = vector.broadcast %get3A_31 : vector<1x128xf32> to vector<10000x128xf32>
    %mul3A_33 = arith.mulf %mul3A_28, %mul3A_32 : vector<10000x128xf32>
    %get3A_34 = arith.constant 0 : index
    %get3A_35 = arith.constant 0 : index
    %get3A_36 = vector.load %arg3[%get3A_34, %get3A_35] : memref<1x128xf32, #tpu.memory_space<vmem>>, vector<1x128xf32>
    %add3A_37 = vector.broadcast %get3A_36 : vector<1x128xf32> to vector<10000x128xf32>
    %add3A_38 = arith.addf %mul3A_33, %add3A_37 : vector<10000x128xf32>
    %max3A = arith.constant 0.000000e+00 : f32
    %max3A_39 = vector.broadcast %max3A : f32 to vector<10000x128xf32>
    %max3A_40 = arith.maximumf %add3A_38, %max3A_39 : vector<10000x128xf32>
    %get3A_41 = arith.constant 0 : index
    %get3A_42 = arith.constant 0 : index
    %get3A_43 = vector.load %arg4[%get3A_41, %get3A_42] : memref<128x128xf32, #tpu.memory_space<vmem>>, vector<128x128xf32>
    %dot_general3A = arith.constant dense<0.000000e+00> : vector<10000x128xf32>
    %dot_general3A_44 = tpu.matmul %max3A_40, %get3A_43, %dot_general3A {dimension_numbers = #tpu.dot_dimension_numbers<[1], [1], [0], [0], [0, 0, 1, 0], [], []>, transpose_lhs_hint = false} : vector<10000x128xf32>, vector<128x128xf32>, vector<10000x128xf32> -> vector<10000x128xf32>
    %mul3A_45 = vector.broadcast %slice3A : vector<10000x1xf32> to vector<10000x128xf32>
    %mul3A_46 = arith.mulf %dot_general3A_44, %mul3A_45 : vector<10000x128xf32>
    %swap3A = arith.constant 0 : index
    %swap3A_47 = arith.constant 0 : index
    %swap3A_48 = vector.load %arg5[%swap3A, %swap3A_47] : memref<10000x128xf32, #tpu.memory_space<vmem>>, vector<10000x128xf32>
    tpu.vector_store %arg5[%swap3A, %swap3A_47], %mul3A_46 {strides = array<i32>} : memref<10000x128xf32, #tpu.memory_space<vmem>>, vector<10000x128xf32>,
    return
  }
}

module attributes {stable_mosaic.version = 14 : i64} {
  func.func @_tc3_body(%arg0: memref<2x10240x128xf32, #tpu.memory_space<vmem>>, %arg1: memref<10240x1xf32, #tpu.memory_space<vmem>>, %arg2: memref<1x10000xi32, #tpu.memory_space<vmem>>, %arg3: memref<128x128xf32, #tpu.memory_space<vmem>>, %arg4: memref<1x128xf32, #tpu.memory_space<vmem>>, %arg5: memref<40x128xf32, #tpu.memory_space<vmem>>, %arg6: memref<1x40xf32, #tpu.memory_space<vmem>>, %arg7: memref<256x40xf32, #tpu.memory_space<vmem>>) attributes {dimension_semantics = [], scalar_prefetch = 0 : i64, scratch_operands = 0 : i64, tpu.core_type = #tpu.core_type<tc>} {
    %get3A = arith.constant 0 : index
    %get3A_0 = arith.constant 0 : index
    %get3A_1 = vector.load %arg1[%get3A, %get3A_0] : memref<10240x1xf32, #tpu.memory_space<vmem>>, vector<10240x1xf32>
    %slice3A = vector.extract_strided_slice %get3A_1 {offsets = [0, 0], sizes = [10000, 1], strides = [1, 1]} : vector<10240x1xf32> to vector<10000x1xf32>
    %get3A_2 = arith.constant 0 : index
    %get3A_3 = arith.constant 0 : index
    %get3A_4 = arith.constant 0 : index
    %get3A_5 = vector.load %arg0[%get3A_2, %get3A_3, %get3A_4] : memref<2x10240x128xf32, #tpu.memory_space<vmem>>, vector<1x10000x128xf32>
    %get3A_6 = vector.shape_cast %get3A_5 : vector<1x10000x128xf32> to vector<10000x128xf32>
    %get3A_7 = arith.constant 1 : index
    %get3A_8 = arith.constant 0 : index
    %get3A_9 = arith.constant 0 : index
    %get3A_10 = vector.load %arg0[%get3A_7, %get3A_8, %get3A_9] : memref<2x10240x128xf32, #tpu.memory_space<vmem>>, vector<1x10000x128xf32>
    %get3A_11 = vector.shape_cast %get3A_10 : vector<1x10000x128xf32> to vector<10000x128xf32>
    %add3A = arith.addf %get3A_6, %get3A_11 : vector<10000x128xf32>
    %mul3A = vector.broadcast %slice3A : vector<10000x1xf32> to vector<10000x128xf32>
    %mul3A_12 = arith.mulf %add3A, %mul3A : vector<10000x128xf32>
    %iota3A = tpu.iota {dimensions = array<i32: 0>} : vector<256x10000xi32>
    %get3A_13 = arith.constant 0 : index
    %get3A_14 = arith.constant 0 : index
    %get3A_15 = vector.load %arg2[%get3A_13, %get3A_14] : memref<1x10000xi32, #tpu.memory_space<vmem>>, vector<1x10000xi32>
    %eq3A = vector.broadcast %get3A_15 : vector<1x10000xi32> to vector<256x10000xi32>
    %eq3A_16 = arith.cmpi eq, %iota3A, %eq3A : vector<256x10000xi32>
    %convert_element_type3A = arith.extui %eq3A_16 : vector<256x10000xi1> to vector<256x10000xi32>
    %convert_element_type3A_17 = arith.sitofp %convert_element_type3A : vector<256x10000xi32> to vector<256x10000xf32>
    %dot_general3A = arith.constant dense<0.000000e+00> : vector<256x128xf32>
    %dot_general3A_18 = tpu.matmul %convert_element_type3A_17, %mul3A_12, %dot_general3A {dimension_numbers = #tpu.dot_dimension_numbers<[1], [0], [0], [1], [0, 0, 1, 1], [], []>, transpose_lhs_hint = false} : vector<256x10000xf32>, vector<10000x128xf32>, vector<256x128xf32> -> vector<256x128xf32>
    %reduce_sum3A = arith.constant dense<0.000000e+00> : vector<256xf32>
    %reduce_sum3A_19 = vector.multi_reduction <add>, %convert_element_type3A_17, %reduce_sum3A [1] : vector<256x10000xf32> to vector<256xf32>
    %broadcast_in_dim3A = vector.shape_cast %reduce_sum3A_19 : vector<256xf32> to vector<256x1xf32>
    %max3A = arith.constant 1.000000e+00 : f32
    %max3A_20 = vector.broadcast %max3A : f32 to vector<256x1xf32>
    %max3A_21 = arith.maximumf %broadcast_in_dim3A, %max3A_20 : vector<256x1xf32>
    %div3A = vector.broadcast %max3A_21 : vector<256x1xf32> to vector<256x128xf32>
    %div3A_22 = arith.divf %dot_general3A_18, %div3A : vector<256x128xf32>
    %get3A_23 = arith.constant 0 : index
    %get3A_24 = arith.constant 0 : index
    %get3A_25 = vector.load %arg3[%get3A_23, %get3A_24] : memref<128x128xf32, #tpu.memory_space<vmem>>, vector<128x128xf32>
    %dot_general3A_26 = arith.constant dense<0.000000e+00> : vector<256x128xf32>
    %dot_general3A_27 = tpu.matmul %div3A_22, %get3A_25, %dot_general3A_26 {dimension_numbers = #tpu.dot_dimension_numbers<[1], [1], [0], [0], [0, 0, 1, 0], [], []>, transpose_lhs_hint = false} : vector<256x128xf32>, vector<128x128xf32>, vector<256x128xf32> -> vector<256x128xf32>
    %get3A_28 = arith.constant 0 : index
    %get3A_29 = arith.constant 0 : index
    %get3A_30 = vector.load %arg4[%get3A_28, %get3A_29] : memref<1x128xf32, #tpu.memory_space<vmem>>, vector<1x128xf32>
    %add3A_31 = vector.broadcast %get3A_30 : vector<1x128xf32> to vector<256x128xf32>
    %add3A_32 = arith.addf %dot_general3A_27, %add3A_31 : vector<256x128xf32>
    %max3A_33 = arith.constant 0.000000e+00 : f32
    %max3A_34 = vector.broadcast %max3A_33 : f32 to vector<256x128xf32>
    %max3A_35 = arith.maximumf %add3A_32, %max3A_34 : vector<256x128xf32>
    %get3A_36 = arith.constant 0 : index
    %get3A_37 = arith.constant 0 : index
    %get3A_38 = vector.load %arg5[%get3A_36, %get3A_37] : memref<40x128xf32, #tpu.memory_space<vmem>>, vector<40x128xf32>
    %dot_general3A_39 = arith.constant dense<0.000000e+00> : vector<256x40xf32>
    %dot_general3A_40 = tpu.matmul %max3A_35, %get3A_38, %dot_general3A_39 {dimension_numbers = #tpu.dot_dimension_numbers<[1], [1], [0], [0], [0, 0, 1, 0], [], []>, transpose_lhs_hint = false} : vector<256x128xf32>, vector<40x128xf32>, vector<256x40xf32> -> vector<256x40xf32>
    %get3A_41 = arith.constant 0 : index
    %get3A_42 = arith.constant 0 : index
    %get3A_43 = vector.load %arg6[%get3A_41, %get3A_42] : memref<1x40xf32, #tpu.memory_space<vmem>>, vector<1x40xf32>
    %add3A_44 = vector.broadcast %get3A_43 : vector<1x40xf32> to vector<256x40xf32>
    %add3A_45 = arith.addf %dot_general3A_40, %add3A_44 : vector<256x40xf32>
    %reduce_max3A = arith.constant dense<0xFF800000> : vector<256xf32>
    %reduce_max3A_46 = vector.multi_reduction <maximumf>, %add3A_45, %reduce_max3A [1] : vector<256x40xf32> to vector<256xf32>
    %broadcast_in_dim3A_47 = vector.shape_cast %reduce_max3A_46 : vector<256xf32> to vector<256x1xf32>
    %sub3A = vector.broadcast %broadcast_in_dim3A_47 : vector<256x1xf32> to vector<256x40xf32>
    %sub3A_48 = arith.subf %add3A_45, %sub3A : vector<256x40xf32>
    %exp3A = math.exp %sub3A_48 : vector<256x40xf32>
    %reduce_sum3A_49 = arith.constant dense<0.000000e+00> : vector<256xf32>
    %reduce_sum3A_50 = vector.multi_reduction <add>, %exp3A, %reduce_sum3A_49 [1] : vector<256x40xf32> to vector<256xf32>
    %broadcast_in_dim3A_51 = vector.shape_cast %reduce_sum3A_50 : vector<256xf32> to vector<256x1xf32>
    %log3A = math.log %broadcast_in_dim3A_51 : vector<256x1xf32>
    %add3A_52 = arith.addf %broadcast_in_dim3A_47, %log3A : vector<256x1xf32>
    %sub3A_53 = vector.broadcast %add3A_52 : vector<256x1xf32> to vector<256x40xf32>
    %sub3A_54 = arith.subf %add3A_45, %sub3A_53 : vector<256x40xf32>
    %swap3A = arith.constant 0 : index
    %swap3A_55 = arith.constant 0 : index
    %swap3A_56 = vector.load %arg7[%swap3A, %swap3A_55] : memref<256x40xf32, #tpu.memory_space<vmem>>, vector<256x40xf32>
    tpu.vector_store %arg7[%swap3A, %swap3A_55], %sub3A_54 {strides = array<i32>} : memref<256x40xf32, #tpu.memory_space<vmem>>, vector<256x40xf32>,
    return
  }
}

</mosaic_0001>

<sc_bundles>
// kernel: kernel.10.cloned.1.call-start
scs
__scs_entry_jumppad:
0x0: {  	(pc) =	sbr.rel $0x88, $3  }
0x1: {  	(tag) =	ssettag $0x0;
	lr =	simm.s32 $0x1  }
0x2: {  	[smem:$0x3F93] =	sst lr;
	_ =	strace $0xD0000000  }
0x3: {  	_ = 	snop  }
0x4: {  	_ = 	snop  }
0x5: {  	_ = 	snop  }
0x6: {  	_ = 	snop  }
0x7: {  	_ = 	snop  }
__scs_overlays_trampoline_lowered:
0x8: {  	[smem:$0x3FA2] =	sst s0  }
0x9: {  	[smem:$0x3FA3] =	sst s1  }
0xa: {  	[smem:$0x3FA4] =	sst s2  }
0xb: {  	[smem:$0x3FA5] =	sst s3  }
0xc: {  	[smem:$0x3FA6] =	sst s4  }
0xd: {  	[smem:$0x3FA7] =	sst s5  }
0xe: {  	[smem:$0x3FA8] =	sst s6  }
0xf: {  	[smem:$0x3FA9] =	sst s7  }
0x10: {  	[smem:$0x3FAA] =	sst s8  }
0x11: {  	[smem:$0x3FAB] =	sst s9;
	s0 =	simm.s32 @!p0 $0x0  }
0x12: {  	s1 =	sld [smem:$0x3F91];
	s0 =	simm.s32 @p0 $0x1  }
0x13: {  	[smem:$0x3FAC] =	sst s0;
	s0 =	simm.s32 @!p1 $0x0  }
0x14: {  	s2 =	sld [smem:$0x3F90];
	s0 =	simm.s32 @p1 $0x1  }
0x15: {  	[smem:$0x3FAD] =	sst s0;
	s0 =	simm.s32 @!p2 $0x0  }
0x16: {  	s3 =	sld [smem:$0x3FDB];
	s0 =	simm.s32 @p2 $0x1  }
0x17: {  	s4 =	simm.s32 $0x1BF5;
	[smem:$0x3FAF] =	sst s0  }
0x18: {  	s0 =	sld [smem:$0x3F92];
	_ =	swait.ge [sflag:s4], $0x0  }
0x19: {  	s7 =	sld [smem:$0x3F93]  }
0x1a: {  	s8 =	sadd.s32 $0xFFFFE003, lr  }
0x1b: {  	s9 =	sadd.s32 $0xFFFFFEF7, lr;
	s5 =	simm.s32 $0xFFFFFFFF;
	p2 =	slt.u32 s8, $0xFFFFF086  }
0x1c: {  	p1 =	slt.u32 s9, $0xF7A;
	s5 =	simm.s32 @!p2 $0x0  }
0x1d: {  	s5 =	simm.s32 @p1 $0x1;
	p0 =	seq.s32 s7, s2  }
0x1e: {  	s7 =	smul.u32 @!p0 $0xF7A, s2;
	p2 =	seq.s32 @!p0 s5, $0x0  }
0x1f: {  	s9 =	smul.u32 $0xF7A, s1;
	s8 =	simm.s32 @!p0 $0x1BF5;
	p2 =	por !p2, p0  }
0x20: {  	[sflag:s8] =	ssyncset.s32 @!p0 $0xFFFFF086;
	s6 =	sadd.s32 @!p0 s3, s7;
	s7 =	simm.s32 @!p0 $0x108  }
0x21: {  	s3 =	sadd.s32 s3, s9;
	s6 =	sadd.s32 @!p0 $0x88, s6;
	s7 =	simm.s32 @p2 $0x1082  }
0x22: {  	[simem:s7], [sflag:s8] =	dma.local @!p0 [hbm:s6], $0xF7A  }
0x23: {  	s9 =	sor.u32 $0xD0000000, s2;
	s6 =	simm.s32 $0x108;
	_ =	swait.ge @!p0 [sflag:s8], $0x0  }
0x24: {  	s3 =	sadd.s32 $0x88, s3;
	s6 =	simm.s32 @!p1 $0x1082;
	[sflag:s4] =	ssyncset.s32 $0xFFFFF086  }
0x25: {  	[simem:s6], [sflag:s4] =	dma.local [hbm:s3], $0xF7A  }
0x26: {  	[smem:$0x3F93] =	sst s1;
	(tag) =	ssettag s2;
	_ =	strace s9  }
0x27: {  	s1 =	sld [smem:$0x3FA3]  }
0x28: {  	s2 =	sld [smem:$0x3FA4]  }
0x29: {  	s4 =	sld [smem:$0x3FA6]  }
0x2a: {  	p0 =	seq.s32 s5, $0x0;
	s5 =	sld [smem:$0x3FA7]  }
0x2b: {  	s6 =	sld [smem:$0x3FA8]  }
0x2c: {  	s7 =	sld [smem:$0x3FA9]  }
0x2d: {  	s3 =	simm.s32 $0x108;
	s8 =	sld [smem:$0x3FAA]  }
0x2e: {  	s3 =	simm.s32 @!p0 $0x1082;
	s9 =	sld [smem:$0x3FAB]  }
0x2f: {  	lr =	sadd.s32 s0, s3;
	s0 =	sld [smem:$0x3FA2]  }
0x30: {  	s3 =	sld [smem:$0x3FA5]  }
0x31: {  	[smem:$0x3FAE] =	sst s10  }
0x32: {  	s10 =	sld [smem:$0x3FAC];
	_ =	sdelay $0x3  }
0x33: {  	p0 =	seq.s32 s10, $0x1;
	s10 =	sld [smem:$0x3FAE];
	_ =	sdelay $0x3  }
0x34: {  	[smem:$0x3FAE] =	sst s10  }
0x35: {  	s10 =	sld [smem:$0x3FAD];
	_ =	sdelay $0x3  }
0x36: {  	p1 =	seq.s32 s10, $0x1;
	s10 =	sld [smem:$0x3FAE];
	_ =	sdelay $0x3  }
0x37: {  	[smem:$0x3FAE] =	sst s10  }
0x38: {  	s10 =	sld [smem:$0x3FAF]  }
0x39: {  	_ = 	snop;
	(pc) =	sbr.ind lr, $3  }
0x3a: {  	_ = 	snop  }
0x3b: {  	_ = 	snop  }
0x3c: {  	p2 =	seq.s32 s10, $0x1;
	s10 =	sld [smem:$0x3FAE]  }
0x3d: {  	_ =	shalt  }
0x3e: {  	_ =	shalt  }
0x3f: {  	_ =	shalt  }
0x40: {  	_ =	shalt  }
0x41: {  	_ =	shalt  }
0x42: {  	_ =	shalt  }
0x43: {  	_ =	shalt  }
0x44: {  	_ =	shalt  }
0x45: {  	_ =	shalt  }
0x46: {  	_ =	shalt  }
0x47: {  	_ =	shalt  }
0x48: {  	_ =	shalt  }
0x49: {  	_ =	shalt  }
0x4a: {  	_ =	shalt  }
0x4b: {  	_ =	shalt  }
0x4c: {  	_ =	shalt  }
0x4d: {  	_ =	shalt  }
0x4e: {  	_ =	shalt  }
0x4f: {  	_ =	shalt  }
0x50: {  	_ =	shalt  }
0x51: {  	_ =	shalt  }
0x52: {  	_ =	shalt  }
0x53: {  	_ =	shalt  }
0x54: {  	_ =	shalt  }
0x55: {  	_ =	shalt  }
0x56: {  	_ =	shalt  }
0x57: {  	_ =	shalt  }
0x58: {  	_ =	shalt  }
0x59: {  	_ =	shalt  }
0x5a: {  	_ =	shalt  }
0x5b: {  	_ =	shalt  }
0x5c: {  	_ =	shalt  }
0x5d: {  	_ =	shalt  }
0x5e: {  	_ =	shalt  }
0x5f: {  	_ =	shalt  }
0x60: {  	_ =	shalt  }
0x61: {  	_ =	shalt  }
0x62: {  	_ =	shalt  }
0x63: {  	_ =	shalt  }
0x64: {  	_ =	shalt  }
0x65: {  	_ =	shalt  }
0x66: {  	_ =	shalt  }
0x67: {  	_ =	shalt  }
0x68: {  	_ =	shalt  }
0x69: {  	_ =	shalt  }
0x6a: {  	_ =	shalt  }
0x6b: {  	_ =	shalt  }
0x6c: {  	_ =	shalt  }
0x6d: {  	_ =	shalt  }
0x6e: {  	_ =	shalt  }
0x6f: {  	_ =	shalt  }
0x70: {  	_ =	shalt  }
0x71: {  	_ =	shalt  }
0x72: {  	_ =	shalt  }
0x73: {  	_ =	shalt  }
0x74: {  	_ =	shalt  }
0x75: {  	_ =	shalt  }
0x76: {  	_ =	shalt  }
0x77: {  	_ =	shalt  }
0x78: {  	_ =	shalt  }
0x79: {  	_ =	shalt  }
0x7a: {  	_ =	shalt  }
0x7b: {  	_ =	shalt  }
0x7c: {  	_ =	shalt  }
0x7d: {  	_ =	shalt  }
0x7e: {  	_ =	shalt  }
0x7f: {  	_ =	shalt  }
0x80: {  	_ =	shalt  }
0x81: {  	_ =	shalt  }
0x82: {  	_ =	shalt  }
0x83: {  	_ =	shalt  }
0x84: {  	_ =	shalt  }
0x85: {  	_ =	shalt  }
0x86: {  	_ =	shalt  }
0x87: {  	_ =	shalt  }
.Lfunc_end0:
.L_simem_size_0:
called_computation_lowered:
.L_overlay_start_0:
0x88: {  	s2 =	sld [smem:$0x3FD9]  }
0x89: {  	s3 =	sld [smem:$0x3FFE];
	_ =	sdelay $0x1  }
0x8a: {  	s1 =	srdreg.scid  }
0x8b: {  	s0 =	sand.u32 $0x1, s1  }
0x8c: {  	s16 =	sshll.u32 s0, $0xA;
	s2 =	sadd.s32 s3, s2  }
0x8d: {  	s2 =	sadd.s32 s2, s16  }
0x8e: {  	[smem:$0x3FBA] =	sst s2  }
0x8f: {  	_ = 	snop  }
0x90: {  	(tm) =	ssettm $0x1  }
0x91: {  	s17 =	sld [smem:$0x3FFB];
	_ =	sdelay $0x3  }
0x92: {  	_ =	strace s17  }
0x93: {  	s2 =	sld [smem:$0x3FFC];
	_ =	sdelay $0x3  }
0x94: {  	_ =	strace s2  }
0x95: {  	s2 =	sld [smem:$0x3FFD];
	_ =	sdelay $0x3  }
0x96: {  	_ =	strace s2  }
0x97: {  	_ =	strace $0x8FFFFFFF  }
0x98: {  	s18 =	sld [smem:$0x3FDB];
	_ =	sdelay $0x1  }
0x99: {  	s19 =	simm.s32 $_scs_section_size  }
0x9a: {  	s4 =	simm.s32 $_size__tile_overlayer_lowered;
	s5 =	simm.s32 $_tile_overlayer_lowered  }
0x9b: {  	s22 =	simm.s32 $0x1BFF;
	s21 =	sshll.u32 s5, $0x1;
	s2 =	sadd.s32 s19, s18  }
0x9c: {  	s6 =	simm.s32 $0x0;
	s20 =	sshll.u32 s4, $0x1;
	s4 =	sadd.s32 s21, s2  }
0x9d: {  	[timem:s6], [sflag:s22] =	dma.local [hbm:s4], s20  }
0x9e: {  	_ =	swait.ge [sflag:s22], s20  }
0x9f: {  	s3 =	ssub.s32 $0x0, s20;
	[sflag:s22] =	ssyncset.done $0x0  }
0xa0: {  	[sflag:s22] =	ssyncadd.s32 s3;
	_ =	sdelay $0x1  }
0xa1: {  	s23 =	simm.s32 $0x1B8B  }
0xa2: {  	_ =	swait.ge [sflag:s23], $0x1  }
0xa3: {  	[sflag:s23] =	ssyncset.done $0x0  }
0xa4: {  	s25 =	simm.s32 $0x1B8E;
	s24 =	sld [smem:$0x3FFE];
	[sflag:s23] =	ssyncadd.s32 $0xFFFFFFFF  }
0xa5: {  	s26 =	simm.s32 $execute0_lowered;
	[smem:$0x3FD2] =	sst s25  }
0xa6: {  	s4 =	sshll.u32 s26, $0x1;
	_ =	strace $0x80000046;
	[dreg:$0x1] =	wrdreg $0xFFFFFFFF  }
0xa7: {  	s28 =	simm.s32 $_size_execute0_lowered;
	s2 =	sadd.s32 s2, s4;
	[dreg:$0x0] =	wrdreg $0x0  }
0xa8: {  	s4 =	sshll.u32 s28, $0x1;
	[dreg:$0x2] =	wrdreg s2  }
0xa9: {  	[dreg:$0x3] =	wrdreg s4  }
0xaa: {  	[dreg:$0x4] =	wrdreg $0xC0  }
0xab: {  	_ =	task [dreg:s6], $0x5FFFF  }
0xac: {  	[dreg:$0x1] =	wrdreg $0xFFFFFFFF  }
0xad: {  	[dreg:$0x0] =	wrdreg $0x60  }
0xae: {  	[dreg:$0x2] =	wrdreg s24  }
0xaf: {  	[dreg:$0x3] =	wrdreg $0x9  }
0xb0: {  	_ =	task.clear_ibuf [dreg:s6], $0x4FFFF;
	_ =	strace $0x90000046  }
0xb1: {  	s29 =	simm.s32 $0x9;
	_ =	strace $0x80000048  }
0xb2: {  	_ =	swait.ge [sflag:s29], $0x1  }
0xb3: {  	[sflag:s29] =	ssyncadd.s32 $0xFFFFFFFF  }
0xb4: {  	_ =	strace $0x90000048  }
0xb5: {  	_ =	sfence  }
0xb6: {  	s30 =	sld [smem:$0x0];
	_ =	sdelay $0x2  }
0xb7: {  	s31 =	sshll.u32 s1, $0xD;
	s1 =	sshrl.u32 s1, $0x2  }
0xb8: {  	s3 =	sand.u32 $0x4000, s31;
	s1 =	sadd.s32 s1, s30  }
0xb9: {  	s0 =	sor.u32 s3, s0;
	s1 =	sshll.u32 s1, $0x11  }
0xba: {  	s0 =	sor.u32 s1, s0  }
0xbb: {  	s0 =	sadd.s32 $0x8F2B, s0  }
0xbc: {  	[sflag:s0] =	ssyncadd.remote.s32 $0x1  }
0xbd: {  	_ =	sfence.sel $0xFFFF  }
0xbe: {  	[dreg:$0x0] =	wrdreg $0xFFFFFFFF;
	(pc) =	sbr.abs _section_cstart, $3  }
0xbf: {  	[dreg:$0x1] =	wrdreg $0xFFFFFFFF  }
0xc0: {  	_ =	task.clear_ibuf [dreg:s6], $0x2FFFF;
	_ =	strace $0x9FFFFFFF  }
0xc1: {  	(tm) =	ssettm $0x7FFFFFFF  }
tec
execute0_lowered:
.L_overlay_start_1:
0x0: {  	(tag) =	ssettag $0x1  }
0x1: {  	s0 =	srdreg.scid  }
0x2: {  	s5 =	rddreg [dreg:$0x0];
	s3 =	sand.u32 $0x1, s0  }
0x3: {  	s2 =	simm.s32 $0x0;
	s0 =	stileid.u32;
	s1 =	sshll.u32 s3, $0x4  }
0x4: {  	s8 =	simm.s32 $0x80;
	s9 =	simm.s32 $0x400;
	s4 =	sor.u32 s0, s1  }
0x5: {  	s10 =	simm.s32 $0x0;
	[smem:$0x7FF] =	sst s2;
	s1 =	sshrl.u32 s4, $0x3  }
0x6: {  	s7 =	sshll.u32 s0, $0x7;
	s3 =	ssub.s32 $0x2, s3;
	s6 =	smul.u32 $0x14000, s1  }
0x7: {  	s7 =	sand.u32 $0x380, s7;
	s31 =	sshrl.u32 s3, $0x1;
	s4 =	smul.u32 $0x500, s4  }
0x8: {  	s1 =	rddreg [dreg:$0x1];
	_ =	strace $0x80000047;
	s6 =	sor.u32 s7, s6  }
0x9: {  	s4 =	sadd.s32 s4, s5;
	s7 =	simm.s32 $0x2800;
	s6 =	sshrl.u32 s6, $0x3  }
0xa: {  	s5 =	sadd.s32 s6, s5;
	s6 =	ssub.s32 s3, s31;
	s3 =	sadd.s32 $0x3A00, s4  }
0xb: {  	v0 =	vimm.f32 $0.0e+00;
	v1 =	vimm.f32 $1.000000000e+00;
	s4 =	sadd.s32 $0x17A00, s5;
	s5 =	smax.u32 s6, $0x1;
	s6 =	simm.s32 $0x1  }
.LBB2_1:
0xc: {  	[tilespmem:s2], [sflag:$0x1] =	stream.linear.gather [hbm4b:s3+s2], $0x2800, $0x38;
	[tilespmem:$0x5000] =	vst v63  }
0xd: {  	_ =	swait.ge [sflag:s6], $0x2800  }
0xe: {  	[sflag:s6] =	ssyncset.done $0x0  }
0xf: {  	s11 =	simm.s32 $0x0;
	[sflag:s6] =	ssyncadd.s32 $0xFFFFD800  }
.LBB2_2:
0x10: {  	p0 =	sne.s32 s11, $0x9FC0  }
.Ltmp0:
0x11: {  	_ = 	snop;
	(pc) =	sbr.rel @p0 .LBB2_2-.Ltmp0, $3  }
0x12: {  	_ =	sdelay $0x1  }
0x13: {  	s12 =	sshra.s32 s11, $0x2  }
0x14: {  	s11 =	sadd.s32 $0x40, s11;
	[tilespmem:s12+$0x2800] =	vst v0  }
0x15: {  	s11 =	simm.s32 $0x1C0  }
.LBB2_4:
0x16: {  	s12 =	sshra.s32 s11, $0x2  }
0x17: {  	v2 =	vld [tilespmem:s12+$0xFFFFFF90];
	_ =	sdelay $0x7  }
0x18: {  	[tilespmem:v2+s7+$0x0] =	vst.idx.add.f32.msk $0xffff, v1  }
0x19: {  	v2 =	vld [tilespmem:s12+$0xFFFFFFA0];
	_ =	sdelay $0x7  }
0x1a: {  	[tilespmem:v2+s7+$0x0] =	vst.idx.add.f32.msk $0xffff, v1  }
0x1b: {  	v2 =	vld [tilespmem:s12+$0xFFFFFFB0];
	_ =	sdelay $0x7  }
0x1c: {  	[tilespmem:v2+s7+$0x0] =	vst.idx.add.f32.msk $0xffff, v1  }
0x1d: {  	v2 =	vld [tilespmem:s12+$0xFFFFFFC0];
	_ =	sdelay $0x7  }
0x1e: {  	[tilespmem:v2+s7+$0x0] =	vst.idx.add.f32.msk $0xffff, v1  }
0x1f: {  	v2 =	vld [tilespmem:s12+$0xFFFFFFD0];
	_ =	sdelay $0x7  }
0x20: {  	[tilespmem:v2+s7+$0x0] =	vst.idx.add.f32.msk $0xffff, v1  }
0x21: {  	v2 =	vld [tilespmem:s12+$0xFFFFFFE0];
	_ =	sdelay $0x7  }
0x22: {  	[tilespmem:v2+s7+$0x0] =	vst.idx.add.f32.msk $0xffff, v1  }
0x23: {  	v2 =	vld [tilespmem:s12+$0xFFFFFFF0];
	_ =	sdelay $0x7  }
0x24: {  	[tilespmem:v2+s7+$0x0] =	vst.idx.add.f32.msk $0xffff, v1  }
0x25: {  	v2 =	vld [tilespmem:s12+$0x0];
	_ =	sdelay $0x2  }
0x26: {  	p0 =	sne.s32 s11, $0x9FC0  }
.Ltmp1:
0x27: {  	_ = 	snop;
	(pc) =	sbr.rel @p0 .LBB2_4-.Ltmp1, $2  }
0x28: {  	_ =	sdelay $0x2  }
0x29: {  	s11 =	sadd.s32 $0x200, s11;
	[tilespmem:v2+s7+$0x0] =	vst.idx.add.f32.msk $0xffff, v1  }
0x2a: {  	s10 =	sadd.s32 $0x1, s10  }
0x2b: {  	p0 =	sne.s32 s10, s5  }
.Ltmp2:
0x2c: {  	_ = 	snop;
	(pc) =	sbr.rel @p0 .LBB2_1-.Ltmp2, $4  }
0x2d: {  	[hbm4b:s4+s8] =	stream.strided.scatter [tilespmem:s7], [sflag:$0x1], $0x2800, s9, s8, $0x38;
	[tilespmem:$0x5000] =	vst v63  }
0x2e: {  	_ =	swait.ge [sflag:s6], $0x2800  }
0x2f: {  	[sflag:s6] =	ssyncset.done $0x0  }
0x30: {  	[sflag:s6] =	ssyncadd.s32 $0xFFFFD800  }
0x31: {  	_ =	sfence.sel $0x180000  }
0x32: {  	[bflag:$0x0] =	sbarrier.arrive $0xFFFF  }
0x33: {  	p0 =	sne.s32 s0, $0x0;
	_ =	strace $0x90000047  }
0x34: {  	s0 =	sadd.s32 @!p0 $0x100000, s1;
	[bflag:$0x2] =	sbarrier.arrive $0xFFFF  }
0x35: {  	[sflag:s0] =	ssyncadd.tile.s32 @!p0 $0x1;
	_ =	shalt  }
.Lfunc_end2:
_tile_overlayer_lowered:
.L_overlay_start_2:
0x36: {  	(tag) =	ssettag $0x2  }
0x37: {  	s0 =	rddreg [dreg:$0x0];
	s2 =	stileid.u32  }
0x38: {  	s1 =	rddreg [dreg:$0x1];
	p0 =	sne.s32 s2, $0x0  }
0x39: {  	s3 =	rddreg [dreg:$0x2];
	[bflag:$0x3] =	sbarrier.arrive $0xFFFF;
	s2 =	simm.s32 @!p0 $0x1C01  }
0x3a: {  	[timem:s3], [sflag:s2] =	dma.local @!p0 [hbm:s0], s1  }
0x3b: {  	s0 =	simm.s32 @!p0 $0x1  }
0x3c: {  	_ =	swait.ge @!p0 [sflag:s0], s1  }
0x3d: {  	s1 =	ssub.s32 @!p0 $0x0, s1;
	[sflag:s0] =	ssyncset.done @!p0 $0x0  }
0x3e: {  	[sflag:s0] =	ssyncadd.s32 @!p0 s1  }
0x3f: {  	[bflag:$0x3] =	sbarrier.arrive $0xFFFF  }
0x40: {  	_ =	shalt  }

// kernel: kernel.13.cloned.1.call-start
scs
__scs_entry_jumppad:
0x0: {  	(pc) =	sbr.rel $0x88, $3  }
0x1: {  	(tag) =	ssettag $0x0;
	lr =	simm.s32 $0x1  }
0x2: {  	[smem:$0x3F93] =	sst lr;
	_ =	strace $0xD0000000  }
0x3: {  	_ = 	snop  }
0x4: {  	_ = 	snop  }
0x5: {  	_ = 	snop  }
0x6: {  	_ = 	snop  }
0x7: {  	_ = 	snop  }
__scs_overlays_trampoline_lowered:
0x8: {  	[smem:$0x3FA2] =	sst s0  }
0x9: {  	[smem:$0x3FA3] =	sst s1  }
0xa: {  	[smem:$0x3FA4] =	sst s2  }
0xb: {  	[smem:$0x3FA5] =	sst s3  }
0xc: {  	[smem:$0x3FA6] =	sst s4  }
0xd: {  	[smem:$0x3FA7] =	sst s5  }
0xe: {  	[smem:$0x3FA8] =	sst s6  }
0xf: {  	[smem:$0x3FA9] =	sst s7  }
0x10: {  	[smem:$0x3FAA] =	sst s8  }
0x11: {  	[smem:$0x3FAB] =	sst s9;
	s0 =	simm.s32 @!p0 $0x0  }
0x12: {  	s1 =	sld [smem:$0x3F91];
	s0 =	simm.s32 @p0 $0x1  }
0x13: {  	[smem:$0x3FAC] =	sst s0;
	s0 =	simm.s32 @!p1 $0x0  }
0x14: {  	s2 =	sld [smem:$0x3F90];
	s0 =	simm.s32 @p1 $0x1  }
0x15: {  	[smem:$0x3FAD] =	sst s0;
	s0 =	simm.s32 @!p2 $0x0  }
0x16: {  	s3 =	sld [smem:$0x3FDB];
	s0 =	simm.s32 @p2 $0x1  }
0x17: {  	s4 =	simm.s32 $0x1BF5;
	[smem:$0x3FAF] =	sst s0  }
0x18: {  	s0 =	sld [smem:$0x3F92];
	_ =	swait.ge [sflag:s4], $0x0  }
0x19: {  	s7 =	sld [smem:$0x3F93]  }
0x1a: {  	s8 =	sadd.s32 $0xFFFFE003, lr  }
0x1b: {  	s9 =	sadd.s32 $0xFFFFFEF7, lr;
	s5 =	simm.s32 $0xFFFFFFFF;
	p2 =	slt.u32 s8, $0xFFFFF086  }
0x1c: {  	p1 =	slt.u32 s9, $0xF7A;
	s5 =	simm.s32 @!p2 $0x0  }
0x1d: {  	s5 =	simm.s32 @p1 $0x1;
	p0 =	seq.s32 s7, s2  }
0x1e: {  	s7 =	smul.u32 @!p0 $0xF7A, s2;
	p2 =	seq.s32 @!p0 s5, $0x0  }
0x1f: {  	s9 =	smul.u32 $0xF7A, s1;
	s8 =	simm.s32 @!p0 $0x1BF5;
	p2 =	por !p2, p0  }
0x20: {  	[sflag:s8] =	ssyncset.s32 @!p0 $0xFFFFF086;
	s6 =	sadd.s32 @!p0 s3, s7;
	s7 =	simm.s32 @!p0 $0x108  }
0x21: {  	s3 =	sadd.s32 s3, s9;
	s6 =	sadd.s32 @!p0 $0x88, s6;
	s7 =	simm.s32 @p2 $0x1082  }
0x22: {  	[simem:s7], [sflag:s8] =	dma.local @!p0 [hbm:s6], $0xF7A  }
0x23: {  	s9 =	sor.u32 $0xD0000000, s2;
	s6 =	simm.s32 $0x108;
	_ =	swait.ge @!p0 [sflag:s8], $0x0  }
0x24: {  	s3 =	sadd.s32 $0x88, s3;
	s6 =	simm.s32 @!p1 $0x1082;
	[sflag:s4] =	ssyncset.s32 $0xFFFFF086  }
0x25: {  	[simem:s6], [sflag:s4] =	dma.local [hbm:s3], $0xF7A  }
0x26: {  	[smem:$0x3F93] =	sst s1;
	(tag) =	ssettag s2;
	_ =	strace s9  }
0x27: {  	s1 =	sld [smem:$0x3FA3]  }
0x28: {  	s2 =	sld [smem:$0x3FA4]  }
0x29: {  	s4 =	sld [smem:$0x3FA6]  }
0x2a: {  	p0 =	seq.s32 s5, $0x0;
	s5 =	sld [smem:$0x3FA7]  }
0x2b: {  	s6 =	sld [smem:$0x3FA8]  }
0x2c: {  	s7 =	sld [smem:$0x3FA9]  }
0x2d: {  	s3 =	simm.s32 $0x108;
	s8 =	sld [smem:$0x3FAA]  }
0x2e: {  	s3 =	simm.s32 @!p0 $0x1082;
	s9 =	sld [smem:$0x3FAB]  }
0x2f: {  	lr =	sadd.s32 s0, s3;
	s0 =	sld [smem:$0x3FA2]  }
0x30: {  	s3 =	sld [smem:$0x3FA5]  }
0x31: {  	[smem:$0x3FAE] =	sst s10  }
0x32: {  	s10 =	sld [smem:$0x3FAC];
	_ =	sdelay $0x3  }
0x33: {  	p0 =	seq.s32 s10, $0x1;
	s10 =	sld [smem:$0x3FAE];
	_ =	sdelay $0x3  }
0x34: {  	[smem:$0x3FAE] =	sst s10  }
0x35: {  	s10 =	sld [smem:$0x3FAD];
	_ =	sdelay $0x3  }
0x36: {  	p1 =	seq.s32 s10, $0x1;
	s10 =	sld [smem:$0x3FAE];
	_ =	sdelay $0x3  }
0x37: {  	[smem:$0x3FAE] =	sst s10  }
0x38: {  	s10 =	sld [smem:$0x3FAF]  }
0x39: {  	_ = 	snop;
	(pc) =	sbr.ind lr, $3  }
0x3a: {  	_ = 	snop  }
0x3b: {  	_ = 	snop  }
0x3c: {  	p2 =	seq.s32 s10, $0x1;
	s10 =	sld [smem:$0x3FAE]  }
0x3d: {  	_ =	shalt  }
0x3e: {  	_ =	shalt  }
0x3f: {  	_ =	shalt  }
0x40: {  	_ =	shalt  }
0x41: {  	_ =	shalt  }
0x42: {  	_ =	shalt  }
0x43: {  	_ =	shalt  }
0x44: {  	_ =	shalt  }
0x45: {  	_ =	shalt  }
0x46: {  	_ =	shalt  }
0x47: {  	_ =	shalt  }
0x48: {  	_ =	shalt  }
0x49: {  	_ =	shalt  }
0x4a: {  	_ =	shalt  }
0x4b: {  	_ =	shalt  }
0x4c: {  	_ =	shalt  }
0x4d: {  	_ =	shalt  }
0x4e: {  	_ =	shalt  }
0x4f: {  	_ =	shalt  }
0x50: {  	_ =	shalt  }
0x51: {  	_ =	shalt  }
0x52: {  	_ =	shalt  }
0x53: {  	_ =	shalt  }
0x54: {  	_ =	shalt  }
0x55: {  	_ =	shalt  }
0x56: {  	_ =	shalt  }
0x57: {  	_ =	shalt  }
0x58: {  	_ =	shalt  }
0x59: {  	_ =	shalt  }
0x5a: {  	_ =	shalt  }
0x5b: {  	_ =	shalt  }
0x5c: {  	_ =	shalt  }
0x5d: {  	_ =	shalt  }
0x5e: {  	_ =	shalt  }
0x5f: {  	_ =	shalt  }
0x60: {  	_ =	shalt  }
0x61: {  	_ =	shalt  }
0x62: {  	_ =	shalt  }
0x63: {  	_ =	shalt  }
0x64: {  	_ =	shalt  }
0x65: {  	_ =	shalt  }
0x66: {  	_ =	shalt  }
0x67: {  	_ =	shalt  }
0x68: {  	_ =	shalt  }
0x69: {  	_ =	shalt  }
0x6a: {  	_ =	shalt  }
0x6b: {  	_ =	shalt  }
0x6c: {  	_ =	shalt  }
0x6d: {  	_ =	shalt  }
0x6e: {  	_ =	shalt  }
0x6f: {  	_ =	shalt  }
0x70: {  	_ =	shalt  }
0x71: {  	_ =	shalt  }
0x72: {  	_ =	shalt  }
0x73: {  	_ =	shalt  }
0x74: {  	_ =	shalt  }
0x75: {  	_ =	shalt  }
0x76: {  	_ =	shalt  }
0x77: {  	_ =	shalt  }
0x78: {  	_ =	shalt  }
0x79: {  	_ =	shalt  }
0x7a: {  	_ =	shalt  }
0x7b: {  	_ =	shalt  }
0x7c: {  	_ =	shalt  }
0x7d: {  	_ =	shalt  }
0x7e: {  	_ =	shalt  }
0x7f: {  	_ =	shalt  }
0x80: {  	_ =	shalt  }
0x81: {  	_ =	shalt  }
0x82: {  	_ =	shalt  }
0x83: {  	_ =	shalt  }
0x84: {  	_ =	shalt  }
0x85: {  	_ =	shalt  }
0x86: {  	_ =	shalt  }
0x87: {  	_ =	shalt  }
.Lfunc_end0:
.L_simem_size_0:
called_computation.1_lowered:
.L_overlay_start_0:
0x88: {  	s2 =	sld [smem:$0x3FD9]  }
0x89: {  	s3 =	sld [smem:$0x3FFE];
	_ =	sdelay $0x1  }
0x8a: {  	s1 =	srdreg.scid  }
0x8b: {  	s0 =	sand.u32 $0x1, s1  }
0x8c: {  	s16 =	sshll.u32 s0, $0xA;
	s2 =	sadd.s32 s3, s2  }
0x8d: {  	s2 =	sadd.s32 s2, s16  }
0x8e: {  	[smem:$0x3FBA] =	sst s2  }
0x8f: {  	_ = 	snop  }
0x90: {  	(tm) =	ssettm $0x1  }
0x91: {  	s17 =	sld [smem:$0x3FFB];
	_ =	sdelay $0x3  }
0x92: {  	_ =	strace s17  }
0x93: {  	s2 =	sld [smem:$0x3FFC];
	_ =	sdelay $0x3  }
0x94: {  	_ =	strace s2  }
0x95: {  	s2 =	sld [smem:$0x3FFD];
	_ =	sdelay $0x3  }
0x96: {  	_ =	strace s2  }
0x97: {  	_ =	strace $0x8FFFFFFF  }
0x98: {  	s18 =	sld [smem:$0x3FDB];
	_ =	sdelay $0x1  }
0x99: {  	s19 =	simm.s32 $_scs_section_size  }
0x9a: {  	s4 =	simm.s32 $_size__tile_overlayer_lowered;
	s5 =	simm.s32 $_tile_overlayer_lowered  }
0x9b: {  	s22 =	simm.s32 $0x1BFF;
	s21 =	sshll.u32 s5, $0x1;
	s2 =	sadd.s32 s19, s18  }
0x9c: {  	s6 =	simm.s32 $0x0;
	s20 =	sshll.u32 s4, $0x1;
	s4 =	sadd.s32 s21, s2  }
0x9d: {  	[timem:s6], [sflag:s22] =	dma.local [hbm:s4], s20  }
0x9e: {  	_ =	swait.ge [sflag:s22], s20  }
0x9f: {  	s3 =	ssub.s32 $0x0, s20;
	[sflag:s22] =	ssyncset.done $0x0  }
0xa0: {  	[sflag:s22] =	ssyncadd.s32 s3;
	_ =	sdelay $0x1  }
0xa1: {  	s23 =	simm.s32 $0x1B8B  }
0xa2: {  	_ =	swait.ge [sflag:s23], $0x1  }
0xa3: {  	[sflag:s23] =	ssyncset.done $0x0  }
0xa4: {  	s25 =	simm.s32 $0x1B8E;
	s24 =	sld [smem:$0x3FFE];
	[sflag:s23] =	ssyncadd.s32 $0xFFFFFFFF  }
0xa5: {  	s26 =	simm.s32 $execute0_lowered;
	[smem:$0x3FD2] =	sst s25  }
0xa6: {  	s4 =	sshll.u32 s26, $0x1;
	_ =	strace $0x80000049;
	[dreg:$0x1] =	wrdreg $0xFFFFFFFF  }
0xa7: {  	s28 =	simm.s32 $_size_execute0_lowered;
	s2 =	sadd.s32 s2, s4;
	[dreg:$0x0] =	wrdreg $0x0  }
0xa8: {  	s4 =	sshll.u32 s28, $0x1;
	[dreg:$0x2] =	wrdreg s2  }
0xa9: {  	[dreg:$0x3] =	wrdreg s4  }
0xaa: {  	[dreg:$0x4] =	wrdreg $0xC0  }
0xab: {  	_ =	task [dreg:s6], $0x5FFFF  }
0xac: {  	[dreg:$0x1] =	wrdreg $0xFFFFFFFF  }
0xad: {  	[dreg:$0x0] =	wrdreg $0x60  }
0xae: {  	[dreg:$0x2] =	wrdreg s24  }
0xaf: {  	[dreg:$0x3] =	wrdreg $0x90000  }
0xb0: {  	[dreg:$0x4] =	wrdreg $0x9  }
0xb1: {  	_ =	task.clear_ibuf [dreg:s6], $0x5FFFF;
	_ =	strace $0x90000049  }
0xb2: {  	s29 =	simm.s32 $0x9;
	_ =	strace $0x8000004B  }
0xb3: {  	_ =	swait.ge [sflag:s29], $0x1  }
0xb4: {  	[sflag:s29] =	ssyncadd.s32 $0xFFFFFFFF  }
0xb5: {  	_ =	strace $0x9000004B  }
0xb6: {  	_ =	sfence  }
0xb7: {  	s30 =	sld [smem:$0x0];
	_ =	sdelay $0x2  }
0xb8: {  	s31 =	sshll.u32 s1, $0xD;
	s1 =	sshrl.u32 s1, $0x2  }
0xb9: {  	s3 =	sand.u32 $0x4000, s31;
	s1 =	sadd.s32 s1, s30  }
0xba: {  	s0 =	sor.u32 s3, s0;
	s1 =	sshll.u32 s1, $0x11  }
0xbb: {  	s0 =	sor.u32 s1, s0  }
0xbc: {  	s0 =	sadd.s32 $0x8F2B, s0  }
0xbd: {  	[sflag:s0] =	ssyncadd.remote.s32 $0x1  }
0xbe: {  	_ =	sfence.sel $0xFFFF  }
0xbf: {  	[dreg:$0x0] =	wrdreg $0xFFFFFFFF;
	(pc) =	sbr.abs _section_cstart, $3  }
0xc0: {  	[dreg:$0x1] =	wrdreg $0xFFFFFFFF  }
0xc1: {  	_ =	task.clear_ibuf [dreg:s6], $0x2FFFF;
	_ =	strace $0x9FFFFFFF  }
0xc2: {  	(tm) =	ssettm $0x7FFFFFFF  }
0xc3: {  	_ =	shalt  }
tec
execute0_lowered:
.L_overlay_start_1:
0x0: {  	(tag) =	ssettag $0x1  }
0x1: {  	s0 =	srdreg.scid;
	s1 =	rddreg [dreg:$0x0]  }
0x2: {  	s8 =	stileid.u32;
	s2 =	rddreg [dreg:$0x1];
	s3 =	simm.s32 $0x0  }
0x3: {  	s9 =	simm.s32 $0x880;
	s10 =	simm.s32 $0x100;
	s12 =	simm.s32 $0x900  }
0x4: {  	s14 =	simm.s32 $0x180;
	s16 =	simm.s32 $0x980;
	[smem:$0x7FF] =	sst s3  }
0x5: {  	s18 =	simm.s32 $0x200;
	_ =	strace $0x8000004A;
	[dreg:$0x5] =	wrdreg s9  }
0x6: {  	s19 =	simm.s32 $0xA00;
	s20 =	simm.s32 $0x280;
	[dreg:$0x6] =	wrdreg s10  }
0x7: {  	s21 =	simm.s32 $0xA80;
	s22 =	simm.s32 $0x300;
	[dreg:$0x7] =	wrdreg s12  }
0x8: {  	s23 =	simm.s32 $0xB00;
	s24 =	simm.s32 $0x380;
	[dreg:$0x8] =	wrdreg s14  }
0x9: {  	s28 =	simm.s32 $0xD80;
	s5 =	smul.u32 $0x2800, s8;
	[dreg:$0x9] =	wrdreg s16  }
0xa: {  	s29 =	simm.s32 $0x600;
	s7 =	smul.u32 $0x14000, s8;
	[dreg:$0xa] =	wrdreg s18  }
0xb: {  	s0 =	sand.u32 $0x1, s0;
	s25 =	smul.u32 $0x50000, s8;
	[dreg:$0xb] =	wrdreg s19  }
0xc: {  	s30 =	simm.s32 $0xE00;
	s4 =	smul.u32 $0x28000, s0;
	[dreg:$0xc] =	wrdreg s20  }
0xd: {  	s31 =	simm.s32 $0x680;
	s6 =	smul.u32 $0x140000, s0;
	[dreg:$0xd] =	wrdreg s21  }
0xe: {  	s0 =	ssub.s32 $0x2, s0;
	s12 =	simm.s32 $0x1000;
	[dreg:$0xe] =	wrdreg s22  }
0xf: {  	s14 =	simm.s32 $0x800;
	s16 =	simm.s32 $0x1;
	[dreg:$0xf] =	wrdreg s23  }
0x10: {  	s18 =	simm.s32 $0x2;
	[dreg:$0x10] =	wrdreg s24;
	s19 =	simm.s32 $0x3  }
0x11: {  	s20 =	simm.s32 $0x4;
	s21 =	simm.s32 $0xC00;
	s22 =	simm.s32 $0x480  }
0x12: {  	s23 =	simm.s32 $0xC80;
	s26 =	sshrl.u32 s0, $0x1;
	s5 =	sadd.s32 s5, s4  }
0x13: {  	s4 =	sadd.s32 $0x2BA00, s1;
	s6 =	sadd.s32 s7, s6;
	s0 =	ssub.s32 s0, s26  }
0x14: {  	s7 =	sshrl.u32 s25, $0x2;
	s25 =	simm.s32 $0xB80;
	s26 =	simm.s32 $0x400  }
0x15: {  	s5 =	sshrl.u32 s5, $0x3;
	s6 =	sshrl.u32 s6, $0x3;
	[dreg:$0x11] =	wrdreg s25  }
0x16: {  	s0 =	smax.u32 s0, $0x1;
	[dreg:$0x12] =	wrdreg s26;
	s5 =	sadd.s32 s5, s1  }
0x17: {  	s1 =	sadd.s32 s6, s1;
	s6 =	sadd.s32 s7, s2;
	[dreg:$0x15] =	wrdreg s0  }
0x18: {  	s24 =	simm.s32 $0x500;
	s8 =	sadd.s32 $0x21A00, s5;
	[dreg:$0x13] =	wrdreg s6  }
0x19: {  	s9 =	simm.s32 $0x0;
	s1 =	sadd.s32 $0x52C00, s1;
	[dreg:$0x3] =	wrdreg s8  }
0x1a: {  	s25 =	simm.s32 $0xD00;
	s5 =	sadd.s32 $0xDA00, s5;
	[dreg:$0x14] =	wrdreg s1  }
0x1b: {  	s26 =	simm.s32 $0x580;
	s11 =	sadd.s32 $0x4000, s6;
	[dreg:$0x4] =	wrdreg s5  }
0x1c: {  	s0 =	simm.s32 $0x700;
	s13 =	sadd.s32 $0x8000, s6;
	[dreg:$0x16] =	wrdreg s11  }
0x1d: {  	s7 =	simm.s32 $0x780;
	s15 =	sadd.s32 $0xC000, s6;
	[dreg:$0x17] =	wrdreg s13  }
0x1e: {  	s17 =	sadd.s32 $0x10000, s6;
	s6 =	simm.s32 $0xF00;
	[dreg:$0x18] =	wrdreg s15  }
0x1f: {  	[dreg:$0x19] =	wrdreg s17;
	s13 =	simm.s32 $0x5;
	s15 =	simm.s32 $0x80  }
0x20: {  	v0 =	vimm.f32 $0.0e+00;
	s17 =	simm.s32 $0x5000;
	s1 =	simm.s32 $0xE80;
	s8 =	simm.s32 $0xF80  }
.LBB2_1:
0x21: {  	s10 =	simm.s32 $0x0;
	s11 =	simm.s32 $0x200  }
.LBB2_2:
0x22: {  	p0 =	sne.s32 s11, $0xFE00;
	[tilespmem:s10+$0x1070] =	vst v0  }
0x23: {  	[tilespmem:s10+$0x1000] =	vst v0  }
0x24: {  	[tilespmem:s10+$0x1010] =	vst v0  }
.Ltmp0:
0x25: {  	[tilespmem:s10+$0x1020] =	vst v0;
	(pc) =	sbr.rel @p0 .LBB2_2-.Ltmp0, $4  }
0x26: {  	[tilespmem:s10+$0x1030] =	vst v0  }
0x27: {  	[tilespmem:s10+$0x1040] =	vst v0  }
0x28: {  	[tilespmem:s10+$0x1050] =	vst v0  }
0x29: {  	[tilespmem:s10+$0x1060] =	vst v0;
	s10 =	sshra.s32 s11, $0x2;
	s11 =	sadd.s32 $0x200, s11  }
0x2a: {  	[tilespmem:s10+$0x1070] =	vst v0  }
0x2b: {  	[tilespmem:s10+$0x1000] =	vst v0  }
0x2c: {  	[tilespmem:s10+$0x1010] =	vst v0  }
0x2d: {  	[tilespmem:s10+$0x1020] =	vst v0  }
0x2e: {  	[tilespmem:s10+$0x1030] =	vst v0  }
0x2f: {  	[tilespmem:s10+$0x1040] =	vst v0  }
0x30: {  	[dreg:$0x1a] =	wrdreg s9;
	[tilespmem:s10+$0x1050] =	vst v0  }
0x31: {  	[tilespmem:s10+$0x1060] =	vst v0;
	s5 =	rddreg [dreg:$0x13]  }
0x32: {  	[spmem:s5] =	stream.linear.scatter [tilespmem:s12], [sflag:$0x5], $0x4000, $0x38;
	[tilespmem:$0x1D000] =	vst v63  }
0x33: {  	_ =	swait.ge [sflag:s13], $0x4000  }
0x34: {  	[sflag:s13] =	ssyncset.done $0x0  }
0x35: {  	s10 =	rddreg [dreg:$0x16];
	[sflag:s13] =	ssyncadd.s32 $0xFFFFC000  }
0x36: {  	[spmem:s10] =	stream.linear.scatter [tilespmem:s12], [sflag:$0x5], $0x4000, $0x38;
	[tilespmem:$0x1D000] =	vst v63  }
0x37: {  	_ =	swait.ge [sflag:s13], $0x4000  }
0x38: {  	[sflag:s13] =	ssyncset.done $0x0  }
0x39: {  	s11 =	rddreg [dreg:$0x17];
	[sflag:s13] =	ssyncadd.s32 $0xFFFFC000  }
0x3a: {  	[spmem:s11] =	stream.linear.scatter [tilespmem:s12], [sflag:$0x5], $0x4000, $0x38;
	[tilespmem:$0x1D000] =	vst v63  }
0x3b: {  	_ =	swait.ge [sflag:s13], $0x4000  }
0x3c: {  	[sflag:s13] =	ssyncset.done $0x0  }
0x3d: {  	s9 =	rddreg [dreg:$0x18];
	[sflag:s13] =	ssyncadd.s32 $0xFFFFC000  }
0x3e: {  	[spmem:s9] =	stream.linear.scatter [tilespmem:s12], [sflag:$0x5], $0x4000, $0x38;
	[tilespmem:$0x1D000] =	vst v63  }
0x3f: {  	_ =	swait.ge [sflag:s13], $0x4000  }
0x40: {  	[sflag:s13] =	ssyncset.done $0x0  }
0x41: {  	s10 =	rddreg [dreg:$0x19];
	[sflag:s13] =	ssyncadd.s32 $0xFFFFC000  }
0x42: {  	[spmem:s10] =	stream.linear.scatter [tilespmem:s12], [sflag:$0x5], $0x4000, $0x38;
	[tilespmem:$0x1D000] =	vst v63  }
0x43: {  	_ =	swait.ge [sflag:s13], $0x4000  }
0x44: {  	[sflag:s13] =	ssyncset.done $0x0  }
0x45: {  	[sflag:s13] =	ssyncadd.s32 $0xFFFFC000  }
0x46: {  	[bflag:$0x0] =	sbarrier.arrive $0xFFFF  }
0x47: {  	s11 =	rddreg [dreg:$0x4]  }
0x48: {  	s5 =	sadd.s32 $0x0, s11  }
0x49: {  	[tilespmem:s3], [sflag:$0x5] =	stream.linear.gather [hbm4b:s5+s3], $0x800, $0x38;
	[tilespmem:$0x1D000] =	vst v63  }
0x4a: {  	_ =	swait.ge [sflag:s13], $0x800  }
0x4b: {  	s9 =	rddreg [dreg:$0x3];
	[sflag:s13] =	ssyncset.done $0x0  }
0x4c: {  	[sflag:s13] =	ssyncadd.s32 $0xFFFFF800;
	s5 =	sadd.s32 $0x0, s9  }
0x4d: {  	[tilespmem:s14], [sflag:$0x5] =	stream.linear.gather [hbm4b:s5+s3], $0x800, $0x38;
	[tilespmem:$0x1D000] =	vst v63  }
0x4e: {  	_ =	swait.ge [sflag:s13], $0x800  }
0x4f: {  	[sflag:s13] =	ssyncset.done $0x0  }
0x50: {  	[sflag:s13] =	ssyncadd.s32 $0xFFFFF800  }
0x51: {  	[tilespmem:s12], [sflag:$0x1] =	stream.indirect.gather [hbm4b:s4+s15], $0x80, s3, s15, $0xb8;
	[tilespmem:$0x1D000] =	vst v63  }
0x52: {  	_ =	swait.ge [sflag:s16], $0x4000  }
0x53: {  	[sflag:s16] =	ssyncset.done $0x0  }
0x54: {  	[sflag:s16] =	ssyncadd.s32 $0xFFFFC000  }
0x55: {  	[spmem:s2] =	stream.indirect.scatter.add.f32 [tilespmem:s12], [sflag:$0x3], $0x80, s14, s15, $0xb8;
	[tilespmem:$0x1D000] =	vst v63  }
0x56: {  	_ = 	snop  }
0x57: {  	[tilespmem:s17], [sflag:$0x2] =	stream.indirect.gather [hbm4b:s4+s15], $0x80, s15, s15, $0xb8;
	[tilespmem:$0x1D000] =	vst v63  }
0x58: {  	_ =	swait.ge [sflag:s18], $0x4000  }
0x59: {  	[sflag:s18] =	ssyncset.done $0x0  }
0x5a: {  	s10 =	rddreg [dreg:$0x5];
	[sflag:s18] =	ssyncadd.s32 $0xFFFFC000  }
0x5b: {  	[spmem:s2] =	stream.indirect.scatter.add.f32 [tilespmem:s17], [sflag:$0x4], $0x80, s10, s15, $0xb8;
	[tilespmem:$0x1D000] =	vst v63  }
0x5c: {  	_ =	swait.ge [sflag:s19], $0x4000  }
0x5d: {  	[sflag:s19] =	ssyncset.done $0x0  }
0x5e: {  	s11 =	rddreg [dreg:$0x6];
	[sflag:s19] =	ssyncadd.s32 $0xFFFFC000  }
0x5f: {  	[tilespmem:s12], [sflag:$0x1] =	stream.indirect.gather [hbm4b:s4+s15], $0x80, s11, s15, $0xb8;
	[tilespmem:$0x1D000] =	vst v63  }
0x60: {  	_ =	swait.ge [sflag:s16], $0x4000  }
0x61: {  	[sflag:s16] =	ssyncset.done $0x0  }
0x62: {  	s9 =	rddreg [dreg:$0x7];
	[sflag:s16] =	ssyncadd.s32 $0xFFFFC000  }
0x63: {  	[spmem:s2] =	stream.indirect.scatter.add.f32 [tilespmem:s12], [sflag:$0x3], $0x80, s9, s15, $0xb8;
	[tilespmem:$0x1D000] =	vst v63  }
0x64: {  	_ =	swait.ge [sflag:s20], $0x4000  }
0x65: {  	[sflag:s20] =	ssyncset.done $0x0  }
0x66: {  	s10 =	rddreg [dreg:$0x8];
	[sflag:s20] =	ssyncadd.s32 $0xFFFFC000  }
0x67: {  	[tilespmem:s17], [sflag:$0x2] =	stream.indirect.gather [hbm4b:s4+s15], $0x80, s10, s15, $0xb8;
	[tilespmem:$0x1D000] =	vst v63  }
0x68: {  	_ =	swait.ge [sflag:s18], $0x4000  }
0x69: {  	[sflag:s18] =	ssyncset.done $0x0  }
0x6a: {  	s11 =	rddreg [dreg:$0x9];
	[sflag:s18] =	ssyncadd.s32 $0xFFFFC000  }
0x6b: {  	[spmem:s2] =	stream.indirect.scatter.add.f32 [tilespmem:s17], [sflag:$0x4], $0x80, s11, s15, $0xb8;
	[tilespmem:$0x1D000] =	vst v63  }
0x6c: {  	_ =	swait.ge [sflag:s19], $0x4000  }
0x6d: {  	[sflag:s19] =	ssyncset.done $0x0  }
0x6e: {  	s9 =	rddreg [dreg:$0xa];
	[sflag:s19] =	ssyncadd.s32 $0xFFFFC000  }
0x6f: {  	[tilespmem:s12], [sflag:$0x1] =	stream.indirect.gather [hbm4b:s4+s15], $0x80, s9, s15, $0xb8;
	[tilespmem:$0x1D000] =	vst v63  }
0x70: {  	_ =	swait.ge [sflag:s16], $0x4000  }
0x71: {  	[sflag:s16] =	ssyncset.done $0x0  }
0x72: {  	s10 =	rddreg [dreg:$0xb];
	[sflag:s16] =	ssyncadd.s32 $0xFFFFC000  }
0x73: {  	[spmem:s2] =	stream.indirect.scatter.add.f32 [tilespmem:s12], [sflag:$0x3], $0x80, s10, s15, $0xb8;
	[tilespmem:$0x1D000] =	vst v63  }
0x74: {  	_ =	swait.ge [sflag:s20], $0x4000  }
0x75: {  	[sflag:s20] =	ssyncset.done $0x0  }
0x76: {  	s11 =	rddreg [dreg:$0xc];
	[sflag:s20] =	ssyncadd.s32 $0xFFFFC000  }
0x77: {  	[tilespmem:s17], [sflag:$0x2] =	stream.indirect.gather [hbm4b:s4+s15], $0x80, s11, s15, $0xb8;
	[tilespmem:$0x1D000] =	vst v63  }
0x78: {  	_ =	swait.ge [sflag:s18], $0x4000  }
0x79: {  	[sflag:s18] =	ssyncset.done $0x0  }
0x7a: {  	s9 =	rddreg [dreg:$0xd];
	[sflag:s18] =	ssyncadd.s32 $0xFFFFC000  }
0x7b: {  	[spmem:s2] =	stream.indirect.scatter.add.f32 [tilespmem:s17], [sflag:$0x4], $0x80, s9, s15, $0xb8;
	[tilespmem:$0x1D000] =	vst v63  }
0x7c: {  	_ =	swait.ge [sflag:s19], $0x4000  }
0x7d: {  	[sflag:s19] =	ssyncset.done $0x0  }
0x7e: {  	s10 =	rddreg [dreg:$0xe];
	[sflag:s19] =	ssyncadd.s32 $0xFFFFC000  }
0x7f: {  	[tilespmem:s12], [sflag:$0x1] =	stream.indirect.gather [hbm4b:s4+s15], $0x80, s10, s15, $0xb8;
	[tilespmem:$0x1D000] =	vst v63  }
0x80: {  	_ =	swait.ge [sflag:s16], $0x4000  }
0x81: {  	[sflag:s16] =	ssyncset.done $0x0  }
0x82: {  	s11 =	rddreg [dreg:$0xf];
	[sflag:s16] =	ssyncadd.s32 $0xFFFFC000  }
0x83: {  	[spmem:s2] =	stream.indirect.scatter.add.f32 [tilespmem:s12], [sflag:$0x3], $0x80, s11, s15, $0xb8;
	[tilespmem:$0x1D000] =	vst v63  }
0x84: {  	_ =	swait.ge [sflag:s20], $0x4000  }
0x85: {  	[sflag:s20] =	ssyncset.done $0x0  }
0x86: {  	s9 =	rddreg [dreg:$0x10];
	[sflag:s20] =	ssyncadd.s32 $0xFFFFC000  }
0x87: {  	[tilespmem:s17], [sflag:$0x2] =	stream.indirect.gather [hbm4b:s4+s15], $0x80, s9, s15, $0xb8;
	[tilespmem:$0x1D000] =	vst v63  }
0x88: {  	_ =	swait.ge [sflag:s18], $0x4000  }
0x89: {  	[sflag:s18] =	ssyncset.done $0x0  }
0x8a: {  	s10 =	rddreg [dreg:$0x11];
	[sflag:s18] =	ssyncadd.s32 $0xFFFFC000  }
0x8b: {  	[spmem:s2] =	stream.indirect.scatter.add.f32 [tilespmem:s17], [sflag:$0x4], $0x80, s10, s15, $0xb8;
	[tilespmem:$0x1D000] =	vst v63  }
0x8c: {  	_ =	swait.ge [sflag:s19], $0x4000  }
0x8d: {  	[sflag:s19] =	ssyncset.done $0x0  }
0x8e: {  	s11 =	rddreg [dreg:$0x12];
	[sflag:s19] =	ssyncadd.s32 $0xFFFFC000  }
0x8f: {  	[tilespmem:s12], [sflag:$0x1] =	stream.indirect.gather [hbm4b:s4+s15], $0x80, s11, s15, $0xb8;
	[tilespmem:$0x1D000] =	vst v63  }
0x90: {  	_ =	swait.ge [sflag:s16], $0x4000  }
0x91: {  	[sflag:s16] =	ssyncset.done $0x0  }
0x92: {  	[sflag:s16] =	ssyncadd.s32 $0xFFFFC000  }
0x93: {  	[spmem:s2] =	stream.indirect.scatter.add.f32 [tilespmem:s12], [sflag:$0x3], $0x80, s21, s15, $0xb8;
	[tilespmem:$0x1D000] =	vst v63  }
0x94: {  	_ =	swait.ge [sflag:s20], $0x4000  }
0x95: {  	[sflag:s20] =	ssyncset.done $0x0  }
0x96: {  	[sflag:s20] =	ssyncadd.s32 $0xFFFFC000  }
0x97: {  	[tilespmem:s17], [sflag:$0x2] =	stream.indirect.gather [hbm4b:s4+s15], $0x80, s22, s15, $0xb8;
	[tilespmem:$0x1D000] =	vst v63  }
0x98: {  	_ =	swait.ge [sflag:s18], $0x4000  }
0x99: {  	[sflag:s18] =	ssyncset.done $0x0  }
0x9a: {  	[sflag:s18] =	ssyncadd.s32 $0xFFFFC000  }
0x9b: {  	[spmem:s2] =	stream.indirect.scatter.add.f32 [tilespmem:s17], [sflag:$0x4], $0x80, s23, s15, $0xb8;
	[tilespmem:$0x1D000] =	vst v63  }
0x9c: {  	_ =	swait.ge [sflag:s19], $0x4000  }
0x9d: {  	[sflag:s19] =	ssyncset.done $0x0  }
0x9e: {  	[sflag:s19] =	ssyncadd.s32 $0xFFFFC000  }
0x9f: {  	[tilespmem:s12], [sflag:$0x1] =	stream.indirect.gather [hbm4b:s4+s15], $0x80, s24, s15, $0xb8;
	[tilespmem:$0x1D000] =	vst v63  }
0xa0: {  	_ =	swait.ge [sflag:s16], $0x4000  }
0xa1: {  	[sflag:s16] =	ssyncset.done $0x0  }
0xa2: {  	[sflag:s16] =	ssyncadd.s32 $0xFFFFC000  }
0xa3: {  	[spmem:s2] =	stream.indirect.scatter.add.f32 [tilespmem:s12], [sflag:$0x3], $0x80, s25, s15, $0xb8;
	[tilespmem:$0x1D000] =	vst v63  }
0xa4: {  	_ =	swait.ge [sflag:s20], $0x4000  }
0xa5: {  	[sflag:s20] =	ssyncset.done $0x0  }
0xa6: {  	[sflag:s20] =	ssyncadd.s32 $0xFFFFC000  }
0xa7: {  	[tilespmem:s17], [sflag:$0x2] =	stream.indirect.gather [hbm4b:s4+s15], $0x80, s26, s15, $0xb8;
	[tilespmem:$0x1D000] =	vst v63  }
0xa8: {  	_ =	swait.ge [sflag:s18], $0x4000  }
0xa9: {  	[sflag:s18] =	ssyncset.done $0x0  }
0xaa: {  	[sflag:s18] =	ssyncadd.s32 $0xFFFFC000  }
0xab: {  	[spmem:s2] =	stream.indirect.scatter.add.f32 [tilespmem:s17], [sflag:$0x4], $0x80, s28, s15, $0xb8;
	[tilespmem:$0x1D000] =	vst v63  }
0xac: {  	_ =	swait.ge [sflag:s19], $0x4000  }
0xad: {  	[sflag:s19] =	ssyncset.done $0x0  }
0xae: {  	[sflag:s19] =	ssyncadd.s32 $0xFFFFC000  }
0xaf: {  	[tilespmem:s12], [sflag:$0x1] =	stream.indirect.gather [hbm4b:s4+s15], $0x80, s29, s15, $0xb8;
	[tilespmem:$0x1D000] =	vst v63  }
0xb0: {  	_ =	swait.ge [sflag:s16], $0x4000  }
0xb1: {  	[sflag:s16] =	ssyncset.done $0x0  }
0xb2: {  	[sflag:s16] =	ssyncadd.s32 $0xFFFFC000  }
0xb3: {  	[spmem:s2] =	stream.indirect.scatter.add.f32 [tilespmem:s12], [sflag:$0x3], $0x80, s30, s15, $0xb8;
	[tilespmem:$0x1D000] =	vst v63  }
0xb4: {  	_ =	swait.ge [sflag:s20], $0x4000  }
0xb5: {  	[sflag:s20] =	ssyncset.done $0x0  }
0xb6: {  	[sflag:s20] =	ssyncadd.s32 $0xFFFFC000  }
0xb7: {  	[tilespmem:s17], [sflag:$0x2] =	stream.indirect.gather [hbm4b:s4+s15], $0x80, s31, s15, $0xb8;
	[tilespmem:$0x1D000] =	vst v63  }
0xb8: {  	_ =	swait.ge [sflag:s18], $0x4000  }
0xb9: {  	[sflag:s18] =	ssyncset.done $0x0  }
0xba: {  	[sflag:s18] =	ssyncadd.s32 $0xFFFFC000  }
0xbb: {  	[spmem:s2] =	stream.indirect.scatter.add.f32 [tilespmem:s17], [sflag:$0x4], $0x80, s1, s15, $0xb8;
	[tilespmem:$0x1D000] =	vst v63  }
0xbc: {  	_ =	swait.ge [sflag:s19], $0x4000  }
0xbd: {  	[sflag:s19] =	ssyncset.done $0x0  }
0xbe: {  	[sflag:s19] =	ssyncadd.s32 $0xFFFFC000  }
0xbf: {  	[tilespmem:s12], [sflag:$0x1] =	stream.indirect.gather [hbm4b:s4+s15], $0x80, s0, s15, $0xb8;
	[tilespmem:$0x1D000] =	vst v63  }
0xc0: {  	_ =	swait.ge [sflag:s16], $0x4000  }
0xc1: {  	[sflag:s16] =	ssyncset.done $0x0  }
0xc2: {  	[sflag:s16] =	ssyncadd.s32 $0xFFFFC000  }
0xc3: {  	[spmem:s2] =	stream.indirect.scatter.add.f32 [tilespmem:s12], [sflag:$0x3], $0x80, s6, s15, $0xb8;
	[tilespmem:$0x1D000] =	vst v63  }
0xc4: {  	_ =	swait.ge [sflag:s20], $0x4000  }
0xc5: {  	[sflag:s20] =	ssyncset.done $0x0  }
0xc6: {  	[sflag:s20] =	ssyncadd.s32 $0xFFFFC000  }
0xc7: {  	[tilespmem:s17], [sflag:$0x2] =	stream.indirect.gather [hbm4b:s4+s15], $0x80, s7, s15, $0xb8;
	[tilespmem:$0x1D000] =	vst v63  }
0xc8: {  	_ =	swait.ge [sflag:s18], $0x4000  }
0xc9: {  	[sflag:s18] =	ssyncset.done $0x0  }
0xca: {  	[sflag:s18] =	ssyncadd.s32 $0xFFFFC000  }
0xcb: {  	[spmem:s2] =	stream.indirect.scatter.add.f32 [tilespmem:s17], [sflag:$0x4], $0x80, s8, s15, $0xb8;
	[tilespmem:$0x1D000] =	vst v63  }
0xcc: {  	_ =	swait.ge [sflag:s19], $0x4000  }
0xcd: {  	[sflag:s19] =	ssyncset.done $0x0  }
0xce: {  	[sflag:s19] =	ssyncadd.s32 $0xFFFFC000  }
0xcf: {  	s10 =	simm.s32 $0x100;
	_ =	swait.ge [sflag:s20], $0x4000  }
0xd0: {  	s11 =	simm.s32 $0x200;
	s5 =	rddreg [dreg:$0x4];
	[sflag:s20] =	ssyncset.done $0x0  }
.LBB2_4:
0xd1: {  	[sflag:s20] =	ssyncadd.s32 $0xFFFFC000;
	s5 =	sadd.s32 s10, s5  }
0xd2: {  	[tilespmem:s3], [sflag:$0x5] =	stream.linear.gather [hbm4b:s5+s3], $0x800, $0x38;
	[tilespmem:$0x1D000] =	vst v63  }
0xd3: {  	_ =	swait.ge [sflag:s13], $0x800  }
0xd4: {  	s5 =	rddreg [dreg:$0x3];
	[sflag:s13] =	ssyncset.done $0x0  }
0xd5: {  	[sflag:s13] =	ssyncadd.s32 $0xFFFFF800;
	s5 =	sadd.s32 s10, s5  }
0xd6: {  	[tilespmem:s14], [sflag:$0x5] =	stream.linear.gather [hbm4b:s5+s3], $0x800, $0x38;
	[tilespmem:$0x1D000] =	vst v63  }
0xd7: {  	_ =	swait.ge [sflag:s13], $0x800  }
0xd8: {  	[sflag:s13] =	ssyncset.done $0x0  }
0xd9: {  	[sflag:s13] =	ssyncadd.s32 $0xFFFFF800  }
0xda: {  	[tilespmem:s12], [sflag:$0x1] =	stream.indirect.gather [hbm4b:s4+s15], $0x80, s3, s15, $0xb8;
	[tilespmem:$0x1D000] =	vst v63  }
0xdb: {  	_ =	swait.ge [sflag:s16], $0x4000  }
0xdc: {  	[sflag:s16] =	ssyncset.done $0x0  }
0xdd: {  	[sflag:s16] =	ssyncadd.s32 $0xFFFFC000  }
0xde: {  	[spmem:s2] =	stream.indirect.scatter.add.f32 [tilespmem:s12], [sflag:$0x3], $0x80, s14, s15, $0xb8;
	[tilespmem:$0x1D000] =	vst v63  }
0xdf: {  	_ = 	snop  }
0xe0: {  	[tilespmem:s17], [sflag:$0x2] =	stream.indirect.gather [hbm4b:s4+s15], $0x80, s15, s15, $0xb8;
	[tilespmem:$0x1D000] =	vst v63  }
0xe1: {  	_ =	swait.ge [sflag:s18], $0x4000  }
0xe2: {  	s9 =	smov.u32 s11;
	[sflag:s18] =	ssyncset.done $0x0  }
0xe3: {  	s10 =	smov.u32 s9;
	s9 =	rddreg [dreg:$0x5];
	[sflag:s18] =	ssyncadd.s32 $0xFFFFC000  }
0xe4: {  	[spmem:s2] =	stream.indirect.scatter.add.f32 [tilespmem:s17], [sflag:$0x4], $0x80, s9, s15, $0xb8;
	[tilespmem:$0x1D000] =	vst v63  }
0xe5: {  	_ =	swait.ge [sflag:s19], $0x4000  }
0xe6: {  	[sflag:s19] =	ssyncset.done $0x0  }
0xe7: {  	s9 =	rddreg [dreg:$0x6];
	[sflag:s19] =	ssyncadd.s32 $0xFFFFC000  }
0xe8: {  	[tilespmem:s12], [sflag:$0x1] =	stream.indirect.gather [hbm4b:s4+s15], $0x80, s9, s15, $0xb8;
	[tilespmem:$0x1D000] =	vst v63  }
0xe9: {  	_ =	swait.ge [sflag:s16], $0x4000  }
0xea: {  	[sflag:s16] =	ssyncset.done $0x0  }
0xeb: {  	s9 =	rddreg [dreg:$0x7];
	[sflag:s16] =	ssyncadd.s32 $0xFFFFC000  }
0xec: {  	[spmem:s2] =	stream.indirect.scatter.add.f32 [tilespmem:s12], [sflag:$0x3], $0x80, s9, s15, $0xb8;
	[tilespmem:$0x1D000] =	vst v63  }
0xed: {  	_ =	swait.ge [sflag:s20], $0x4000  }
0xee: {  	[sflag:s20] =	ssyncset.done $0x0  }
0xef: {  	s9 =	rddreg [dreg:$0x8];
	[sflag:s20] =	ssyncadd.s32 $0xFFFFC000  }
0xf0: {  	[tilespmem:s17], [sflag:$0x2] =	stream.indirect.gather [hbm4b:s4+s15], $0x80, s9, s15, $0xb8;
	[tilespmem:$0x1D000] =	vst v63  }
0xf1: {  	_ =	swait.ge [sflag:s18], $0x4000  }
0xf2: {  	[sflag:s18] =	ssyncset.done $0x0  }
0xf3: {  	s9 =	rddreg [dreg:$0x9];
	[sflag:s18] =	ssyncadd.s32 $0xFFFFC000  }
0xf4: {  	[spmem:s2] =	stream.indirect.scatter.add.f32 [tilespmem:s17], [sflag:$0x4], $0x80, s9, s15, $0xb8;
	[tilespmem:$0x1D000] =	vst v63  }
0xf5: {  	_ =	swait.ge [sflag:s19], $0x4000  }
0xf6: {  	[sflag:s19] =	ssyncset.done $0x0  }
0xf7: {  	s9 =	rddreg [dreg:$0xa];
	[sflag:s19] =	ssyncadd.s32 $0xFFFFC000  }
0xf8: {  	[tilespmem:s12], [sflag:$0x1] =	stream.indirect.gather [hbm4b:s4+s15], $0x80, s9, s15, $0xb8;
	[tilespmem:$0x1D000] =	vst v63  }
0xf9: {  	_ =	swait.ge [sflag:s16], $0x4000  }
0xfa: {  	[sflag:s16] =	ssyncset.done $0x0  }
0xfb: {  	s9 =	rddreg [dreg:$0xb];
	[sflag:s16] =	ssyncadd.s32 $0xFFFFC000  }
0xfc: {  	[spmem:s2] =	stream.indirect.scatter.add.f32 [tilespmem:s12], [sflag:$0x3], $0x80, s9, s15, $0xb8;
	[tilespmem:$0x1D000] =	vst v63  }
0xfd: {  	_ =	swait.ge [sflag:s20], $0x4000  }
0xfe: {  	[sflag:s20] =	ssyncset.done $0x0  }
0xff: {  	s9 =	rddreg [dreg:$0xc];
	[sflag:s20] =	ssyncadd.s32 $0xFFFFC000  }
0x100: {  	[tilespmem:s17], [sflag:$0x2] =	stream.indirect.gather [hbm4b:s4+s15], $0x80, s9, s15, $0xb8;
	[tilespmem:$0x1D000] =	vst v63  }
0x101: {  	_ =	swait.ge [sflag:s18], $0x4000  }
0x102: {  	[sflag:s18] =	ssyncset.done $0x0  }
0x103: {  	s9 =	rddreg [dreg:$0xd];
	[sflag:s18] =	ssyncadd.s32 $0xFFFFC000  }
0x104: {  	[spmem:s2] =	stream.indirect.scatter.add.f32 [tilespmem:s17], [sflag:$0x4], $0x80, s9, s15, $0xb8;
	[tilespmem:$0x1D000] =	vst v63  }
0x105: {  	_ =	swait.ge [sflag:s19], $0x4000  }
0x106: {  	[sflag:s19] =	ssyncset.done $0x0  }
0x107: {  	s9 =	rddreg [dreg:$0xe];
	[sflag:s19] =	ssyncadd.s32 $0xFFFFC000  }
0x108: {  	[tilespmem:s12], [sflag:$0x1] =	stream.indirect.gather [hbm4b:s4+s15], $0x80, s9, s15, $0xb8;
	[tilespmem:$0x1D000] =	vst v63  }
0x109: {  	_ =	swait.ge [sflag:s16], $0x4000  }
0x10a: {  	[sflag:s16] =	ssyncset.done $0x0  }
0x10b: {  	s9 =	rddreg [dreg:$0xf];
	[sflag:s16] =	ssyncadd.s32 $0xFFFFC000  }
0x10c: {  	[spmem:s2] =	stream.indirect.scatter.add.f32 [tilespmem:s12], [sflag:$0x3], $0x80, s9, s15, $0xb8;
	[tilespmem:$0x1D000] =	vst v63  }
0x10d: {  	_ =	swait.ge [sflag:s20], $0x4000  }
0x10e: {  	[sflag:s20] =	ssyncset.done $0x0  }
0x10f: {  	s9 =	rddreg [dreg:$0x10];
	[sflag:s20] =	ssyncadd.s32 $0xFFFFC000  }
0x110: {  	[tilespmem:s17], [sflag:$0x2] =	stream.indirect.gather [hbm4b:s4+s15], $0x80, s9, s15, $0xb8;
	[tilespmem:$0x1D000] =	vst v63  }
0x111: {  	_ =	swait.ge [sflag:s18], $0x4000  }
0x112: {  	[sflag:s18] =	ssyncset.done $0x0  }
0x113: {  	s9 =	rddreg [dreg:$0x11];
	[sflag:s18] =	ssyncadd.s32 $0xFFFFC000  }
0x114: {  	[spmem:s2] =	stream.indirect.scatter.add.f32 [tilespmem:s17], [sflag:$0x4], $0x80, s9, s15, $0xb8;
	[tilespmem:$0x1D000] =	vst v63  }
0x115: {  	_ =	swait.ge [sflag:s19], $0x4000  }
0x116: {  	[sflag:s19] =	ssyncset.done $0x0  }
0x117: {  	s9 =	rddreg [dreg:$0x12];
	[sflag:s19] =	ssyncadd.s32 $0xFFFFC000  }
0x118: {  	[tilespmem:s12], [sflag:$0x1] =	stream.indirect.gather [hbm4b:s4+s15], $0x80, s9, s15, $0xb8;
	[tilespmem:$0x1D000] =	vst v63  }
0x119: {  	_ =	swait.ge [sflag:s16], $0x4000  }
0x11a: {  	[sflag:s16] =	ssyncset.done $0x0  }
0x11b: {  	[sflag:s16] =	ssyncadd.s32 $0xFFFFC000  }
0x11c: {  	[spmem:s2] =	stream.indirect.scatter.add.f32 [tilespmem:s12], [sflag:$0x3], $0x80, s21, s15, $0xb8;
	[tilespmem:$0x1D000] =	vst v63  }
0x11d: {  	_ =	swait.ge [sflag:s20], $0x4000  }
0x11e: {  	[sflag:s20] =	ssyncset.done $0x0  }
0x11f: {  	[sflag:s20] =	ssyncadd.s32 $0xFFFFC000  }
0x120: {  	[tilespmem:s17], [sflag:$0x2] =	stream.indirect.gather [hbm4b:s4+s15], $0x80, s22, s15, $0xb8;
	[tilespmem:$0x1D000] =	vst v63  }
0x121: {  	_ =	swait.ge [sflag:s18], $0x4000  }
0x122: {  	[sflag:s18] =	ssyncset.done $0x0  }
0x123: {  	[sflag:s18] =	ssyncadd.s32 $0xFFFFC000  }
0x124: {  	[spmem:s2] =	stream.indirect.scatter.add.f32 [tilespmem:s17], [sflag:$0x4], $0x80, s23, s15, $0xb8;
	[tilespmem:$0x1D000] =	vst v63  }
0x125: {  	_ =	swait.ge [sflag:s19], $0x4000  }
0x126: {  	[sflag:s19] =	ssyncset.done $0x0  }
0x127: {  	[sflag:s19] =	ssyncadd.s32 $0xFFFFC000  }
0x128: {  	[tilespmem:s12], [sflag:$0x1] =	stream.indirect.gather [hbm4b:s4+s15], $0x80, s24, s15, $0xb8;
	[tilespmem:$0x1D000] =	vst v63  }
0x129: {  	_ =	swait.ge [sflag:s16], $0x4000  }
0x12a: {  	[sflag:s16] =	ssyncset.done $0x0  }
0x12b: {  	[sflag:s16] =	ssyncadd.s32 $0xFFFFC000  }
0x12c: {  	[spmem:s2] =	stream.indirect.scatter.add.f32 [tilespmem:s12], [sflag:$0x3], $0x80, s25, s15, $0xb8;
	[tilespmem:$0x1D000] =	vst v63  }
0x12d: {  	_ =	swait.ge [sflag:s20], $0x4000  }
0x12e: {  	[sflag:s20] =	ssyncset.done $0x0  }
0x12f: {  	[sflag:s20] =	ssyncadd.s32 $0xFFFFC000  }
0x130: {  	[tilespmem:s17], [sflag:$0x2] =	stream.indirect.gather [hbm4b:s4+s15], $0x80, s26, s15, $0xb8;
	[tilespmem:$0x1D000] =	vst v63  }
0x131: {  	_ =	swait.ge [sflag:s18], $0x4000  }
0x132: {  	[sflag:s18] =	ssyncset.done $0x0  }
0x133: {  	[sflag:s18] =	ssyncadd.s32 $0xFFFFC000  }
0x134: {  	[spmem:s2] =	stream.indirect.scatter.add.f32 [tilespmem:s17], [sflag:$0x4], $0x80, s28, s15, $0xb8;
	[tilespmem:$0x1D000] =	vst v63  }
0x135: {  	_ =	swait.ge [sflag:s19], $0x4000  }
0x136: {  	[sflag:s19] =	ssyncset.done $0x0  }
0x137: {  	[sflag:s19] =	ssyncadd.s32 $0xFFFFC000  }
0x138: {  	[tilespmem:s12], [sflag:$0x1] =	stream.indirect.gather [hbm4b:s4+s15], $0x80, s29, s15, $0xb8;
	[tilespmem:$0x1D000] =	vst v63  }
0x139: {  	_ =	swait.ge [sflag:s16], $0x4000  }
0x13a: {  	[sflag:s16] =	ssyncset.done $0x0  }
0x13b: {  	[sflag:s16] =	ssyncadd.s32 $0xFFFFC000  }
0x13c: {  	[spmem:s2] =	stream.indirect.scatter.add.f32 [tilespmem:s12], [sflag:$0x3], $0x80, s30, s15, $0xb8;
	[tilespmem:$0x1D000] =	vst v63  }
0x13d: {  	_ =	swait.ge [sflag:s20], $0x4000  }
0x13e: {  	[sflag:s20] =	ssyncset.done $0x0  }
0x13f: {  	[sflag:s20] =	ssyncadd.s32 $0xFFFFC000  }
0x140: {  	[tilespmem:s17], [sflag:$0x2] =	stream.indirect.gather [hbm4b:s4+s15], $0x80, s31, s15, $0xb8;
	[tilespmem:$0x1D000] =	vst v63  }
0x141: {  	_ =	swait.ge [sflag:s18], $0x4000  }
0x142: {  	[sflag:s18] =	ssyncset.done $0x0  }
0x143: {  	[sflag:s18] =	ssyncadd.s32 $0xFFFFC000  }
0x144: {  	[spmem:s2] =	stream.indirect.scatter.add.f32 [tilespmem:s17], [sflag:$0x4], $0x80, s1, s15, $0xb8;
	[tilespmem:$0x1D000] =	vst v63  }
0x145: {  	_ =	swait.ge [sflag:s19], $0x4000  }
0x146: {  	[sflag:s19] =	ssyncset.done $0x0  }
0x147: {  	[sflag:s19] =	ssyncadd.s32 $0xFFFFC000  }
0x148: {  	[tilespmem:s12], [sflag:$0x1] =	stream.indirect.gather [hbm4b:s4+s15], $0x80, s0, s15, $0xb8;
	[tilespmem:$0x1D000] =	vst v63  }
0x149: {  	_ =	swait.ge [sflag:s16], $0x4000  }
0x14a: {  	[sflag:s16] =	ssyncset.done $0x0  }
0x14b: {  	[sflag:s16] =	ssyncadd.s32 $0xFFFFC000  }
0x14c: {  	[spmem:s2] =	stream.indirect.scatter.add.f32 [tilespmem:s12], [sflag:$0x3], $0x80, s6, s15, $0xb8;
	[tilespmem:$0x1D000] =	vst v63  }
0x14d: {  	_ =	swait.ge [sflag:s20], $0x4000  }
0x14e: {  	[sflag:s20] =	ssyncset.done $0x0  }
0x14f: {  	[sflag:s20] =	ssyncadd.s32 $0xFFFFC000  }
0x150: {  	[tilespmem:s17], [sflag:$0x2] =	stream.indirect.gather [hbm4b:s4+s15], $0x80, s7, s15, $0xb8;
	[tilespmem:$0x1D000] =	vst v63  }
0x151: {  	_ =	swait.ge [sflag:s18], $0x4000  }
0x152: {  	[sflag:s18] =	ssyncset.done $0x0  }
0x153: {  	p0 =	sne.s32 s11, $0x400;
	[sflag:s18] =	ssyncadd.s32 $0xFFFFC000  }
0x154: {  	[spmem:s2] =	stream.indirect.scatter.add.f32 [tilespmem:s17], [sflag:$0x4], $0x80, s8, s15, $0xb8;
	[tilespmem:$0x1D000] =	vst v63  }
.Ltmp1:
0x155: {  	_ =	swait.ge [sflag:s19], $0x4000;
	(pc) =	sbr.rel @p0 .LBB2_4-.Ltmp1, $4  }
0x156: {  	[sflag:s19] =	ssyncset.done $0x0  }
0x157: {  	[sflag:s19] =	ssyncadd.s32 $0xFFFFC000  }
0x158: {  	_ =	swait.ge [sflag:s20], $0x4000  }
0x159: {  	s11 =	sadd.s32 $0x100, s11;
	s5 =	rddreg [dreg:$0x4];
	[sflag:s20] =	ssyncset.done $0x0  }
0x15a: {  	[sflag:s20] =	ssyncadd.s32 $0xFFFFC000;
	s5 =	sadd.s32 s10, s5  }
0x15b: {  	[tilespmem:s3], [sflag:$0x5] =	stream.linear.gather [hbm4b:s5+s3], $0x800, $0x38;
	[tilespmem:$0x1D000] =	vst v63  }
0x15c: {  	_ =	swait.ge [sflag:s13], $0x800  }
0x15d: {  	s9 =	rddreg [dreg:$0x3];
	[sflag:s13] =	ssyncset.done $0x0  }
0x15e: {  	[sflag:s13] =	ssyncadd.s32 $0xFFFFF800;
	s5 =	sadd.s32 s10, s9  }
0x15f: {  	[tilespmem:s14], [sflag:$0x5] =	stream.linear.gather [hbm4b:s5+s3], $0x800, $0x38;
	[tilespmem:$0x1D000] =	vst v63  }
0x160: {  	_ =	swait.ge [sflag:s13], $0x800  }
0x161: {  	[sflag:s13] =	ssyncset.done $0x0  }
0x162: {  	[sflag:s13] =	ssyncadd.s32 $0xFFFFF800  }
0x163: {  	[tilespmem:s12], [sflag:$0x1] =	stream.indirect.gather [hbm4b:s4+s15], $0x80, s3, s15, $0xb8;
	[tilespmem:$0x1D000] =	vst v63  }
0x164: {  	_ =	swait.ge [sflag:s16], $0x4000  }
0x165: {  	[sflag:s16] =	ssyncset.done $0x0  }
0x166: {  	[sflag:s16] =	ssyncadd.s32 $0xFFFFC000  }
0x167: {  	[spmem:s2] =	stream.indirect.scatter.add.f32 [tilespmem:s12], [sflag:$0x3], $0x80, s14, s15, $0xb8;
	[tilespmem:$0x1D000] =	vst v63  }
0x168: {  	_ = 	snop  }
0x169: {  	[tilespmem:s17], [sflag:$0x2] =	stream.indirect.gather [hbm4b:s4+s15], $0x80, s15, s15, $0xb8;
	[tilespmem:$0x1D000] =	vst v63  }
0x16a: {  	_ =	swait.ge [sflag:s18], $0x4000  }
0x16b: {  	[sflag:s18] =	ssyncset.done $0x0  }
0x16c: {  	s11 =	rddreg [dreg:$0x5];
	[sflag:s18] =	ssyncadd.s32 $0xFFFFC000  }
0x16d: {  	[spmem:s2] =	stream.indirect.scatter.add.f32 [tilespmem:s17], [sflag:$0x4], $0x80, s11, s15, $0xb8;
	[tilespmem:$0x1D000] =	vst v63  }
0x16e: {  	_ =	swait.ge [sflag:s19], $0x4000  }
0x16f: {  	[sflag:s19] =	ssyncset.done $0x0  }
0x170: {  	s9 =	rddreg [dreg:$0x6];
	[sflag:s19] =	ssyncadd.s32 $0xFFFFC000  }
0x171: {  	[tilespmem:s12], [sflag:$0x1] =	stream.indirect.gather [hbm4b:s4+s15], $0x80, s9, s15, $0xb8;
	[tilespmem:$0x1D000] =	vst v63  }
0x172: {  	_ =	swait.ge [sflag:s16], $0x4000  }
0x173: {  	[sflag:s16] =	ssyncset.done $0x0  }
0x174: {  	s10 =	rddreg [dreg:$0x7];
	[sflag:s16] =	ssyncadd.s32 $0xFFFFC000  }
0x175: {  	[spmem:s2] =	stream.indirect.scatter.add.f32 [tilespmem:s12], [sflag:$0x3], $0x80, s10, s15, $0xb8;
	[tilespmem:$0x1D000] =	vst v63  }
0x176: {  	_ =	swait.ge [sflag:s20], $0x4000  }
0x177: {  	[sflag:s20] =	ssyncset.done $0x0  }
0x178: {  	s11 =	rddreg [dreg:$0x8];
	[sflag:s20] =	ssyncadd.s32 $0xFFFFC000  }
0x179: {  	[tilespmem:s17], [sflag:$0x2] =	stream.indirect.gather [hbm4b:s4+s15], $0x80, s11, s15, $0xb8;
	[tilespmem:$0x1D000] =	vst v63  }
0x17a: {  	_ =	swait.ge [sflag:s18], $0x4000  }
0x17b: {  	[sflag:s18] =	ssyncset.done $0x0  }
0x17c: {  	s9 =	rddreg [dreg:$0x9];
	[sflag:s18] =	ssyncadd.s32 $0xFFFFC000  }
0x17d: {  	[spmem:s2] =	stream.indirect.scatter.add.f32 [tilespmem:s17], [sflag:$0x4], $0x80, s9, s15, $0xb8;
	[tilespmem:$0x1D000] =	vst v63  }
0x17e: {  	_ =	swait.ge [sflag:s19], $0x4000  }
0x17f: {  	[sflag:s19] =	ssyncset.done $0x0  }
0x180: {  	s10 =	rddreg [dreg:$0xa];
	[sflag:s19] =	ssyncadd.s32 $0xFFFFC000  }
0x181: {  	[tilespmem:s12], [sflag:$0x1] =	stream.indirect.gather [hbm4b:s4+s15], $0x80, s10, s15, $0xb8;
	[tilespmem:$0x1D000] =	vst v63  }
0x182: {  	_ =	swait.ge [sflag:s16], $0x4000  }
0x183: {  	[sflag:s16] =	ssyncset.done $0x0  }
0x184: {  	s11 =	rddreg [dreg:$0xb];
	[sflag:s16] =	ssyncadd.s32 $0xFFFFC000  }
0x185: {  	[spmem:s2] =	stream.indirect.scatter.add.f32 [tilespmem:s12], [sflag:$0x3], $0x80, s11, s15, $0xb8;
	[tilespmem:$0x1D000] =	vst v63  }
0x186: {  	_ =	swait.ge [sflag:s20], $0x4000  }
0x187: {  	[sflag:s20] =	ssyncset.done $0x0  }
0x188: {  	s9 =	rddreg [dreg:$0xc];
	[sflag:s20] =	ssyncadd.s32 $0xFFFFC000  }
0x189: {  	[tilespmem:s17], [sflag:$0x2] =	stream.indirect.gather [hbm4b:s4+s15], $0x80, s9, s15, $0xb8;
	[tilespmem:$0x1D000] =	vst v63  }
0x18a: {  	_ =	swait.ge [sflag:s18], $0x4000  }
0x18b: {  	[sflag:s18] =	ssyncset.done $0x0  }
0x18c: {  	s10 =	rddreg [dreg:$0xd];
	[sflag:s18] =	ssyncadd.s32 $0xFFFFC000  }
0x18d: {  	[spmem:s2] =	stream.indirect.scatter.add.f32 [tilespmem:s17], [sflag:$0x4], $0x80, s10, s15, $0xb8;
	[tilespmem:$0x1D000] =	vst v63  }
0x18e: {  	_ =	swait.ge [sflag:s19], $0x4000  }
0x18f: {  	[sflag:s19] =	ssyncset.done $0x0  }
0x190: {  	s11 =	rddreg [dreg:$0xe];
	[sflag:s19] =	ssyncadd.s32 $0xFFFFC000  }
0x191: {  	[tilespmem:s12], [sflag:$0x1] =	stream.indirect.gather [hbm4b:s4+s15], $0x80, s11, s15, $0xb8;
	[tilespmem:$0x1D000] =	vst v63  }
0x192: {  	_ =	swait.ge [sflag:s16], $0x4000  }
0x193: {  	[sflag:s16] =	ssyncset.done $0x0  }
0x194: {  	s9 =	rddreg [dreg:$0xf];
	[sflag:s16] =	ssyncadd.s32 $0xFFFFC000  }
0x195: {  	[spmem:s2] =	stream.indirect.scatter.add.f32 [tilespmem:s12], [sflag:$0x3], $0x80, s9, s15, $0xb8;
	[tilespmem:$0x1D000] =	vst v63  }
0x196: {  	_ =	swait.ge [sflag:s20], $0x4000  }
0x197: {  	[sflag:s20] =	ssyncset.done $0x0  }
0x198: {  	s10 =	rddreg [dreg:$0x10];
	[sflag:s20] =	ssyncadd.s32 $0xFFFFC000  }
0x199: {  	[tilespmem:s17], [sflag:$0x2] =	stream.indirect.gather [hbm4b:s4+s15], $0x80, s10, s15, $0xb8;
	[tilespmem:$0x1D000] =	vst v63  }
0x19a: {  	_ =	swait.ge [sflag:s18], $0x4000  }
0x19b: {  	[sflag:s18] =	ssyncset.done $0x0  }
0x19c: {  	s11 =	rddreg [dreg:$0x11];
	[sflag:s18] =	ssyncadd.s32 $0xFFFFC000  }
0x19d: {  	[spmem:s2] =	stream.indirect.scatter.add.f32 [tilespmem:s17], [sflag:$0x4], $0x80, s11, s15, $0xb8;
	[tilespmem:$0x1D000] =	vst v63  }
0x19e: {  	_ =	swait.ge [sflag:s19], $0x4000  }
0x19f: {  	[sflag:s19] =	ssyncset.done $0x0  }
0x1a0: {  	s9 =	rddreg [dreg:$0x12];
	[sflag:s19] =	ssyncadd.s32 $0xFFFFC000  }
0x1a1: {  	[tilespmem:s12], [sflag:$0x1] =	stream.indirect.gather [hbm4b:s4+s15], $0x80, s9, s15, $0xb8;
	[tilespmem:$0x1D000] =	vst v63  }
0x1a2: {  	_ =	swait.ge [sflag:s16], $0x4000  }
0x1a3: {  	[sflag:s16] =	ssyncset.done $0x0  }
0x1a4: {  	[sflag:s16] =	ssyncadd.s32 $0xFFFFC000  }
0x1a5: {  	[spmem:s2] =	stream.indirect.scatter.add.f32 [tilespmem:s12], [sflag:$0x3], $0x80, s21, s15, $0xb8;
	[tilespmem:$0x1D000] =	vst v63  }
0x1a6: {  	_ =	swait.ge [sflag:s20], $0x4000  }
0x1a7: {  	[sflag:s20] =	ssyncset.done $0x0  }
0x1a8: {  	[sflag:s20] =	ssyncadd.s32 $0xFFFFC000  }
0x1a9: {  	[tilespmem:s17], [sflag:$0x2] =	stream.indirect.gather [hbm4b:s4+s15], $0x80, s22, s15, $0xb8;
	[tilespmem:$0x1D000] =	vst v63  }
0x1aa: {  	_ =	swait.ge [sflag:s18], $0x4000  }
0x1ab: {  	[sflag:s18] =	ssyncset.done $0x0  }
0x1ac: {  	[sflag:s18] =	ssyncadd.s32 $0xFFFFC000  }
0x1ad: {  	[spmem:s2] =	stream.indirect.scatter.add.f32 [tilespmem:s17], [sflag:$0x4], $0x80, s23, s15, $0xb8;
	[tilespmem:$0x1D000] =	vst v63  }
0x1ae: {  	_ =	swait.ge [sflag:s19], $0x4000  }
0x1af: {  	[sflag:s19] =	ssyncset.done $0x0  }
0x1b0: {  	[sflag:s19] =	ssyncadd.s32 $0xFFFFC000  }
0x1b1: {  	[tilespmem:s12], [sflag:$0x1] =	stream.indirect.gather [hbm4b:s4+s15], $0x80, s24, s15, $0xb8;
	[tilespmem:$0x1D000] =	vst v63  }
0x1b2: {  	_ =	swait.ge [sflag:s16], $0x4000  }
0x1b3: {  	[sflag:s16] =	ssyncset.done $0x0  }
0x1b4: {  	[sflag:s16] =	ssyncadd.s32 $0xFFFFC000  }
0x1b5: {  	[spmem:s2] =	stream.indirect.scatter.add.f32 [tilespmem:s12], [sflag:$0x3], $0x80, s25, s15, $0xb8;
	[tilespmem:$0x1D000] =	vst v63  }
0x1b6: {  	_ =	swait.ge [sflag:s20], $0x4000  }
0x1b7: {  	[sflag:s20] =	ssyncset.done $0x0  }
0x1b8: {  	[sflag:s20] =	ssyncadd.s32 $0xFFFFC000  }
0x1b9: {  	[tilespmem:s17], [sflag:$0x2] =	stream.indirect.gather [hbm4b:s4+s15], $0x80, s26, s15, $0xb8;
	[tilespmem:$0x1D000] =	vst v63  }
0x1ba: {  	_ =	swait.ge [sflag:s18], $0x4000  }
0x1bb: {  	[sflag:s18] =	ssyncset.done $0x0  }
0x1bc: {  	[sflag:s18] =	ssyncadd.s32 $0xFFFFC000  }
0x1bd: {  	[spmem:s2] =	stream.indirect.scatter.add.f32 [tilespmem:s17], [sflag:$0x4], $0x80, s28, s15, $0xb8;
	[tilespmem:$0x1D000] =	vst v63  }
0x1be: {  	_ =	swait.ge [sflag:s19], $0x4000  }
0x1bf: {  	[sflag:s19] =	ssyncset.done $0x0  }
0x1c0: {  	[sflag:s19] =	ssyncadd.s32 $0xFFFFC000  }
0x1c1: {  	[tilespmem:s12], [sflag:$0x1] =	stream.indirect.gather [hbm4b:s4+s15], $0x80, s29, s15, $0xb8;
	[tilespmem:$0x1D000] =	vst v63  }
0x1c2: {  	_ =	swait.ge [sflag:s16], $0x4000  }
0x1c3: {  	[sflag:s16] =	ssyncset.done $0x0  }
0x1c4: {  	[sflag:s16] =	ssyncadd.s32 $0xFFFFC000  }
0x1c5: {  	[spmem:s2] =	stream.indirect.scatter.add.f32 [tilespmem:s12], [sflag:$0x3], $0x80, s30, s15, $0xb8;
	[tilespmem:$0x1D000] =	vst v63  }
0x1c6: {  	_ =	swait.ge [sflag:s20], $0x4000  }
0x1c7: {  	[sflag:s20] =	ssyncset.done $0x0  }
0x1c8: {  	[sflag:s20] =	ssyncadd.s32 $0xFFFFC000  }
0x1c9: {  	[tilespmem:s17], [sflag:$0x2] =	stream.indirect.gather [hbm4b:s4+s15], $0x80, s31, s15, $0xb8;
	[tilespmem:$0x1D000] =	vst v63  }
0x1ca: {  	_ =	swait.ge [sflag:s18], $0x4000  }
0x1cb: {  	[sflag:s18] =	ssyncset.done $0x0  }
0x1cc: {  	[sflag:s18] =	ssyncadd.s32 $0xFFFFC000  }
0x1cd: {  	[spmem:s2] =	stream.indirect.scatter.add.f32 [tilespmem:s17], [sflag:$0x4], $0x80, s1, s15, $0xb8;
	[tilespmem:$0x1D000] =	vst v63  }
0x1ce: {  	_ =	swait.ge [sflag:s19], $0x4000  }
0x1cf: {  	[sflag:s19] =	ssyncset.done $0x0  }
0x1d0: {  	[sflag:s19] =	ssyncadd.s32 $0xFFFFC000  }
0x1d1: {  	[tilespmem:s12], [sflag:$0x1] =	stream.indirect.gather [hbm4b:s4+s15], $0x80, s0, s15, $0xb8;
	[tilespmem:$0x1D000] =	vst v63  }
0x1d2: {  	_ =	swait.ge [sflag:s16], $0x4000  }
0x1d3: {  	[sflag:s16] =	ssyncset.done $0x0  }
0x1d4: {  	[sflag:s16] =	ssyncadd.s32 $0xFFFFC000  }
0x1d5: {  	[spmem:s2] =	stream.indirect.scatter.add.f32 [tilespmem:s12], [sflag:$0x3], $0x80, s6, s15, $0xb8;
	[tilespmem:$0x1D000] =	vst v63  }
0x1d6: {  	_ =	swait.ge [sflag:s20], $0x4000  }
0x1d7: {  	[sflag:s20] =	ssyncset.done $0x0  }
0x1d8: {  	[sflag:s20] =	ssyncadd.s32 $0xFFFFC000  }
0x1d9: {  	[tilespmem:s17], [sflag:$0x2] =	stream.indirect.gather [hbm4b:s4+s15], $0x80, s7, s15, $0xb8;
	[tilespmem:$0x1D000] =	vst v63  }
0x1da: {  	_ =	swait.ge [sflag:s18], $0x4000  }
0x1db: {  	[sflag:s18] =	ssyncset.done $0x0  }
0x1dc: {  	[sflag:s18] =	ssyncadd.s32 $0xFFFFC000  }
0x1dd: {  	[spmem:s2] =	stream.indirect.scatter.add.f32 [tilespmem:s17], [sflag:$0x4], $0x80, s8, s15, $0xb8;
	[tilespmem:$0x1D000] =	vst v63  }
0x1de: {  	_ =	swait.ge [sflag:s19], $0x4000  }
0x1df: {  	[sflag:s19] =	ssyncset.done $0x0  }
0x1e0: {  	[sflag:s19] =	ssyncadd.s32 $0xFFFFC000  }
0x1e1: {  	_ =	swait.ge [sflag:s20], $0x4000  }
0x1e2: {  	[sflag:s20] =	ssyncset.done $0x0  }
0x1e3: {  	[sflag:s20] =	ssyncadd.s32 $0xFFFFC000  }
0x1e4: {  	s10 =	stileid.u32;
	[bflag:$0x0] =	sbarrier.arrive $0xFFFF  }
0x1e5: {  	s5 =	sshll.u32 s10, $0x6;
	s9 =	rddreg [dreg:$0x13]  }
0x1e6: {  	s5 =	sor.u32 $0x1C05, s5;
	s11 =	rddreg [dreg:$0x14];
	s9 =	sshrl.u32 s9, $0x3  }
0x1e7: {  	[hbm:s11], [sflag:s5] =	dma.local [spmem:s9], $0x2800  }
0x1e8: {  	_ =	swait.ge [sflag:s13], $0x2800  }
0x1e9: {  	s10 =	rddreg [dreg:$0x1a]  }
0x1ea: {  	s11 =	rddreg [dreg:$0x15];
	s9 =	sadd.s32 $0x1, s10  }
0x1eb: {  	p0 =	sne.s32 s9, s11  }
.Ltmp2:
0x1ec: {  	_ = 	snop;
	(pc) =	sbr.rel @p0 .LBB2_1-.Ltmp2, $3  }
0x1ed: {  	_ =	sdelay $0x1  }
0x1ee: {  	[sflag:s13] =	ssyncset.done $0x0  }
0x1ef: {  	[sflag:s13] =	ssyncadd.s32 $0xFFFFD800  }
0x1f0: {  	_ =	sfence.sel $0x180000  }
0x1f1: {  	[bflag:$0x0] =	sbarrier.arrive $0xFFFF  }
0x1f2: {  	_ =	strace $0x9000004A  }
0x1f3: {  	s0 =	stileid.u32;
	[bflag:$0x2] =	sbarrier.arrive $0xFFFF  }
0x1f4: {  	p0 =	sne.s32 s0, $0x0;
	s0 =	rddreg [dreg:$0x2]  }
0x1f5: {  	s0 =	sadd.s32 @!p0 $0x100000, s0  }
0x1f6: {  	[sflag:s0] =	ssyncadd.tile.s32 @!p0 $0x1;
	_ =	shalt  }
.Lfunc_end2:
_tile_overlayer_lowered:
.L_overlay_start_2:
0x1f7: {  	(tag) =	ssettag $0x2  }
0x1f8: {  	s0 =	rddreg [dreg:$0x0];
	s2 =	stileid.u32  }
0x1f9: {  	s1 =	rddreg [dreg:$0x1];
	p0 =	sne.s32 s2, $0x0  }
0x1fa: {  	s3 =	rddreg [dreg:$0x2];
	[bflag:$0x3] =	sbarrier.arrive $0xFFFF;
	s2 =	simm.s32 @!p0 $0x1C05  }
0x1fb: {  	[timem:s3], [sflag:s2] =	dma.local @!p0 [hbm:s0], s1  }
0x1fc: {  	s0 =	simm.s32 @!p0 $0x5  }
0x1fd: {  	_ =	swait.ge @!p0 [sflag:s0], s1  }
0x1fe: {  	s1 =	ssub.s32 @!p0 $0x0, s1;
	[sflag:s0] =	ssyncset.done @!p0 $0x0  }
0x1ff: {  	[sflag:s0] =	ssyncadd.s32 @!p0 s1  }
0x200: {  	[bflag:$0x3] =	sbarrier.arrive $0xFFFF  }
0x201: {  	_ =	shalt  }

// kernel: kernel.16.cloned.1.call-start
scs
__scs_entry_jumppad:
0x0: {  	(pc) =	sbr.rel $0x88, $3  }
0x1: {  	(tag) =	ssettag $0x0;
	lr =	simm.s32 $0x1  }
0x2: {  	[smem:$0x3F93] =	sst lr;
	_ =	strace $0xD0000000  }
0x3: {  	_ = 	snop  }
0x4: {  	_ = 	snop  }
0x5: {  	_ = 	snop  }
0x6: {  	_ = 	snop  }
0x7: {  	_ = 	snop  }
__scs_overlays_trampoline_lowered:
0x8: {  	[smem:$0x3FA2] =	sst s0  }
0x9: {  	[smem:$0x3FA3] =	sst s1  }
0xa: {  	[smem:$0x3FA4] =	sst s2  }
0xb: {  	[smem:$0x3FA5] =	sst s3  }
0xc: {  	[smem:$0x3FA6] =	sst s4  }
0xd: {  	[smem:$0x3FA7] =	sst s5  }
0xe: {  	[smem:$0x3FA8] =	sst s6  }
0xf: {  	[smem:$0x3FA9] =	sst s7  }
0x10: {  	[smem:$0x3FAA] =	sst s8  }
0x11: {  	[smem:$0x3FAB] =	sst s9;
	s0 =	simm.s32 @!p0 $0x0  }
0x12: {  	s1 =	sld [smem:$0x3F91];
	s0 =	simm.s32 @p0 $0x1  }
0x13: {  	[smem:$0x3FAC] =	sst s0;
	s0 =	simm.s32 @!p1 $0x0  }
0x14: {  	s2 =	sld [smem:$0x3F90];
	s0 =	simm.s32 @p1 $0x1  }
0x15: {  	[smem:$0x3FAD] =	sst s0;
	s0 =	simm.s32 @!p2 $0x0  }
0x16: {  	s3 =	sld [smem:$0x3FDB];
	s0 =	simm.s32 @p2 $0x1  }
0x17: {  	s4 =	simm.s32 $0x1BF5;
	[smem:$0x3FAF] =	sst s0  }
0x18: {  	s0 =	sld [smem:$0x3F92];
	_ =	swait.ge [sflag:s4], $0x0  }
0x19: {  	s7 =	sld [smem:$0x3F93]  }
0x1a: {  	s8 =	sadd.s32 $0xFFFFE003, lr  }
0x1b: {  	s9 =	sadd.s32 $0xFFFFFEF7, lr;
	s5 =	simm.s32 $0xFFFFFFFF;
	p2 =	slt.u32 s8, $0xFFFFF086  }
0x1c: {  	p1 =	slt.u32 s9, $0xF7A;
	s5 =	simm.s32 @!p2 $0x0  }
0x1d: {  	s5 =	simm.s32 @p1 $0x1;
	p0 =	seq.s32 s7, s2  }
0x1e: {  	s7 =	smul.u32 @!p0 $0xF7A, s2;
	p2 =	seq.s32 @!p0 s5, $0x0  }
0x1f: {  	s9 =	smul.u32 $0xF7A, s1;
	s8 =	simm.s32 @!p0 $0x1BF5;
	p2 =	por !p2, p0  }
0x20: {  	[sflag:s8] =	ssyncset.s32 @!p0 $0xFFFFF086;
	s6 =	sadd.s32 @!p0 s3, s7;
	s7 =	simm.s32 @!p0 $0x108  }
0x21: {  	s3 =	sadd.s32 s3, s9;
	s6 =	sadd.s32 @!p0 $0x88, s6;
	s7 =	simm.s32 @p2 $0x1082  }
0x22: {  	[simem:s7], [sflag:s8] =	dma.local @!p0 [hbm:s6], $0xF7A  }
0x23: {  	s9 =	sor.u32 $0xD0000000, s2;
	s6 =	simm.s32 $0x108;
	_ =	swait.ge @!p0 [sflag:s8], $0x0  }
0x24: {  	s3 =	sadd.s32 $0x88, s3;
	s6 =	simm.s32 @!p1 $0x1082;
	[sflag:s4] =	ssyncset.s32 $0xFFFFF086  }
0x25: {  	[simem:s6], [sflag:s4] =	dma.local [hbm:s3], $0xF7A  }
0x26: {  	[smem:$0x3F93] =	sst s1;
	(tag) =	ssettag s2;
	_ =	strace s9  }
0x27: {  	s1 =	sld [smem:$0x3FA3]  }
0x28: {  	s2 =	sld [smem:$0x3FA4]  }
0x29: {  	s4 =	sld [smem:$0x3FA6]  }
0x2a: {  	p0 =	seq.s32 s5, $0x0;
	s5 =	sld [smem:$0x3FA7]  }
0x2b: {  	s6 =	sld [smem:$0x3FA8]  }
0x2c: {  	s7 =	sld [smem:$0x3FA9]  }
0x2d: {  	s3 =	simm.s32 $0x108;
	s8 =	sld [smem:$0x3FAA]  }
0x2e: {  	s3 =	simm.s32 @!p0 $0x1082;
	s9 =	sld [smem:$0x3FAB]  }
0x2f: {  	lr =	sadd.s32 s0, s3;
	s0 =	sld [smem:$0x3FA2]  }
0x30: {  	s3 =	sld [smem:$0x3FA5]  }
0x31: {  	[smem:$0x3FAE] =	sst s10  }
0x32: {  	s10 =	sld [smem:$0x3FAC];
	_ =	sdelay $0x3  }
0x33: {  	p0 =	seq.s32 s10, $0x1;
	s10 =	sld [smem:$0x3FAE];
	_ =	sdelay $0x3  }
0x34: {  	[smem:$0x3FAE] =	sst s10  }
0x35: {  	s10 =	sld [smem:$0x3FAD];
	_ =	sdelay $0x3  }
0x36: {  	p1 =	seq.s32 s10, $0x1;
	s10 =	sld [smem:$0x3FAE];
	_ =	sdelay $0x3  }
0x37: {  	[smem:$0x3FAE] =	sst s10  }
0x38: {  	s10 =	sld [smem:$0x3FAF]  }
0x39: {  	_ = 	snop;
	(pc) =	sbr.ind lr, $3  }
0x3a: {  	_ = 	snop  }
0x3b: {  	_ = 	snop  }
0x3c: {  	p2 =	seq.s32 s10, $0x1;
	s10 =	sld [smem:$0x3FAE]  }
0x3d: {  	_ =	shalt  }
0x3e: {  	_ =	shalt  }
0x3f: {  	_ =	shalt  }
0x40: {  	_ =	shalt  }
0x41: {  	_ =	shalt  }
0x42: {  	_ =	shalt  }
0x43: {  	_ =	shalt  }
0x44: {  	_ =	shalt  }
0x45: {  	_ =	shalt  }
0x46: {  	_ =	shalt  }
0x47: {  	_ =	shalt  }
0x48: {  	_ =	shalt  }
0x49: {  	_ =	shalt  }
0x4a: {  	_ =	shalt  }
0x4b: {  	_ =	shalt  }
0x4c: {  	_ =	shalt  }
0x4d: {  	_ =	shalt  }
0x4e: {  	_ =	shalt  }
0x4f: {  	_ =	shalt  }
0x50: {  	_ =	shalt  }
0x51: {  	_ =	shalt  }
0x52: {  	_ =	shalt  }
0x53: {  	_ =	shalt  }
0x54: {  	_ =	shalt  }
0x55: {  	_ =	shalt  }
0x56: {  	_ =	shalt  }
0x57: {  	_ =	shalt  }
0x58: {  	_ =	shalt  }
0x59: {  	_ =	shalt  }
0x5a: {  	_ =	shalt  }
0x5b: {  	_ =	shalt  }
0x5c: {  	_ =	shalt  }
0x5d: {  	_ =	shalt  }
0x5e: {  	_ =	shalt  }
0x5f: {  	_ =	shalt  }
0x60: {  	_ =	shalt  }
0x61: {  	_ =	shalt  }
0x62: {  	_ =	shalt  }
0x63: {  	_ =	shalt  }
0x64: {  	_ =	shalt  }
0x65: {  	_ =	shalt  }
0x66: {  	_ =	shalt  }
0x67: {  	_ =	shalt  }
0x68: {  	_ =	shalt  }
0x69: {  	_ =	shalt  }
0x6a: {  	_ =	shalt  }
0x6b: {  	_ =	shalt  }
0x6c: {  	_ =	shalt  }
0x6d: {  	_ =	shalt  }
0x6e: {  	_ =	shalt  }
0x6f: {  	_ =	shalt  }
0x70: {  	_ =	shalt  }
0x71: {  	_ =	shalt  }
0x72: {  	_ =	shalt  }
0x73: {  	_ =	shalt  }
0x74: {  	_ =	shalt  }
0x75: {  	_ =	shalt  }
0x76: {  	_ =	shalt  }
0x77: {  	_ =	shalt  }
0x78: {  	_ =	shalt  }
0x79: {  	_ =	shalt  }
0x7a: {  	_ =	shalt  }
0x7b: {  	_ =	shalt  }
0x7c: {  	_ =	shalt  }
0x7d: {  	_ =	shalt  }
0x7e: {  	_ =	shalt  }
0x7f: {  	_ =	shalt  }
0x80: {  	_ =	shalt  }
0x81: {  	_ =	shalt  }
0x82: {  	_ =	shalt  }
0x83: {  	_ =	shalt  }
0x84: {  	_ =	shalt  }
0x85: {  	_ =	shalt  }
0x86: {  	_ =	shalt  }
0x87: {  	_ =	shalt  }
.Lfunc_end0:
.L_simem_size_0:
called_computation.2_lowered:
.L_overlay_start_0:
0x88: {  	s2 =	sld [smem:$0x3FD9]  }
0x89: {  	s3 =	sld [smem:$0x3FFE];
	_ =	sdelay $0x1  }
0x8a: {  	s1 =	srdreg.scid  }
0x8b: {  	s0 =	sand.u32 $0x1, s1  }
0x8c: {  	s16 =	sshll.u32 s0, $0xA;
	s2 =	sadd.s32 s3, s2  }
0x8d: {  	s2 =	sadd.s32 s2, s16  }
0x8e: {  	[smem:$0x3FBA] =	sst s2  }
0x8f: {  	_ = 	snop  }
0x90: {  	(tm) =	ssettm $0x1  }
0x91: {  	s17 =	sld [smem:$0x3FFB];
	_ =	sdelay $0x3  }
0x92: {  	_ =	strace s17  }
0x93: {  	s2 =	sld [smem:$0x3FFC];
	_ =	sdelay $0x3  }
0x94: {  	_ =	strace s2  }
0x95: {  	s2 =	sld [smem:$0x3FFD];
	_ =	sdelay $0x3  }
0x96: {  	_ =	strace s2  }
0x97: {  	_ =	strace $0x8FFFFFFF  }
0x98: {  	s18 =	sld [smem:$0x3FDB];
	_ =	sdelay $0x1  }
0x99: {  	s19 =	simm.s32 $_scs_section_size  }
0x9a: {  	s4 =	simm.s32 $_size__tile_overlayer_lowered;
	s5 =	simm.s32 $_tile_overlayer_lowered  }
0x9b: {  	s22 =	simm.s32 $0x1BFF;
	s21 =	sshll.u32 s5, $0x1;
	s2 =	sadd.s32 s19, s18  }
0x9c: {  	s6 =	simm.s32 $0x0;
	s20 =	sshll.u32 s4, $0x1;
	s4 =	sadd.s32 s21, s2  }
0x9d: {  	[timem:s6], [sflag:s22] =	dma.local [hbm:s4], s20  }
0x9e: {  	_ =	swait.ge [sflag:s22], s20  }
0x9f: {  	s3 =	ssub.s32 $0x0, s20;
	[sflag:s22] =	ssyncset.done $0x0  }
0xa0: {  	[sflag:s22] =	ssyncadd.s32 s3;
	_ =	sdelay $0x1  }
0xa1: {  	s23 =	simm.s32 $0x1B8B  }
0xa2: {  	_ =	swait.ge [sflag:s23], $0x1  }
0xa3: {  	[sflag:s23] =	ssyncset.done $0x0  }
0xa4: {  	s25 =	simm.s32 $0x1B8E;
	s24 =	sld [smem:$0x3FFE];
	[sflag:s23] =	ssyncadd.s32 $0xFFFFFFFF  }
0xa5: {  	s26 =	simm.s32 $execute0_lowered;
	[smem:$0x3FD2] =	sst s25  }
0xa6: {  	s4 =	sshll.u32 s26, $0x1;
	_ =	strace $0x8000004C;
	[dreg:$0x1] =	wrdreg $0xFFFFFFFF  }
0xa7: {  	s28 =	simm.s32 $_size_execute0_lowered;
	s2 =	sadd.s32 s2, s4;
	[dreg:$0x0] =	wrdreg $0x0  }
0xa8: {  	s4 =	sshll.u32 s28, $0x1;
	[dreg:$0x2] =	wrdreg s2  }
0xa9: {  	[dreg:$0x3] =	wrdreg s4  }
0xaa: {  	[dreg:$0x4] =	wrdreg $0xC0  }
0xab: {  	_ =	task [dreg:s6], $0x5FFFF  }
0xac: {  	[dreg:$0x1] =	wrdreg $0xFFFFFFFF  }
0xad: {  	[dreg:$0x0] =	wrdreg $0x60  }
0xae: {  	[dreg:$0x2] =	wrdreg s24  }
0xaf: {  	[dreg:$0x3] =	wrdreg $0x90000  }
0xb0: {  	[dreg:$0x4] =	wrdreg $0x9  }
0xb1: {  	_ =	task.clear_ibuf [dreg:s6], $0x5FFFF;
	_ =	strace $0x9000004C  }
0xb2: {  	s29 =	simm.s32 $0x9;
	_ =	strace $0x8000004E  }
0xb3: {  	_ =	swait.ge [sflag:s29], $0x1  }
0xb4: {  	[sflag:s29] =	ssyncadd.s32 $0xFFFFFFFF  }
0xb5: {  	_ =	strace $0x9000004E  }
0xb6: {  	_ =	sfence  }
0xb7: {  	s30 =	sld [smem:$0x0];
	_ =	sdelay $0x2  }
0xb8: {  	s31 =	sshll.u32 s1, $0xD;
	s1 =	sshrl.u32 s1, $0x2  }
0xb9: {  	s3 =	sand.u32 $0x4000, s31;
	s1 =	sadd.s32 s1, s30  }
0xba: {  	s0 =	sor.u32 s3, s0;
	s1 =	sshll.u32 s1, $0x11  }
0xbb: {  	s0 =	sor.u32 s1, s0  }
0xbc: {  	s0 =	sadd.s32 $0x8F2B, s0  }
0xbd: {  	[sflag:s0] =	ssyncadd.remote.s32 $0x1  }
0xbe: {  	_ =	sfence.sel $0xFFFF  }
0xbf: {  	[dreg:$0x0] =	wrdreg $0xFFFFFFFF;
	(pc) =	sbr.abs _section_cstart, $3  }
0xc0: {  	[dreg:$0x1] =	wrdreg $0xFFFFFFFF  }
0xc1: {  	_ =	task.clear_ibuf [dreg:s6], $0x2FFFF;
	_ =	strace $0x9FFFFFFF  }
0xc2: {  	(tm) =	ssettm $0x7FFFFFFF  }
0xc3: {  	_ =	shalt  }
tec
execute0_lowered:
.L_overlay_start_1:
0x0: {  	(tag) =	ssettag $0x1  }
0x1: {  	s0 =	srdreg.scid;
	s1 =	rddreg [dreg:$0x0]  }
0x2: {  	s8 =	stileid.u32;
	s2 =	rddreg [dreg:$0x1];
	s3 =	simm.s32 $0x0  }
0x3: {  	s9 =	simm.s32 $0x880;
	s10 =	simm.s32 $0x100;
	s12 =	simm.s32 $0x900  }
0x4: {  	s14 =	simm.s32 $0x180;
	s16 =	simm.s32 $0x980;
	[smem:$0x7FF] =	sst s3  }
0x5: {  	s18 =	simm.s32 $0x200;
	_ =	strace $0x8000004D;
	[dreg:$0x5] =	wrdreg s9  }
0x6: {  	s19 =	simm.s32 $0xA00;
	s20 =	simm.s32 $0x280;
	[dreg:$0x6] =	wrdreg s10  }
0x7: {  	s21 =	simm.s32 $0xA80;
	s22 =	simm.s32 $0x300;
	[dreg:$0x7] =	wrdreg s12  }
0x8: {  	s23 =	simm.s32 $0xB00;
	s24 =	simm.s32 $0x380;
	[dreg:$0x8] =	wrdreg s14  }
0x9: {  	s28 =	simm.s32 $0xD80;
	s5 =	smul.u32 $0x2800, s8;
	[dreg:$0x9] =	wrdreg s16  }
0xa: {  	s29 =	simm.s32 $0x600;
	s7 =	smul.u32 $0x14000, s8;
	[dreg:$0xa] =	wrdreg s18  }
0xb: {  	s0 =	sand.u32 $0x1, s0;
	s25 =	smul.u32 $0x50000, s8;
	[dreg:$0xb] =	wrdreg s19  }
0xc: {  	s30 =	simm.s32 $0xE00;
	s4 =	smul.u32 $0x28000, s0;
	[dreg:$0xc] =	wrdreg s20  }
0xd: {  	s31 =	simm.s32 $0x680;
	s6 =	smul.u32 $0x140000, s0;
	[dreg:$0xd] =	wrdreg s21  }
0xe: {  	s0 =	ssub.s32 $0x2, s0;
	s12 =	simm.s32 $0x1000;
	[dreg:$0xe] =	wrdreg s22  }
0xf: {  	s14 =	simm.s32 $0x800;
	s16 =	simm.s32 $0x1;
	[dreg:$0xf] =	wrdreg s23  }
0x10: {  	s18 =	simm.s32 $0x2;
	[dreg:$0x10] =	wrdreg s24;
	s19 =	simm.s32 $0x3  }
0x11: {  	s20 =	simm.s32 $0x4;
	s21 =	simm.s32 $0xC00;
	s22 =	simm.s32 $0x480  }
0x12: {  	s23 =	simm.s32 $0xC80;
	s26 =	sshrl.u32 s0, $0x1;
	s5 =	sadd.s32 s5, s4  }
0x13: {  	s4 =	sadd.s32 $0x2BA00, s1;
	s6 =	sadd.s32 s7, s6;
	s0 =	ssub.s32 s0, s26  }
0x14: {  	s7 =	sshrl.u32 s25, $0x2;
	s25 =	simm.s32 $0xB80;
	s26 =	simm.s32 $0x400  }
0x15: {  	s5 =	sshrl.u32 s5, $0x3;
	s6 =	sshrl.u32 s6, $0x3;
	[dreg:$0x11] =	wrdreg s25  }
0x16: {  	s0 =	smax.u32 s0, $0x1;
	[dreg:$0x12] =	wrdreg s26;
	s5 =	sadd.s32 s5, s1  }
0x17: {  	s1 =	sadd.s32 s6, s1;
	s6 =	sadd.s32 s7, s2;
	[dreg:$0x15] =	wrdreg s0  }
0x18: {  	s24 =	simm.s32 $0x500;
	s8 =	sadd.s32 $0x21A00, s5;
	[dreg:$0x13] =	wrdreg s6  }
0x19: {  	s9 =	simm.s32 $0x0;
	s1 =	sadd.s32 $0x52C00, s1;
	[dreg:$0x3] =	wrdreg s8  }
0x1a: {  	s25 =	simm.s32 $0xD00;
	s5 =	sadd.s32 $0xDA00, s5;
	[dreg:$0x14] =	wrdreg s1  }
0x1b: {  	s26 =	simm.s32 $0x580;
	s11 =	sadd.s32 $0x4000, s6;
	[dreg:$0x4] =	wrdreg s5  }
0x1c: {  	s0 =	simm.s32 $0x700;
	s13 =	sadd.s32 $0x8000, s6;
	[dreg:$0x16] =	wrdreg s11  }
0x1d: {  	s7 =	simm.s32 $0x780;
	s15 =	sadd.s32 $0xC000, s6;
	[dreg:$0x17] =	wrdreg s13  }
0x1e: {  	s17 =	sadd.s32 $0x10000, s6;
	s6 =	simm.s32 $0xF00;
	[dreg:$0x18] =	wrdreg s15  }
0x1f: {  	[dreg:$0x19] =	wrdreg s17;
	s13 =	simm.s32 $0x5;
	s15 =	simm.s32 $0x80  }
0x20: {  	v0 =	vimm.f32 $0.0e+00;
	s17 =	simm.s32 $0x5000;
	s1 =	simm.s32 $0xE80;
	s8 =	simm.s32 $0xF80  }
.LBB2_1:
0x21: {  	s10 =	simm.s32 $0x0;
	s11 =	simm.s32 $0x200  }
.LBB2_2:
0x22: {  	p0 =	sne.s32 s11, $0xFE00;
	[tilespmem:s10+$0x1070] =	vst v0  }
0x23: {  	[tilespmem:s10+$0x1000] =	vst v0  }
0x24: {  	[tilespmem:s10+$0x1010] =	vst v0  }
.Ltmp0:
0x25: {  	[tilespmem:s10+$0x1020] =	vst v0;
	(pc) =	sbr.rel @p0 .LBB2_2-.Ltmp0, $4  }
0x26: {  	[tilespmem:s10+$0x1030] =	vst v0  }
0x27: {  	[tilespmem:s10+$0x1040] =	vst v0  }
0x28: {  	[tilespmem:s10+$0x1050] =	vst v0  }
0x29: {  	[tilespmem:s10+$0x1060] =	vst v0;
	s10 =	sshra.s32 s11, $0x2;
	s11 =	sadd.s32 $0x200, s11  }
0x2a: {  	[tilespmem:s10+$0x1070] =	vst v0  }
0x2b: {  	[tilespmem:s10+$0x1000] =	vst v0  }
0x2c: {  	[tilespmem:s10+$0x1010] =	vst v0  }
0x2d: {  	[tilespmem:s10+$0x1020] =	vst v0  }
0x2e: {  	[tilespmem:s10+$0x1030] =	vst v0  }
0x2f: {  	[tilespmem:s10+$0x1040] =	vst v0  }
0x30: {  	[dreg:$0x1a] =	wrdreg s9;
	[tilespmem:s10+$0x1050] =	vst v0  }
0x31: {  	[tilespmem:s10+$0x1060] =	vst v0;
	s5 =	rddreg [dreg:$0x13]  }
0x32: {  	[spmem:s5] =	stream.linear.scatter [tilespmem:s12], [sflag:$0x5], $0x4000, $0x38;
	[tilespmem:$0x1D000] =	vst v63  }
0x33: {  	_ =	swait.ge [sflag:s13], $0x4000  }
0x34: {  	[sflag:s13] =	ssyncset.done $0x0  }
0x35: {  	s10 =	rddreg [dreg:$0x16];
	[sflag:s13] =	ssyncadd.s32 $0xFFFFC000  }
0x36: {  	[spmem:s10] =	stream.linear.scatter [tilespmem:s12], [sflag:$0x5], $0x4000, $0x38;
	[tilespmem:$0x1D000] =	vst v63  }
0x37: {  	_ =	swait.ge [sflag:s13], $0x4000  }
0x38: {  	[sflag:s13] =	ssyncset.done $0x0  }
0x39: {  	s11 =	rddreg [dreg:$0x17];
	[sflag:s13] =	ssyncadd.s32 $0xFFFFC000  }
0x3a: {  	[spmem:s11] =	stream.linear.scatter [tilespmem:s12], [sflag:$0x5], $0x4000, $0x38;
	[tilespmem:$0x1D000] =	vst v63  }
0x3b: {  	_ =	swait.ge [sflag:s13], $0x4000  }
0x3c: {  	[sflag:s13] =	ssyncset.done $0x0  }
0x3d: {  	s9 =	rddreg [dreg:$0x18];
	[sflag:s13] =	ssyncadd.s32 $0xFFFFC000  }
0x3e: {  	[spmem:s9] =	stream.linear.scatter [tilespmem:s12], [sflag:$0x5], $0x4000, $0x38;
	[tilespmem:$0x1D000] =	vst v63  }
0x3f: {  	_ =	swait.ge [sflag:s13], $0x4000  }
0x40: {  	[sflag:s13] =	ssyncset.done $0x0  }
0x41: {  	s10 =	rddreg [dreg:$0x19];
	[sflag:s13] =	ssyncadd.s32 $0xFFFFC000  }
0x42: {  	[spmem:s10] =	stream.linear.scatter [tilespmem:s12], [sflag:$0x5], $0x4000, $0x38;
	[tilespmem:$0x1D000] =	vst v63  }
0x43: {  	_ =	swait.ge [sflag:s13], $0x4000  }
0x44: {  	[sflag:s13] =	ssyncset.done $0x0  }
0x45: {  	[sflag:s13] =	ssyncadd.s32 $0xFFFFC000  }
0x46: {  	[bflag:$0x0] =	sbarrier.arrive $0xFFFF  }
0x47: {  	s11 =	rddreg [dreg:$0x4]  }
0x48: {  	s5 =	sadd.s32 $0x0, s11  }
0x49: {  	[tilespmem:s3], [sflag:$0x5] =	stream.linear.gather [hbm4b:s5+s3], $0x800, $0x38;
	[tilespmem:$0x1D000] =	vst v63  }
0x4a: {  	_ =	swait.ge [sflag:s13], $0x800  }
0x4b: {  	s9 =	rddreg [dreg:$0x3];
	[sflag:s13] =	ssyncset.done $0x0  }
0x4c: {  	[sflag:s13] =	ssyncadd.s32 $0xFFFFF800;
	s5 =	sadd.s32 $0x0, s9  }
0x4d: {  	[tilespmem:s14], [sflag:$0x5] =	stream.linear.gather [hbm4b:s5+s3], $0x800, $0x38;
	[tilespmem:$0x1D000] =	vst v63  }
0x4e: {  	_ =	swait.ge [sflag:s13], $0x800  }
0x4f: {  	[sflag:s13] =	ssyncset.done $0x0  }
0x50: {  	[sflag:s13] =	ssyncadd.s32 $0xFFFFF800  }
0x51: {  	[tilespmem:s12], [sflag:$0x1] =	stream.indirect.gather [hbm4b:s4+s15], $0x80, s3, s15, $0xb8;
	[tilespmem:$0x1D000] =	vst v63  }
0x52: {  	_ =	swait.ge [sflag:s16], $0x4000  }
0x53: {  	[sflag:s16] =	ssyncset.done $0x0  }
0x54: {  	[sflag:s16] =	ssyncadd.s32 $0xFFFFC000  }
0x55: {  	[spmem:s2] =	stream.indirect.scatter.add.f32 [tilespmem:s12], [sflag:$0x3], $0x80, s14, s15, $0xb8;
	[tilespmem:$0x1D000] =	vst v63  }
0x56: {  	_ = 	snop  }
0x57: {  	[tilespmem:s17], [sflag:$0x2] =	stream.indirect.gather [hbm4b:s4+s15], $0x80, s15, s15, $0xb8;
	[tilespmem:$0x1D000] =	vst v63  }
0x58: {  	_ =	swait.ge [sflag:s18], $0x4000  }
0x59: {  	[sflag:s18] =	ssyncset.done $0x0  }
0x5a: {  	s10 =	rddreg [dreg:$0x5];
	[sflag:s18] =	ssyncadd.s32 $0xFFFFC000  }
0x5b: {  	[spmem:s2] =	stream.indirect.scatter.add.f32 [tilespmem:s17], [sflag:$0x4], $0x80, s10, s15, $0xb8;
	[tilespmem:$0x1D000] =	vst v63  }
0x5c: {  	_ =	swait.ge [sflag:s19], $0x4000  }
0x5d: {  	[sflag:s19] =	ssyncset.done $0x0  }
0x5e: {  	s11 =	rddreg [dreg:$0x6];
	[sflag:s19] =	ssyncadd.s32 $0xFFFFC000  }
0x5f: {  	[tilespmem:s12], [sflag:$0x1] =	stream.indirect.gather [hbm4b:s4+s15], $0x80, s11, s15, $0xb8;
	[tilespmem:$0x1D000] =	vst v63  }
0x60: {  	_ =	swait.ge [sflag:s16], $0x4000  }
0x61: {  	[sflag:s16] =	ssyncset.done $0x0  }
0x62: {  	s9 =	rddreg [dreg:$0x7];
	[sflag:s16] =	ssyncadd.s32 $0xFFFFC000  }
0x63: {  	[spmem:s2] =	stream.indirect.scatter.add.f32 [tilespmem:s12], [sflag:$0x3], $0x80, s9, s15, $0xb8;
	[tilespmem:$0x1D000] =	vst v63  }
0x64: {  	_ =	swait.ge [sflag:s20], $0x4000  }
0x65: {  	[sflag:s20] =	ssyncset.done $0x0  }
0x66: {  	s10 =	rddreg [dreg:$0x8];
	[sflag:s20] =	ssyncadd.s32 $0xFFFFC000  }
0x67: {  	[tilespmem:s17], [sflag:$0x2] =	stream.indirect.gather [hbm4b:s4+s15], $0x80, s10, s15, $0xb8;
	[tilespmem:$0x1D000] =	vst v63  }
0x68: {  	_ =	swait.ge [sflag:s18], $0x4000  }
0x69: {  	[sflag:s18] =	ssyncset.done $0x0  }
0x6a: {  	s11 =	rddreg [dreg:$0x9];
	[sflag:s18] =	ssyncadd.s32 $0xFFFFC000  }
0x6b: {  	[spmem:s2] =	stream.indirect.scatter.add.f32 [tilespmem:s17], [sflag:$0x4], $0x80, s11, s15, $0xb8;
	[tilespmem:$0x1D000] =	vst v63  }
0x6c: {  	_ =	swait.ge [sflag:s19], $0x4000  }
0x6d: {  	[sflag:s19] =	ssyncset.done $0x0  }
0x6e: {  	s9 =	rddreg [dreg:$0xa];
	[sflag:s19] =	ssyncadd.s32 $0xFFFFC000  }
0x6f: {  	[tilespmem:s12], [sflag:$0x1] =	stream.indirect.gather [hbm4b:s4+s15], $0x80, s9, s15, $0xb8;
	[tilespmem:$0x1D000] =	vst v63  }
0x70: {  	_ =	swait.ge [sflag:s16], $0x4000  }
0x71: {  	[sflag:s16] =	ssyncset.done $0x0  }
0x72: {  	s10 =	rddreg [dreg:$0xb];
	[sflag:s16] =	ssyncadd.s32 $0xFFFFC000  }
0x73: {  	[spmem:s2] =	stream.indirect.scatter.add.f32 [tilespmem:s12], [sflag:$0x3], $0x80, s10, s15, $0xb8;
	[tilespmem:$0x1D000] =	vst v63  }
0x74: {  	_ =	swait.ge [sflag:s20], $0x4000  }
0x75: {  	[sflag:s20] =	ssyncset.done $0x0  }
0x76: {  	s11 =	rddreg [dreg:$0xc];
	[sflag:s20] =	ssyncadd.s32 $0xFFFFC000  }
0x77: {  	[tilespmem:s17], [sflag:$0x2] =	stream.indirect.gather [hbm4b:s4+s15], $0x80, s11, s15, $0xb8;
	[tilespmem:$0x1D000] =	vst v63  }
0x78: {  	_ =	swait.ge [sflag:s18], $0x4000  }
0x79: {  	[sflag:s18] =	ssyncset.done $0x0  }
0x7a: {  	s9 =	rddreg [dreg:$0xd];
	[sflag:s18] =	ssyncadd.s32 $0xFFFFC000  }
0x7b: {  	[spmem:s2] =	stream.indirect.scatter.add.f32 [tilespmem:s17], [sflag:$0x4], $0x80, s9, s15, $0xb8;
	[tilespmem:$0x1D000] =	vst v63  }
0x7c: {  	_ =	swait.ge [sflag:s19], $0x4000  }
0x7d: {  	[sflag:s19] =	ssyncset.done $0x0  }
0x7e: {  	s10 =	rddreg [dreg:$0xe];
	[sflag:s19] =	ssyncadd.s32 $0xFFFFC000  }
0x7f: {  	[tilespmem:s12], [sflag:$0x1] =	stream.indirect.gather [hbm4b:s4+s15], $0x80, s10, s15, $0xb8;
	[tilespmem:$0x1D000] =	vst v63  }
0x80: {  	_ =	swait.ge [sflag:s16], $0x4000  }
0x81: {  	[sflag:s16] =	ssyncset.done $0x0  }
0x82: {  	s11 =	rddreg [dreg:$0xf];
	[sflag:s16] =	ssyncadd.s32 $0xFFFFC000  }
0x83: {  	[spmem:s2] =	stream.indirect.scatter.add.f32 [tilespmem:s12], [sflag:$0x3], $0x80, s11, s15, $0xb8;
	[tilespmem:$0x1D000] =	vst v63  }
0x84: {  	_ =	swait.ge [sflag:s20], $0x4000  }
0x85: {  	[sflag:s20] =	ssyncset.done $0x0  }
0x86: {  	s9 =	rddreg [dreg:$0x10];
	[sflag:s20] =	ssyncadd.s32 $0xFFFFC000  }
0x87: {  	[tilespmem:s17], [sflag:$0x2] =	stream.indirect.gather [hbm4b:s4+s15], $0x80, s9, s15, $0xb8;
	[tilespmem:$0x1D000] =	vst v63  }
0x88: {  	_ =	swait.ge [sflag:s18], $0x4000  }
0x89: {  	[sflag:s18] =	ssyncset.done $0x0  }
0x8a: {  	s10 =	rddreg [dreg:$0x11];
	[sflag:s18] =	ssyncadd.s32 $0xFFFFC000  }
0x8b: {  	[spmem:s2] =	stream.indirect.scatter.add.f32 [tilespmem:s17], [sflag:$0x4], $0x80, s10, s15, $0xb8;
	[tilespmem:$0x1D000] =	vst v63  }
0x8c: {  	_ =	swait.ge [sflag:s19], $0x4000  }
0x8d: {  	[sflag:s19] =	ssyncset.done $0x0  }
0x8e: {  	s11 =	rddreg [dreg:$0x12];
	[sflag:s19] =	ssyncadd.s32 $0xFFFFC000  }
0x8f: {  	[tilespmem:s12], [sflag:$0x1] =	stream.indirect.gather [hbm4b:s4+s15], $0x80, s11, s15, $0xb8;
	[tilespmem:$0x1D000] =	vst v63  }
0x90: {  	_ =	swait.ge [sflag:s16], $0x4000  }
0x91: {  	[sflag:s16] =	ssyncset.done $0x0  }
0x92: {  	[sflag:s16] =	ssyncadd.s32 $0xFFFFC000  }
0x93: {  	[spmem:s2] =	stream.indirect.scatter.add.f32 [tilespmem:s12], [sflag:$0x3], $0x80, s21, s15, $0xb8;
	[tilespmem:$0x1D000] =	vst v63  }
0x94: {  	_ =	swait.ge [sflag:s20], $0x4000  }
0x95: {  	[sflag:s20] =	ssyncset.done $0x0  }
0x96: {  	[sflag:s20] =	ssyncadd.s32 $0xFFFFC000  }
0x97: {  	[tilespmem:s17], [sflag:$0x2] =	stream.indirect.gather [hbm4b:s4+s15], $0x80, s22, s15, $0xb8;
	[tilespmem:$0x1D000] =	vst v63  }
0x98: {  	_ =	swait.ge [sflag:s18], $0x4000  }
0x99: {  	[sflag:s18] =	ssyncset.done $0x0  }
0x9a: {  	[sflag:s18] =	ssyncadd.s32 $0xFFFFC000  }
0x9b: {  	[spmem:s2] =	stream.indirect.scatter.add.f32 [tilespmem:s17], [sflag:$0x4], $0x80, s23, s15, $0xb8;
	[tilespmem:$0x1D000] =	vst v63  }
0x9c: {  	_ =	swait.ge [sflag:s19], $0x4000  }
0x9d: {  	[sflag:s19] =	ssyncset.done $0x0  }
0x9e: {  	[sflag:s19] =	ssyncadd.s32 $0xFFFFC000  }
0x9f: {  	[tilespmem:s12], [sflag:$0x1] =	stream.indirect.gather [hbm4b:s4+s15], $0x80, s24, s15, $0xb8;
	[tilespmem:$0x1D000] =	vst v63  }
0xa0: {  	_ =	swait.ge [sflag:s16], $0x4000  }
0xa1: {  	[sflag:s16] =	ssyncset.done $0x0  }
0xa2: {  	[sflag:s16] =	ssyncadd.s32 $0xFFFFC000  }
0xa3: {  	[spmem:s2] =	stream.indirect.scatter.add.f32 [tilespmem:s12], [sflag:$0x3], $0x80, s25, s15, $0xb8;
	[tilespmem:$0x1D000] =	vst v63  }
0xa4: {  	_ =	swait.ge [sflag:s20], $0x4000  }
0xa5: {  	[sflag:s20] =	ssyncset.done $0x0  }
0xa6: {  	[sflag:s20] =	ssyncadd.s32 $0xFFFFC000  }
0xa7: {  	[tilespmem:s17], [sflag:$0x2] =	stream.indirect.gather [hbm4b:s4+s15], $0x80, s26, s15, $0xb8;
	[tilespmem:$0x1D000] =	vst v63  }
0xa8: {  	_ =	swait.ge [sflag:s18], $0x4000  }
0xa9: {  	[sflag:s18] =	ssyncset.done $0x0  }
0xaa: {  	[sflag:s18] =	ssyncadd.s32 $0xFFFFC000  }
0xab: {  	[spmem:s2] =	stream.indirect.scatter.add.f32 [tilespmem:s17], [sflag:$0x4], $0x80, s28, s15, $0xb8;
	[tilespmem:$0x1D000] =	vst v63  }
0xac: {  	_ =	swait.ge [sflag:s19], $0x4000  }
0xad: {  	[sflag:s19] =	ssyncset.done $0x0  }
0xae: {  	[sflag:s19] =	ssyncadd.s32 $0xFFFFC000  }
0xaf: {  	[tilespmem:s12], [sflag:$0x1] =	stream.indirect.gather [hbm4b:s4+s15], $0x80, s29, s15, $0xb8;
	[tilespmem:$0x1D000] =	vst v63  }
0xb0: {  	_ =	swait.ge [sflag:s16], $0x4000  }
0xb1: {  	[sflag:s16] =	ssyncset.done $0x0  }
0xb2: {  	[sflag:s16] =	ssyncadd.s32 $0xFFFFC000  }
0xb3: {  	[spmem:s2] =	stream.indirect.scatter.add.f32 [tilespmem:s12], [sflag:$0x3], $0x80, s30, s15, $0xb8;
	[tilespmem:$0x1D000] =	vst v63  }
0xb4: {  	_ =	swait.ge [sflag:s20], $0x4000  }
0xb5: {  	[sflag:s20] =	ssyncset.done $0x0  }
0xb6: {  	[sflag:s20] =	ssyncadd.s32 $0xFFFFC000  }
0xb7: {  	[tilespmem:s17], [sflag:$0x2] =	stream.indirect.gather [hbm4b:s4+s15], $0x80, s31, s15, $0xb8;
	[tilespmem:$0x1D000] =	vst v63  }
0xb8: {  	_ =	swait.ge [sflag:s18], $0x4000  }
0xb9: {  	[sflag:s18] =	ssyncset.done $0x0  }
0xba: {  	[sflag:s18] =	ssyncadd.s32 $0xFFFFC000  }
0xbb: {  	[spmem:s2] =	stream.indirect.scatter.add.f32 [tilespmem:s17], [sflag:$0x4], $0x80, s1, s15, $0xb8;
	[tilespmem:$0x1D000] =	vst v63  }
0xbc: {  	_ =	swait.ge [sflag:s19], $0x4000  }
0xbd: {  	[sflag:s19] =	ssyncset.done $0x0  }
0xbe: {  	[sflag:s19] =	ssyncadd.s32 $0xFFFFC000  }
0xbf: {  	[tilespmem:s12], [sflag:$0x1] =	stream.indirect.gather [hbm4b:s4+s15], $0x80, s0, s15, $0xb8;
	[tilespmem:$0x1D000] =	vst v63  }
0xc0: {  	_ =	swait.ge [sflag:s16], $0x4000  }
0xc1: {  	[sflag:s16] =	ssyncset.done $0x0  }
0xc2: {  	[sflag:s16] =	ssyncadd.s32 $0xFFFFC000  }
0xc3: {  	[spmem:s2] =	stream.indirect.scatter.add.f32 [tilespmem:s12], [sflag:$0x3], $0x80, s6, s15, $0xb8;
	[tilespmem:$0x1D000] =	vst v63  }
0xc4: {  	_ =	swait.ge [sflag:s20], $0x4000  }
0xc5: {  	[sflag:s20] =	ssyncset.done $0x0  }
0xc6: {  	[sflag:s20] =	ssyncadd.s32 $0xFFFFC000  }
0xc7: {  	[tilespmem:s17], [sflag:$0x2] =	stream.indirect.gather [hbm4b:s4+s15], $0x80, s7, s15, $0xb8;
	[tilespmem:$0x1D000] =	vst v63  }
0xc8: {  	_ =	swait.ge [sflag:s18], $0x4000  }
0xc9: {  	[sflag:s18] =	ssyncset.done $0x0  }
0xca: {  	[sflag:s18] =	ssyncadd.s32 $0xFFFFC000  }
0xcb: {  	[spmem:s2] =	stream.indirect.scatter.add.f32 [tilespmem:s17], [sflag:$0x4], $0x80, s8, s15, $0xb8;
	[tilespmem:$0x1D000] =	vst v63  }
0xcc: {  	_ =	swait.ge [sflag:s19], $0x4000  }
0xcd: {  	[sflag:s19] =	ssyncset.done $0x0  }
0xce: {  	[sflag:s19] =	ssyncadd.s32 $0xFFFFC000  }
0xcf: {  	s10 =	simm.s32 $0x100;
	_ =	swait.ge [sflag:s20], $0x4000  }
0xd0: {  	s11 =	simm.s32 $0x200;
	s5 =	rddreg [dreg:$0x4];
	[sflag:s20] =	ssyncset.done $0x0  }
.LBB2_4:
0xd1: {  	[sflag:s20] =	ssyncadd.s32 $0xFFFFC000;
	s5 =	sadd.s32 s10, s5  }
0xd2: {  	[tilespmem:s3], [sflag:$0x5] =	stream.linear.gather [hbm4b:s5+s3], $0x800, $0x38;
	[tilespmem:$0x1D000] =	vst v63  }
0xd3: {  	_ =	swait.ge [sflag:s13], $0x800  }
0xd4: {  	s5 =	rddreg [dreg:$0x3];
	[sflag:s13] =	ssyncset.done $0x0  }
0xd5: {  	[sflag:s13] =	ssyncadd.s32 $0xFFFFF800;
	s5 =	sadd.s32 s10, s5  }
0xd6: {  	[tilespmem:s14], [sflag:$0x5] =	stream.linear.gather [hbm4b:s5+s3], $0x800, $0x38;
	[tilespmem:$0x1D000] =	vst v63  }
0xd7: {  	_ =	swait.ge [sflag:s13], $0x800  }
0xd8: {  	[sflag:s13] =	ssyncset.done $0x0  }
0xd9: {  	[sflag:s13] =	ssyncadd.s32 $0xFFFFF800  }
0xda: {  	[tilespmem:s12], [sflag:$0x1] =	stream.indirect.gather [hbm4b:s4+s15], $0x80, s3, s15, $0xb8;
	[tilespmem:$0x1D000] =	vst v63  }
0xdb: {  	_ =	swait.ge [sflag:s16], $0x4000  }
0xdc: {  	[sflag:s16] =	ssyncset.done $0x0  }
0xdd: {  	[sflag:s16] =	ssyncadd.s32 $0xFFFFC000  }
0xde: {  	[spmem:s2] =	stream.indirect.scatter.add.f32 [tilespmem:s12], [sflag:$0x3], $0x80, s14, s15, $0xb8;
	[tilespmem:$0x1D000] =	vst v63  }
0xdf: {  	_ = 	snop  }
0xe0: {  	[tilespmem:s17], [sflag:$0x2] =	stream.indirect.gather [hbm4b:s4+s15], $0x80, s15, s15, $0xb8;
	[tilespmem:$0x1D000] =	vst v63  }
0xe1: {  	_ =	swait.ge [sflag:s18], $0x4000  }
0xe2: {  	s9 =	smov.u32 s11;
	[sflag:s18] =	ssyncset.done $0x0  }
0xe3: {  	s10 =	smov.u32 s9;
	s9 =	rddreg [dreg:$0x5];
	[sflag:s18] =	ssyncadd.s32 $0xFFFFC000  }
0xe4: {  	[spmem:s2] =	stream.indirect.scatter.add.f32 [tilespmem:s17], [sflag:$0x4], $0x80, s9, s15, $0xb8;
	[tilespmem:$0x1D000] =	vst v63  }
0xe5: {  	_ =	swait.ge [sflag:s19], $0x4000  }
0xe6: {  	[sflag:s19] =	ssyncset.done $0x0  }
0xe7: {  	s9 =	rddreg [dreg:$0x6];
	[sflag:s19] =	ssyncadd.s32 $0xFFFFC000  }
0xe8: {  	[tilespmem:s12], [sflag:$0x1] =	stream.indirect.gather [hbm4b:s4+s15], $0x80, s9, s15, $0xb8;
	[tilespmem:$0x1D000] =	vst v63  }
0xe9: {  	_ =	swait.ge [sflag:s16], $0x4000  }
0xea: {  	[sflag:s16] =	ssyncset.done $0x0  }
0xeb: {  	s9 =	rddreg [dreg:$0x7];
	[sflag:s16] =	ssyncadd.s32 $0xFFFFC000  }
0xec: {  	[spmem:s2] =	stream.indirect.scatter.add.f32 [tilespmem:s12], [sflag:$0x3], $0x80, s9, s15, $0xb8;
	[tilespmem:$0x1D000] =	vst v63  }
0xed: {  	_ =	swait.ge [sflag:s20], $0x4000  }
0xee: {  	[sflag:s20] =	ssyncset.done $0x0  }
0xef: {  	s9 =	rddreg [dreg:$0x8];
	[sflag:s20] =	ssyncadd.s32 $0xFFFFC000  }
0xf0: {  	[tilespmem:s17], [sflag:$0x2] =	stream.indirect.gather [hbm4b:s4+s15], $0x80, s9, s15, $0xb8;
	[tilespmem:$0x1D000] =	vst v63  }
0xf1: {  	_ =	swait.ge [sflag:s18], $0x4000  }
0xf2: {  	[sflag:s18] =	ssyncset.done $0x0  }
0xf3: {  	s9 =	rddreg [dreg:$0x9];
	[sflag:s18] =	ssyncadd.s32 $0xFFFFC000  }
0xf4: {  	[spmem:s2] =	stream.indirect.scatter.add.f32 [tilespmem:s17], [sflag:$0x4], $0x80, s9, s15, $0xb8;
	[tilespmem:$0x1D000] =	vst v63  }
0xf5: {  	_ =	swait.ge [sflag:s19], $0x4000  }
0xf6: {  	[sflag:s19] =	ssyncset.done $0x0  }
0xf7: {  	s9 =	rddreg [dreg:$0xa];
	[sflag:s19] =	ssyncadd.s32 $0xFFFFC000  }
0xf8: {  	[tilespmem:s12], [sflag:$0x1] =	stream.indirect.gather [hbm4b:s4+s15], $0x80, s9, s15, $0xb8;
	[tilespmem:$0x1D000] =	vst v63  }
0xf9: {  	_ =	swait.ge [sflag:s16], $0x4000  }
0xfa: {  	[sflag:s16] =	ssyncset.done $0x0  }
0xfb: {  	s9 =	rddreg [dreg:$0xb];
	[sflag:s16] =	ssyncadd.s32 $0xFFFFC000  }
0xfc: {  	[spmem:s2] =	stream.indirect.scatter.add.f32 [tilespmem:s12], [sflag:$0x3], $0x80, s9, s15, $0xb8;
	[tilespmem:$0x1D000] =	vst v63  }
0xfd: {  	_ =	swait.ge [sflag:s20], $0x4000  }
0xfe: {  	[sflag:s20] =	ssyncset.done $0x0  }
0xff: {  	s9 =	rddreg [dreg:$0xc];
	[sflag:s20] =	ssyncadd.s32 $0xFFFFC000  }
0x100: {  	[tilespmem:s17], [sflag:$0x2] =	stream.indirect.gather [hbm4b:s4+s15], $0x80, s9, s15, $0xb8;
	[tilespmem:$0x1D000] =	vst v63  }
0x101: {  	_ =	swait.ge [sflag:s18], $0x4000  }
0x102: {  	[sflag:s18] =	ssyncset.done $0x0  }
0x103: {  	s9 =	rddreg [dreg:$0xd];
	[sflag:s18] =	ssyncadd.s32 $0xFFFFC000  }
0x104: {  	[spmem:s2] =	stream.indirect.scatter.add.f32 [tilespmem:s17], [sflag:$0x4], $0x80, s9, s15, $0xb8;
	[tilespmem:$0x1D000] =	vst v63  }
0x105: {  	_ =	swait.ge [sflag:s19], $0x4000  }
0x106: {  	[sflag:s19] =	ssyncset.done $0x0  }
0x107: {  	s9 =	rddreg [dreg:$0xe];
	[sflag:s19] =	ssyncadd.s32 $0xFFFFC000  }
0x108: {  	[tilespmem:s12], [sflag:$0x1] =	stream.indirect.gather [hbm4b:s4+s15], $0x80, s9, s15, $0xb8;
	[tilespmem:$0x1D000] =	vst v63  }
0x109: {  	_ =	swait.ge [sflag:s16], $0x4000  }
0x10a: {  	[sflag:s16] =	ssyncset.done $0x0  }
0x10b: {  	s9 =	rddreg [dreg:$0xf];
	[sflag:s16] =	ssyncadd.s32 $0xFFFFC000  }
0x10c: {  	[spmem:s2] =	stream.indirect.scatter.add.f32 [tilespmem:s12], [sflag:$0x3], $0x80, s9, s15, $0xb8;
	[tilespmem:$0x1D000] =	vst v63  }
0x10d: {  	_ =	swait.ge [sflag:s20], $0x4000  }
0x10e: {  	[sflag:s20] =	ssyncset.done $0x0  }
0x10f: {  	s9 =	rddreg [dreg:$0x10];
	[sflag:s20] =	ssyncadd.s32 $0xFFFFC000  }
0x110: {  	[tilespmem:s17], [sflag:$0x2] =	stream.indirect.gather [hbm4b:s4+s15], $0x80, s9, s15, $0xb8;
	[tilespmem:$0x1D000] =	vst v63  }
0x111: {  	_ =	swait.ge [sflag:s18], $0x4000  }
0x112: {  	[sflag:s18] =	ssyncset.done $0x0  }
0x113: {  	s9 =	rddreg [dreg:$0x11];
	[sflag:s18] =	ssyncadd.s32 $0xFFFFC000  }
0x114: {  	[spmem:s2] =	stream.indirect.scatter.add.f32 [tilespmem:s17], [sflag:$0x4], $0x80, s9, s15, $0xb8;
	[tilespmem:$0x1D000] =	vst v63  }
0x115: {  	_ =	swait.ge [sflag:s19], $0x4000  }
0x116: {  	[sflag:s19] =	ssyncset.done $0x0  }
0x117: {  	s9 =	rddreg [dreg:$0x12];
	[sflag:s19] =	ssyncadd.s32 $0xFFFFC000  }
0x118: {  	[tilespmem:s12], [sflag:$0x1] =	stream.indirect.gather [hbm4b:s4+s15], $0x80, s9, s15, $0xb8;
	[tilespmem:$0x1D000] =	vst v63  }
0x119: {  	_ =	swait.ge [sflag:s16], $0x4000  }
0x11a: {  	[sflag:s16] =	ssyncset.done $0x0  }
0x11b: {  	[sflag:s16] =	ssyncadd.s32 $0xFFFFC000  }
0x11c: {  	[spmem:s2] =	stream.indirect.scatter.add.f32 [tilespmem:s12], [sflag:$0x3], $0x80, s21, s15, $0xb8;
	[tilespmem:$0x1D000] =	vst v63  }
0x11d: {  	_ =	swait.ge [sflag:s20], $0x4000  }
0x11e: {  	[sflag:s20] =	ssyncset.done $0x0  }
0x11f: {  	[sflag:s20] =	ssyncadd.s32 $0xFFFFC000  }
0x120: {  	[tilespmem:s17], [sflag:$0x2] =	stream.indirect.gather [hbm4b:s4+s15], $0x80, s22, s15, $0xb8;
	[tilespmem:$0x1D000] =	vst v63  }
0x121: {  	_ =	swait.ge [sflag:s18], $0x4000  }
0x122: {  	[sflag:s18] =	ssyncset.done $0x0  }
0x123: {  	[sflag:s18] =	ssyncadd.s32 $0xFFFFC000  }
0x124: {  	[spmem:s2] =	stream.indirect.scatter.add.f32 [tilespmem:s17], [sflag:$0x4], $0x80, s23, s15, $0xb8;
	[tilespmem:$0x1D000] =	vst v63  }
0x125: {  	_ =	swait.ge [sflag:s19], $0x4000  }
0x126: {  	[sflag:s19] =	ssyncset.done $0x0  }
0x127: {  	[sflag:s19] =	ssyncadd.s32 $0xFFFFC000  }
0x128: {  	[tilespmem:s12], [sflag:$0x1] =	stream.indirect.gather [hbm4b:s4+s15], $0x80, s24, s15, $0xb8;
	[tilespmem:$0x1D000] =	vst v63  }
0x129: {  	_ =	swait.ge [sflag:s16], $0x4000  }
0x12a: {  	[sflag:s16] =	ssyncset.done $0x0  }
0x12b: {  	[sflag:s16] =	ssyncadd.s32 $0xFFFFC000  }
0x12c: {  	[spmem:s2] =	stream.indirect.scatter.add.f32 [tilespmem:s12], [sflag:$0x3], $0x80, s25, s15, $0xb8;
	[tilespmem:$0x1D000] =	vst v63  }
0x12d: {  	_ =	swait.ge [sflag:s20], $0x4000  }
0x12e: {  	[sflag:s20] =	ssyncset.done $0x0  }
0x12f: {  	[sflag:s20] =	ssyncadd.s32 $0xFFFFC000  }
0x130: {  	[tilespmem:s17], [sflag:$0x2] =	stream.indirect.gather [hbm4b:s4+s15], $0x80, s26, s15, $0xb8;
	[tilespmem:$0x1D000] =	vst v63  }
0x131: {  	_ =	swait.ge [sflag:s18], $0x4000  }
0x132: {  	[sflag:s18] =	ssyncset.done $0x0  }
0x133: {  	[sflag:s18] =	ssyncadd.s32 $0xFFFFC000  }
0x134: {  	[spmem:s2] =	stream.indirect.scatter.add.f32 [tilespmem:s17], [sflag:$0x4], $0x80, s28, s15, $0xb8;
	[tilespmem:$0x1D000] =	vst v63  }
0x135: {  	_ =	swait.ge [sflag:s19], $0x4000  }
0x136: {  	[sflag:s19] =	ssyncset.done $0x0  }
0x137: {  	[sflag:s19] =	ssyncadd.s32 $0xFFFFC000  }
0x138: {  	[tilespmem:s12], [sflag:$0x1] =	stream.indirect.gather [hbm4b:s4+s15], $0x80, s29, s15, $0xb8;
	[tilespmem:$0x1D000] =	vst v63  }
0x139: {  	_ =	swait.ge [sflag:s16], $0x4000  }
0x13a: {  	[sflag:s16] =	ssyncset.done $0x0  }
0x13b: {  	[sflag:s16] =	ssyncadd.s32 $0xFFFFC000  }
0x13c: {  	[spmem:s2] =	stream.indirect.scatter.add.f32 [tilespmem:s12], [sflag:$0x3], $0x80, s30, s15, $0xb8;
	[tilespmem:$0x1D000] =	vst v63  }
0x13d: {  	_ =	swait.ge [sflag:s20], $0x4000  }
0x13e: {  	[sflag:s20] =	ssyncset.done $0x0  }
0x13f: {  	[sflag:s20] =	ssyncadd.s32 $0xFFFFC000  }
0x140: {  	[tilespmem:s17], [sflag:$0x2] =	stream.indirect.gather [hbm4b:s4+s15], $0x80, s31, s15, $0xb8;
	[tilespmem:$0x1D000] =	vst v63  }
0x141: {  	_ =	swait.ge [sflag:s18], $0x4000  }
0x142: {  	[sflag:s18] =	ssyncset.done $0x0  }
0x143: {  	[sflag:s18] =	ssyncadd.s32 $0xFFFFC000  }
0x144: {  	[spmem:s2] =	stream.indirect.scatter.add.f32 [tilespmem:s17], [sflag:$0x4], $0x80, s1, s15, $0xb8;
	[tilespmem:$0x1D000] =	vst v63  }
0x145: {  	_ =	swait.ge [sflag:s19], $0x4000  }
0x146: {  	[sflag:s19] =	ssyncset.done $0x0  }
0x147: {  	[sflag:s19] =	ssyncadd.s32 $0xFFFFC000  }
0x148: {  	[tilespmem:s12], [sflag:$0x1] =	stream.indirect.gather [hbm4b:s4+s15], $0x80, s0, s15, $0xb8;
	[tilespmem:$0x1D000] =	vst v63  }
0x149: {  	_ =	swait.ge [sflag:s16], $0x4000  }
0x14a: {  	[sflag:s16] =	ssyncset.done $0x0  }
0x14b: {  	[sflag:s16] =	ssyncadd.s32 $0xFFFFC000  }
0x14c: {  	[spmem:s2] =	stream.indirect.scatter.add.f32 [tilespmem:s12], [sflag:$0x3], $0x80, s6, s15, $0xb8;
	[tilespmem:$0x1D000] =	vst v63  }
0x14d: {  	_ =	swait.ge [sflag:s20], $0x4000  }
0x14e: {  	[sflag:s20] =	ssyncset.done $0x0  }
0x14f: {  	[sflag:s20] =	ssyncadd.s32 $0xFFFFC000  }
0x150: {  	[tilespmem:s17], [sflag:$0x2] =	stream.indirect.gather [hbm4b:s4+s15], $0x80, s7, s15, $0xb8;
	[tilespmem:$0x1D000] =	vst v63  }
0x151: {  	_ =	swait.ge [sflag:s18], $0x4000  }
0x152: {  	[sflag:s18] =	ssyncset.done $0x0  }
0x153: {  	p0 =	sne.s32 s11, $0x400;
	[sflag:s18] =	ssyncadd.s32 $0xFFFFC000  }
0x154: {  	[spmem:s2] =	stream.indirect.scatter.add.f32 [tilespmem:s17], [sflag:$0x4], $0x80, s8, s15, $0xb8;
	[tilespmem:$0x1D000] =	vst v63  }
.Ltmp1:
0x155: {  	_ =	swait.ge [sflag:s19], $0x4000;
	(pc) =	sbr.rel @p0 .LBB2_4-.Ltmp1, $4  }
0x156: {  	[sflag:s19] =	ssyncset.done $0x0  }
0x157: {  	[sflag:s19] =	ssyncadd.s32 $0xFFFFC000  }
0x158: {  	_ =	swait.ge [sflag:s20], $0x4000  }
0x159: {  	s11 =	sadd.s32 $0x100, s11;
	s5 =	rddreg [dreg:$0x4];
	[sflag:s20] =	ssyncset.done $0x0  }
0x15a: {  	[sflag:s20] =	ssyncadd.s32 $0xFFFFC000;
	s5 =	sadd.s32 s10, s5  }
0x15b: {  	[tilespmem:s3], [sflag:$0x5] =	stream.linear.gather [hbm4b:s5+s3], $0x800, $0x38;
	[tilespmem:$0x1D000] =	vst v63  }
0x15c: {  	_ =	swait.ge [sflag:s13], $0x800  }
0x15d: {  	s9 =	rddreg [dreg:$0x3];
	[sflag:s13] =	ssyncset.done $0x0  }
0x15e: {  	[sflag:s13] =	ssyncadd.s32 $0xFFFFF800;
	s5 =	sadd.s32 s10, s9  }
0x15f: {  	[tilespmem:s14], [sflag:$0x5] =	stream.linear.gather [hbm4b:s5+s3], $0x800, $0x38;
	[tilespmem:$0x1D000] =	vst v63  }
0x160: {  	_ =	swait.ge [sflag:s13], $0x800  }
0x161: {  	[sflag:s13] =	ssyncset.done $0x0  }
0x162: {  	[sflag:s13] =	ssyncadd.s32 $0xFFFFF800  }
0x163: {  	[tilespmem:s12], [sflag:$0x1] =	stream.indirect.gather [hbm4b:s4+s15], $0x80, s3, s15, $0xb8;
	[tilespmem:$0x1D000] =	vst v63  }
0x164: {  	_ =	swait.ge [sflag:s16], $0x4000  }
0x165: {  	[sflag:s16] =	ssyncset.done $0x0  }
0x166: {  	[sflag:s16] =	ssyncadd.s32 $0xFFFFC000  }
0x167: {  	[spmem:s2] =	stream.indirect.scatter.add.f32 [tilespmem:s12], [sflag:$0x3], $0x80, s14, s15, $0xb8;
	[tilespmem:$0x1D000] =	vst v63  }
0x168: {  	_ = 	snop  }
0x169: {  	[tilespmem:s17], [sflag:$0x2] =	stream.indirect.gather [hbm4b:s4+s15], $0x80, s15, s15, $0xb8;
	[tilespmem:$0x1D000] =	vst v63  }
0x16a: {  	_ =	swait.ge [sflag:s18], $0x4000  }
0x16b: {  	[sflag:s18] =	ssyncset.done $0x0  }
0x16c: {  	s11 =	rddreg [dreg:$0x5];
	[sflag:s18] =	ssyncadd.s32 $0xFFFFC000  }
0x16d: {  	[spmem:s2] =	stream.indirect.scatter.add.f32 [tilespmem:s17], [sflag:$0x4], $0x80, s11, s15, $0xb8;
	[tilespmem:$0x1D000] =	vst v63  }
0x16e: {  	_ =	swait.ge [sflag:s19], $0x4000  }
0x16f: {  	[sflag:s19] =	ssyncset.done $0x0  }
0x170: {  	s9 =	rddreg [dreg:$0x6];
	[sflag:s19] =	ssyncadd.s32 $0xFFFFC000  }
0x171: {  	[tilespmem:s12], [sflag:$0x1] =	stream.indirect.gather [hbm4b:s4+s15], $0x80, s9, s15, $0xb8;
	[tilespmem:$0x1D000] =	vst v63  }
0x172: {  	_ =	swait.ge [sflag:s16], $0x4000  }
0x173: {  	[sflag:s16] =	ssyncset.done $0x0  }
0x174: {  	s10 =	rddreg [dreg:$0x7];
	[sflag:s16] =	ssyncadd.s32 $0xFFFFC000  }
0x175: {  	[spmem:s2] =	stream.indirect.scatter.add.f32 [tilespmem:s12], [sflag:$0x3], $0x80, s10, s15, $0xb8;
	[tilespmem:$0x1D000] =	vst v63  }
0x176: {  	_ =	swait.ge [sflag:s20], $0x4000  }
0x177: {  	[sflag:s20] =	ssyncset.done $0x0  }
0x178: {  	s11 =	rddreg [dreg:$0x8];
	[sflag:s20] =	ssyncadd.s32 $0xFFFFC000  }
0x179: {  	[tilespmem:s17], [sflag:$0x2] =	stream.indirect.gather [hbm4b:s4+s15], $0x80, s11, s15, $0xb8;
	[tilespmem:$0x1D000] =	vst v63  }
0x17a: {  	_ =	swait.ge [sflag:s18], $0x4000  }
0x17b: {  	[sflag:s18] =	ssyncset.done $0x0  }
0x17c: {  	s9 =	rddreg [dreg:$0x9];
	[sflag:s18] =	ssyncadd.s32 $0xFFFFC000  }
0x17d: {  	[spmem:s2] =	stream.indirect.scatter.add.f32 [tilespmem:s17], [sflag:$0x4], $0x80, s9, s15, $0xb8;
	[tilespmem:$0x1D000] =	vst v63  }
0x17e: {  	_ =	swait.ge [sflag:s19], $0x4000  }
0x17f: {  	[sflag:s19] =	ssyncset.done $0x0  }
0x180: {  	s10 =	rddreg [dreg:$0xa];
	[sflag:s19] =	ssyncadd.s32 $0xFFFFC000  }
0x181: {  	[tilespmem:s12], [sflag:$0x1] =	stream.indirect.gather [hbm4b:s4+s15], $0x80, s10, s15, $0xb8;
	[tilespmem:$0x1D000] =	vst v63  }
0x182: {  	_ =	swait.ge [sflag:s16], $0x4000  }
0x183: {  	[sflag:s16] =	ssyncset.done $0x0  }
0x184: {  	s11 =	rddreg [dreg:$0xb];
	[sflag:s16] =	ssyncadd.s32 $0xFFFFC000  }
0x185: {  	[spmem:s2] =	stream.indirect.scatter.add.f32 [tilespmem:s12], [sflag:$0x3], $0x80, s11, s15, $0xb8;
	[tilespmem:$0x1D000] =	vst v63  }
0x186: {  	_ =	swait.ge [sflag:s20], $0x4000  }
0x187: {  	[sflag:s20] =	ssyncset.done $0x0  }
0x188: {  	s9 =	rddreg [dreg:$0xc];
	[sflag:s20] =	ssyncadd.s32 $0xFFFFC000  }
0x189: {  	[tilespmem:s17], [sflag:$0x2] =	stream.indirect.gather [hbm4b:s4+s15], $0x80, s9, s15, $0xb8;
	[tilespmem:$0x1D000] =	vst v63  }
0x18a: {  	_ =	swait.ge [sflag:s18], $0x4000  }
0x18b: {  	[sflag:s18] =	ssyncset.done $0x0  }
0x18c: {  	s10 =	rddreg [dreg:$0xd];
	[sflag:s18] =	ssyncadd.s32 $0xFFFFC000  }
0x18d: {  	[spmem:s2] =	stream.indirect.scatter.add.f32 [tilespmem:s17], [sflag:$0x4], $0x80, s10, s15, $0xb8;
	[tilespmem:$0x1D000] =	vst v63  }
0x18e: {  	_ =	swait.ge [sflag:s19], $0x4000  }
0x18f: {  	[sflag:s19] =	ssyncset.done $0x0  }
0x190: {  	s11 =	rddreg [dreg:$0xe];
	[sflag:s19] =	ssyncadd.s32 $0xFFFFC000  }
0x191: {  	[tilespmem:s12], [sflag:$0x1] =	stream.indirect.gather [hbm4b:s4+s15], $0x80, s11, s15, $0xb8;
	[tilespmem:$0x1D000] =	vst v63  }
0x192: {  	_ =	swait.ge [sflag:s16], $0x4000  }
0x193: {  	[sflag:s16] =	ssyncset.done $0x0  }
0x194: {  	s9 =	rddreg [dreg:$0xf];
	[sflag:s16] =	ssyncadd.s32 $0xFFFFC000  }
0x195: {  	[spmem:s2] =	stream.indirect.scatter.add.f32 [tilespmem:s12], [sflag:$0x3], $0x80, s9, s15, $0xb8;
	[tilespmem:$0x1D000] =	vst v63  }
0x196: {  	_ =	swait.ge [sflag:s20], $0x4000  }
0x197: {  	[sflag:s20] =	ssyncset.done $0x0  }
0x198: {  	s10 =	rddreg [dreg:$0x10];
	[sflag:s20] =	ssyncadd.s32 $0xFFFFC000  }
0x199: {  	[tilespmem:s17], [sflag:$0x2] =	stream.indirect.gather [hbm4b:s4+s15], $0x80, s10, s15, $0xb8;
	[tilespmem:$0x1D000] =	vst v63  }
0x19a: {  	_ =	swait.ge [sflag:s18], $0x4000  }
0x19b: {  	[sflag:s18] =	ssyncset.done $0x0  }
0x19c: {  	s11 =	rddreg [dreg:$0x11];
	[sflag:s18] =	ssyncadd.s32 $0xFFFFC000  }
0x19d: {  	[spmem:s2] =	stream.indirect.scatter.add.f32 [tilespmem:s17], [sflag:$0x4], $0x80, s11, s15, $0xb8;
	[tilespmem:$0x1D000] =	vst v63  }
0x19e: {  	_ =	swait.ge [sflag:s19], $0x4000  }
0x19f: {  	[sflag:s19] =	ssyncset.done $0x0  }
0x1a0: {  	s9 =	rddreg [dreg:$0x12];
	[sflag:s19] =	ssyncadd.s32 $0xFFFFC000  }
0x1a1: {  	[tilespmem:s12], [sflag:$0x1] =	stream.indirect.gather [hbm4b:s4+s15], $0x80, s9, s15, $0xb8;
	[tilespmem:$0x1D000] =	vst v63  }
0x1a2: {  	_ =	swait.ge [sflag:s16], $0x4000  }
0x1a3: {  	[sflag:s16] =	ssyncset.done $0x0  }
0x1a4: {  	[sflag:s16] =	ssyncadd.s32 $0xFFFFC000  }
0x1a5: {  	[spmem:s2] =	stream.indirect.scatter.add.f32 [tilespmem:s12], [sflag:$0x3], $0x80, s21, s15, $0xb8;
	[tilespmem:$0x1D000] =	vst v63  }
0x1a6: {  	_ =	swait.ge [sflag:s20], $0x4000  }
0x1a7: {  	[sflag:s20] =	ssyncset.done $0x0  }
0x1a8: {  	[sflag:s20] =	ssyncadd.s32 $0xFFFFC000  }
0x1a9: {  	[tilespmem:s17], [sflag:$0x2] =	stream.indirect.gather [hbm4b:s4+s15], $0x80, s22, s15, $0xb8;
	[tilespmem:$0x1D000] =	vst v63  }
0x1aa: {  	_ =	swait.ge [sflag:s18], $0x4000  }
0x1ab: {  	[sflag:s18] =	ssyncset.done $0x0  }
0x1ac: {  	[sflag:s18] =	ssyncadd.s32 $0xFFFFC000  }
0x1ad: {  	[spmem:s2] =	stream.indirect.scatter.add.f32 [tilespmem:s17], [sflag:$0x4], $0x80, s23, s15, $0xb8;
	[tilespmem:$0x1D000] =	vst v63  }
0x1ae: {  	_ =	swait.ge [sflag:s19], $0x4000  }
0x1af: {  	[sflag:s19] =	ssyncset.done $0x0  }
0x1b0: {  	[sflag:s19] =	ssyncadd.s32 $0xFFFFC000  }
0x1b1: {  	[tilespmem:s12], [sflag:$0x1] =	stream.indirect.gather [hbm4b:s4+s15], $0x80, s24, s15, $0xb8;
	[tilespmem:$0x1D000] =	vst v63  }
0x1b2: {  	_ =	swait.ge [sflag:s16], $0x4000  }
0x1b3: {  	[sflag:s16] =	ssyncset.done $0x0  }
0x1b4: {  	[sflag:s16] =	ssyncadd.s32 $0xFFFFC000  }
0x1b5: {  	[spmem:s2] =	stream.indirect.scatter.add.f32 [tilespmem:s12], [sflag:$0x3], $0x80, s25, s15, $0xb8;
	[tilespmem:$0x1D000] =	vst v63  }
0x1b6: {  	_ =	swait.ge [sflag:s20], $0x4000  }
0x1b7: {  	[sflag:s20] =	ssyncset.done $0x0  }
0x1b8: {  	[sflag:s20] =	ssyncadd.s32 $0xFFFFC000  }
0x1b9: {  	[tilespmem:s17], [sflag:$0x2] =	stream.indirect.gather [hbm4b:s4+s15], $0x80, s26, s15, $0xb8;
	[tilespmem:$0x1D000] =	vst v63  }
0x1ba: {  	_ =	swait.ge [sflag:s18], $0x4000  }
0x1bb: {  	[sflag:s18] =	ssyncset.done $0x0  }
0x1bc: {  	[sflag:s18] =	ssyncadd.s32 $0xFFFFC000  }
0x1bd: {  	[spmem:s2] =	stream.indirect.scatter.add.f32 [tilespmem:s17], [sflag:$0x4], $0x80, s28, s15, $0xb8;
	[tilespmem:$0x1D000] =	vst v63  }
0x1be: {  	_ =	swait.ge [sflag:s19], $0x4000  }
0x1bf: {  	[sflag:s19] =	ssyncset.done $0x0  }
0x1c0: {  	[sflag:s19] =	ssyncadd.s32 $0xFFFFC000  }
0x1c1: {  	[tilespmem:s12], [sflag:$0x1] =	stream.indirect.gather [hbm4b:s4+s15], $0x80, s29, s15, $0xb8;
	[tilespmem:$0x1D000] =	vst v63  }
0x1c2: {  	_ =	swait.ge [sflag:s16], $0x4000  }
0x1c3: {  	[sflag:s16] =	ssyncset.done $0x0  }
0x1c4: {  	[sflag:s16] =	ssyncadd.s32 $0xFFFFC000  }
0x1c5: {  	[spmem:s2] =	stream.indirect.scatter.add.f32 [tilespmem:s12], [sflag:$0x3], $0x80, s30, s15, $0xb8;
	[tilespmem:$0x1D000] =	vst v63  }
0x1c6: {  	_ =	swait.ge [sflag:s20], $0x4000  }
0x1c7: {  	[sflag:s20] =	ssyncset.done $0x0  }
0x1c8: {  	[sflag:s20] =	ssyncadd.s32 $0xFFFFC000  }
0x1c9: {  	[tilespmem:s17], [sflag:$0x2] =	stream.indirect.gather [hbm4b:s4+s15], $0x80, s31, s15, $0xb8;
	[tilespmem:$0x1D000] =	vst v63  }
0x1ca: {  	_ =	swait.ge [sflag:s18], $0x4000  }
0x1cb: {  	[sflag:s18] =	ssyncset.done $0x0  }
0x1cc: {  	[sflag:s18] =	ssyncadd.s32 $0xFFFFC000  }
0x1cd: {  	[spmem:s2] =	stream.indirect.scatter.add.f32 [tilespmem:s17], [sflag:$0x4], $0x80, s1, s15, $0xb8;
	[tilespmem:$0x1D000] =	vst v63  }
0x1ce: {  	_ =	swait.ge [sflag:s19], $0x4000  }
0x1cf: {  	[sflag:s19] =	ssyncset.done $0x0  }
0x1d0: {  	[sflag:s19] =	ssyncadd.s32 $0xFFFFC000  }
0x1d1: {  	[tilespmem:s12], [sflag:$0x1] =	stream.indirect.gather [hbm4b:s4+s15], $0x80, s0, s15, $0xb8;
	[tilespmem:$0x1D000] =	vst v63  }
0x1d2: {  	_ =	swait.ge [sflag:s16], $0x4000  }
0x1d3: {  	[sflag:s16] =	ssyncset.done $0x0  }
0x1d4: {  	[sflag:s16] =	ssyncadd.s32 $0xFFFFC000  }
0x1d5: {  	[spmem:s2] =	stream.indirect.scatter.add.f32 [tilespmem:s12], [sflag:$0x3], $0x80, s6, s15, $0xb8;
	[tilespmem:$0x1D000] =	vst v63  }
0x1d6: {  	_ =	swait.ge [sflag:s20], $0x4000  }
0x1d7: {  	[sflag:s20] =	ssyncset.done $0x0  }
0x1d8: {  	[sflag:s20] =	ssyncadd.s32 $0xFFFFC000  }
0x1d9: {  	[tilespmem:s17], [sflag:$0x2] =	stream.indirect.gather [hbm4b:s4+s15], $0x80, s7, s15, $0xb8;
	[tilespmem:$0x1D000] =	vst v63  }
0x1da: {  	_ =	swait.ge [sflag:s18], $0x4000  }
0x1db: {  	[sflag:s18] =	ssyncset.done $0x0  }
0x1dc: {  	[sflag:s18] =	ssyncadd.s32 $0xFFFFC000  }
0x1dd: {  	[spmem:s2] =	stream.indirect.scatter.add.f32 [tilespmem:s17], [sflag:$0x4], $0x80, s8, s15, $0xb8;
	[tilespmem:$0x1D000] =	vst v63  }
0x1de: {  	_ =	swait.ge [sflag:s19], $0x4000  }
0x1df: {  	[sflag:s19] =	ssyncset.done $0x0  }
0x1e0: {  	[sflag:s19] =	ssyncadd.s32 $0xFFFFC000  }
0x1e1: {  	_ =	swait.ge [sflag:s20], $0x4000  }
0x1e2: {  	[sflag:s20] =	ssyncset.done $0x0  }
0x1e3: {  	[sflag:s20] =	ssyncadd.s32 $0xFFFFC000  }
0x1e4: {  	s10 =	stileid.u32;
	[bflag:$0x0] =	sbarrier.arrive $0xFFFF  }
0x1e5: {  	s5 =	sshll.u32 s10, $0x6;
	s9 =	rddreg [dreg:$0x13]  }
0x1e6: {  	s5 =	sor.u32 $0x1C05, s5;
	s11 =	rddreg [dreg:$0x14];
	s9 =	sshrl.u32 s9, $0x3  }
0x1e7: {  	[hbm:s11], [sflag:s5] =	dma.local [spmem:s9], $0x2800  }
0x1e8: {  	_ =	swait.ge [sflag:s13], $0x2800  }
0x1e9: {  	s10 =	rddreg [dreg:$0x1a]  }
0x1ea: {  	s11 =	rddreg [dreg:$0x15];
	s9 =	sadd.s32 $0x1, s10  }
0x1eb: {  	p0 =	sne.s32 s9, s11  }
.Ltmp2:
0x1ec: {  	_ = 	snop;
	(pc) =	sbr.rel @p0 .LBB2_1-.Ltmp2, $3  }
0x1ed: {  	_ =	sdelay $0x1  }
0x1ee: {  	[sflag:s13] =	ssyncset.done $0x0  }
0x1ef: {  	[sflag:s13] =	ssyncadd.s32 $0xFFFFD800  }
0x1f0: {  	_ =	sfence.sel $0x180000  }
0x1f1: {  	[bflag:$0x0] =	sbarrier.arrive $0xFFFF  }
0x1f2: {  	_ =	strace $0x9000004D  }
0x1f3: {  	s0 =	stileid.u32;
	[bflag:$0x2] =	sbarrier.arrive $0xFFFF  }
0x1f4: {  	p0 =	sne.s32 s0, $0x0;
	s0 =	rddreg [dreg:$0x2]  }
0x1f5: {  	s0 =	sadd.s32 @!p0 $0x100000, s0  }
0x1f6: {  	[sflag:s0] =	ssyncadd.tile.s32 @!p0 $0x1;
	_ =	shalt  }
.Lfunc_end2:
_tile_overlayer_lowered:
.L_overlay_start_2:
0x1f7: {  	(tag) =	ssettag $0x2  }
0x1f8: {  	s0 =	rddreg [dreg:$0x0];
	s2 =	stileid.u32  }
0x1f9: {  	s1 =	rddreg [dreg:$0x1];
	p0 =	sne.s32 s2, $0x0  }
0x1fa: {  	s3 =	rddreg [dreg:$0x2];
	[bflag:$0x3] =	sbarrier.arrive $0xFFFF;
	s2 =	simm.s32 @!p0 $0x1C05  }
0x1fb: {  	[timem:s3], [sflag:s2] =	dma.local @!p0 [hbm:s0], s1  }
0x1fc: {  	s0 =	simm.s32 @!p0 $0x5  }
0x1fd: {  	_ =	swait.ge @!p0 [sflag:s0], s1  }
0x1fe: {  	s1 =	ssub.s32 @!p0 $0x0, s1;
	[sflag:s0] =	ssyncset.done @!p0 $0x0  }
0x1ff: {  	[sflag:s0] =	ssyncadd.s32 @!p0 s1  }
0x200: {  	[bflag:$0x3] =	sbarrier.arrive $0xFFFF  }
0x201: {  	_ =	shalt  }

// kernel: kernel.19.cloned.1.call-start
scs
__scs_entry_jumppad:
0x0: {  	(pc) =	sbr.rel $0x88, $3  }
0x1: {  	(tag) =	ssettag $0x0;
	lr =	simm.s32 $0x1  }
0x2: {  	[smem:$0x3F93] =	sst lr;
	_ =	strace $0xD0000000  }
0x3: {  	_ = 	snop  }
0x4: {  	_ = 	snop  }
0x5: {  	_ = 	snop  }
0x6: {  	_ = 	snop  }
0x7: {  	_ = 	snop  }
__scs_overlays_trampoline_lowered:
0x8: {  	[smem:$0x3FA2] =	sst s0  }
0x9: {  	[smem:$0x3FA3] =	sst s1  }
0xa: {  	[smem:$0x3FA4] =	sst s2  }
0xb: {  	[smem:$0x3FA5] =	sst s3  }
0xc: {  	[smem:$0x3FA6] =	sst s4  }
0xd: {  	[smem:$0x3FA7] =	sst s5  }
0xe: {  	[smem:$0x3FA8] =	sst s6  }
0xf: {  	[smem:$0x3FA9] =	sst s7  }
0x10: {  	[smem:$0x3FAA] =	sst s8  }
0x11: {  	[smem:$0x3FAB] =	sst s9;
	s0 =	simm.s32 @!p0 $0x0  }
0x12: {  	s1 =	sld [smem:$0x3F91];
	s0 =	simm.s32 @p0 $0x1  }
0x13: {  	[smem:$0x3FAC] =	sst s0;
	s0 =	simm.s32 @!p1 $0x0  }
0x14: {  	s2 =	sld [smem:$0x3F90];
	s0 =	simm.s32 @p1 $0x1  }
0x15: {  	[smem:$0x3FAD] =	sst s0;
	s0 =	simm.s32 @!p2 $0x0  }
0x16: {  	s3 =	sld [smem:$0x3FDB];
	s0 =	simm.s32 @p2 $0x1  }
0x17: {  	s4 =	simm.s32 $0x1BF5;
	[smem:$0x3FAF] =	sst s0  }
0x18: {  	s0 =	sld [smem:$0x3F92];
	_ =	swait.ge [sflag:s4], $0x0  }
0x19: {  	s7 =	sld [smem:$0x3F93]  }
0x1a: {  	s8 =	sadd.s32 $0xFFFFE003, lr  }
0x1b: {  	s9 =	sadd.s32 $0xFFFFFEF7, lr;
	s5 =	simm.s32 $0xFFFFFFFF;
	p2 =	slt.u32 s8, $0xFFFFF086  }
0x1c: {  	p1 =	slt.u32 s9, $0xF7A;
	s5 =	simm.s32 @!p2 $0x0  }
0x1d: {  	s5 =	simm.s32 @p1 $0x1;
	p0 =	seq.s32 s7, s2  }
0x1e: {  	s7 =	smul.u32 @!p0 $0xF7A, s2;
	p2 =	seq.s32 @!p0 s5, $0x0  }
0x1f: {  	s9 =	smul.u32 $0xF7A, s1;
	s8 =	simm.s32 @!p0 $0x1BF5;
	p2 =	por !p2, p0  }
0x20: {  	[sflag:s8] =	ssyncset.s32 @!p0 $0xFFFFF086;
	s6 =	sadd.s32 @!p0 s3, s7;
	s7 =	simm.s32 @!p0 $0x108  }
0x21: {  	s3 =	sadd.s32 s3, s9;
	s6 =	sadd.s32 @!p0 $0x88, s6;
	s7 =	simm.s32 @p2 $0x1082  }
0x22: {  	[simem:s7], [sflag:s8] =	dma.local @!p0 [hbm:s6], $0xF7A  }
0x23: {  	s9 =	sor.u32 $0xD0000000, s2;
	s6 =	simm.s32 $0x108;
	_ =	swait.ge @!p0 [sflag:s8], $0x0  }
0x24: {  	s3 =	sadd.s32 $0x88, s3;
	s6 =	simm.s32 @!p1 $0x1082;
	[sflag:s4] =	ssyncset.s32 $0xFFFFF086  }
0x25: {  	[simem:s6], [sflag:s4] =	dma.local [hbm:s3], $0xF7A  }
0x26: {  	[smem:$0x3F93] =	sst s1;
	(tag) =	ssettag s2;
	_ =	strace s9  }
0x27: {  	s1 =	sld [smem:$0x3FA3]  }
0x28: {  	s2 =	sld [smem:$0x3FA4]  }
0x29: {  	s4 =	sld [smem:$0x3FA6]  }
0x2a: {  	p0 =	seq.s32 s5, $0x0;
	s5 =	sld [smem:$0x3FA7]  }
0x2b: {  	s6 =	sld [smem:$0x3FA8]  }
0x2c: {  	s7 =	sld [smem:$0x3FA9]  }
0x2d: {  	s3 =	simm.s32 $0x108;
	s8 =	sld [smem:$0x3FAA]  }
0x2e: {  	s3 =	simm.s32 @!p0 $0x1082;
	s9 =	sld [smem:$0x3FAB]  }
0x2f: {  	lr =	sadd.s32 s0, s3;
	s0 =	sld [smem:$0x3FA2]  }
0x30: {  	s3 =	sld [smem:$0x3FA5]  }
0x31: {  	[smem:$0x3FAE] =	sst s10  }
0x32: {  	s10 =	sld [smem:$0x3FAC];
	_ =	sdelay $0x3  }
0x33: {  	p0 =	seq.s32 s10, $0x1;
	s10 =	sld [smem:$0x3FAE];
	_ =	sdelay $0x3  }
0x34: {  	[smem:$0x3FAE] =	sst s10  }
0x35: {  	s10 =	sld [smem:$0x3FAD];
	_ =	sdelay $0x3  }
0x36: {  	p1 =	seq.s32 s10, $0x1;
	s10 =	sld [smem:$0x3FAE];
	_ =	sdelay $0x3  }
0x37: {  	[smem:$0x3FAE] =	sst s10  }
0x38: {  	s10 =	sld [smem:$0x3FAF]  }
0x39: {  	_ = 	snop;
	(pc) =	sbr.ind lr, $3  }
0x3a: {  	_ = 	snop  }
0x3b: {  	_ = 	snop  }
0x3c: {  	p2 =	seq.s32 s10, $0x1;
	s10 =	sld [smem:$0x3FAE]  }
0x3d: {  	_ =	shalt  }
0x3e: {  	_ =	shalt  }
0x3f: {  	_ =	shalt  }
0x40: {  	_ =	shalt  }
0x41: {  	_ =	shalt  }
0x42: {  	_ =	shalt  }
0x43: {  	_ =	shalt  }
0x44: {  	_ =	shalt  }
0x45: {  	_ =	shalt  }
0x46: {  	_ =	shalt  }
0x47: {  	_ =	shalt  }
0x48: {  	_ =	shalt  }
0x49: {  	_ =	shalt  }
0x4a: {  	_ =	shalt  }
0x4b: {  	_ =	shalt  }
0x4c: {  	_ =	shalt  }
0x4d: {  	_ =	shalt  }
0x4e: {  	_ =	shalt  }
0x4f: {  	_ =	shalt  }
0x50: {  	_ =	shalt  }
0x51: {  	_ =	shalt  }
0x52: {  	_ =	shalt  }
0x53: {  	_ =	shalt  }
0x54: {  	_ =	shalt  }
0x55: {  	_ =	shalt  }
0x56: {  	_ =	shalt  }
0x57: {  	_ =	shalt  }
0x58: {  	_ =	shalt  }
0x59: {  	_ =	shalt  }
0x5a: {  	_ =	shalt  }
0x5b: {  	_ =	shalt  }
0x5c: {  	_ =	shalt  }
0x5d: {  	_ =	shalt  }
0x5e: {  	_ =	shalt  }
0x5f: {  	_ =	shalt  }
0x60: {  	_ =	shalt  }
0x61: {  	_ =	shalt  }
0x62: {  	_ =	shalt  }
0x63: {  	_ =	shalt  }
0x64: {  	_ =	shalt  }
0x65: {  	_ =	shalt  }
0x66: {  	_ =	shalt  }
0x67: {  	_ =	shalt  }
0x68: {  	_ =	shalt  }
0x69: {  	_ =	shalt  }
0x6a: {  	_ =	shalt  }
0x6b: {  	_ =	shalt  }
0x6c: {  	_ =	shalt  }
0x6d: {  	_ =	shalt  }
0x6e: {  	_ =	shalt  }
0x6f: {  	_ =	shalt  }
0x70: {  	_ =	shalt  }
0x71: {  	_ =	shalt  }
0x72: {  	_ =	shalt  }
0x73: {  	_ =	shalt  }
0x74: {  	_ =	shalt  }
0x75: {  	_ =	shalt  }
0x76: {  	_ =	shalt  }
0x77: {  	_ =	shalt  }
0x78: {  	_ =	shalt  }
0x79: {  	_ =	shalt  }
0x7a: {  	_ =	shalt  }
0x7b: {  	_ =	shalt  }
0x7c: {  	_ =	shalt  }
0x7d: {  	_ =	shalt  }
0x7e: {  	_ =	shalt  }
0x7f: {  	_ =	shalt  }
0x80: {  	_ =	shalt  }
0x81: {  	_ =	shalt  }
0x82: {  	_ =	shalt  }
0x83: {  	_ =	shalt  }
0x84: {  	_ =	shalt  }
0x85: {  	_ =	shalt  }
0x86: {  	_ =	shalt  }
0x87: {  	_ =	shalt  }
.Lfunc_end0:
.L_simem_size_0:
called_computation.3_lowered:
.L_overlay_start_0:
0x88: {  	s2 =	sld [smem:$0x3FD9]  }
0x89: {  	s3 =	sld [smem:$0x3FFE];
	_ =	sdelay $0x1  }
0x8a: {  	s1 =	srdreg.scid  }
0x8b: {  	s0 =	sand.u32 $0x1, s1  }
0x8c: {  	s16 =	sshll.u32 s0, $0xA;
	s2 =	sadd.s32 s3, s2  }
0x8d: {  	s2 =	sadd.s32 s2, s16  }
0x8e: {  	[smem:$0x3FBA] =	sst s2  }
0x8f: {  	_ = 	snop  }
0x90: {  	(tm) =	ssettm $0x1  }
0x91: {  	s17 =	sld [smem:$0x3FFB];
	_ =	sdelay $0x3  }
0x92: {  	_ =	strace s17  }
0x93: {  	s2 =	sld [smem:$0x3FFC];
	_ =	sdelay $0x3  }
0x94: {  	_ =	strace s2  }
0x95: {  	s2 =	sld [smem:$0x3FFD];
	_ =	sdelay $0x3  }
0x96: {  	_ =	strace s2  }
0x97: {  	_ =	strace $0x8FFFFFFF  }
0x98: {  	s18 =	sld [smem:$0x3FDB];
	_ =	sdelay $0x1  }
0x99: {  	s19 =	simm.s32 $_scs_section_size  }
0x9a: {  	s4 =	simm.s32 $_size__tile_overlayer_lowered;
	s5 =	simm.s32 $_tile_overlayer_lowered  }
0x9b: {  	s22 =	simm.s32 $0x1BFF;
	s21 =	sshll.u32 s5, $0x1;
	s2 =	sadd.s32 s19, s18  }
0x9c: {  	s6 =	simm.s32 $0x0;
	s20 =	sshll.u32 s4, $0x1;
	s4 =	sadd.s32 s21, s2  }
0x9d: {  	[timem:s6], [sflag:s22] =	dma.local [hbm:s4], s20  }
0x9e: {  	_ =	swait.ge [sflag:s22], s20  }
0x9f: {  	s3 =	ssub.s32 $0x0, s20;
	[sflag:s22] =	ssyncset.done $0x0  }
0xa0: {  	[sflag:s22] =	ssyncadd.s32 s3;
	_ =	sdelay $0x1  }
0xa1: {  	s23 =	simm.s32 $0x1B8B  }
0xa2: {  	_ =	swait.ge [sflag:s23], $0x1  }
0xa3: {  	[sflag:s23] =	ssyncset.done $0x0  }
0xa4: {  	s25 =	simm.s32 $0x1B8E;
	s24 =	sld [smem:$0x3FFE];
	[sflag:s23] =	ssyncadd.s32 $0xFFFFFFFF  }
0xa5: {  	s26 =	simm.s32 $execute0_lowered;
	[smem:$0x3FD2] =	sst s25  }
0xa6: {  	s4 =	sshll.u32 s26, $0x1;
	_ =	strace $0x8000004F;
	[dreg:$0x1] =	wrdreg $0xFFFFFFFF  }
0xa7: {  	s28 =	simm.s32 $_size_execute0_lowered;
	s2 =	sadd.s32 s2, s4;
	[dreg:$0x0] =	wrdreg $0x0  }
0xa8: {  	s4 =	sshll.u32 s28, $0x1;
	[dreg:$0x2] =	wrdreg s2  }
0xa9: {  	[dreg:$0x3] =	wrdreg s4  }
0xaa: {  	[dreg:$0x4] =	wrdreg $0xC0  }
0xab: {  	_ =	task [dreg:s6], $0x5FFFF  }
0xac: {  	[dreg:$0x1] =	wrdreg $0xFFFFFFFF  }
0xad: {  	[dreg:$0x0] =	wrdreg $0x60  }
0xae: {  	[dreg:$0x2] =	wrdreg s24  }
0xaf: {  	[dreg:$0x3] =	wrdreg $0x90000  }
0xb0: {  	[dreg:$0x4] =	wrdreg $0x9  }
0xb1: {  	_ =	task.clear_ibuf [dreg:s6], $0x5FFFF;
	_ =	strace $0x9000004F  }
0xb2: {  	s29 =	simm.s32 $0x9;
	_ =	strace $0x80000051  }
0xb3: {  	_ =	swait.ge [sflag:s29], $0x1  }
0xb4: {  	[sflag:s29] =	ssyncadd.s32 $0xFFFFFFFF  }
0xb5: {  	_ =	strace $0x90000051  }
0xb6: {  	_ =	sfence  }
0xb7: {  	s30 =	sld [smem:$0x0];
	_ =	sdelay $0x2  }
0xb8: {  	s31 =	sshll.u32 s1, $0xD;
	s1 =	sshrl.u32 s1, $0x2  }
0xb9: {  	s3 =	sand.u32 $0x4000, s31;
	s1 =	sadd.s32 s1, s30  }
0xba: {  	s0 =	sor.u32 s3, s0;
	s1 =	sshll.u32 s1, $0x11  }
0xbb: {  	s0 =	sor.u32 s1, s0  }
0xbc: {  	s0 =	sadd.s32 $0x8F2B, s0  }
0xbd: {  	[sflag:s0] =	ssyncadd.remote.s32 $0x1  }
0xbe: {  	_ =	sfence.sel $0xFFFF  }
0xbf: {  	[dreg:$0x0] =	wrdreg $0xFFFFFFFF;
	(pc) =	sbr.abs _section_cstart, $3  }
0xc0: {  	[dreg:$0x1] =	wrdreg $0xFFFFFFFF  }
0xc1: {  	_ =	task.clear_ibuf [dreg:s6], $0x2FFFF;
	_ =	strace $0x9FFFFFFF  }
0xc2: {  	(tm) =	ssettm $0x7FFFFFFF  }
0xc3: {  	_ =	shalt  }
tec
execute0_lowered:
.L_overlay_start_1:
0x0: {  	(tag) =	ssettag $0x1  }
0x1: {  	s0 =	srdreg.scid;
	s1 =	rddreg [dreg:$0x0]  }
0x2: {  	s8 =	stileid.u32;
	s2 =	rddreg [dreg:$0x1];
	s3 =	simm.s32 $0x0  }
0x3: {  	s9 =	simm.s32 $0x880;
	s10 =	simm.s32 $0x100;
	s12 =	simm.s32 $0x900  }
0x4: {  	s14 =	simm.s32 $0x180;
	s16 =	simm.s32 $0x980;
	[smem:$0x7FF] =	sst s3  }
0x5: {  	s18 =	simm.s32 $0x200;
	_ =	strace $0x80000050;
	[dreg:$0x5] =	wrdreg s9  }
0x6: {  	s19 =	simm.s32 $0xA00;
	s20 =	simm.s32 $0x280;
	[dreg:$0x6] =	wrdreg s10  }
0x7: {  	s21 =	simm.s32 $0xA80;
	s22 =	simm.s32 $0x300;
	[dreg:$0x7] =	wrdreg s12  }
0x8: {  	s23 =	simm.s32 $0xB00;
	s24 =	simm.s32 $0x380;
	[dreg:$0x8] =	wrdreg s14  }
0x9: {  	s28 =	simm.s32 $0xD80;
	s5 =	smul.u32 $0x2800, s8;
	[dreg:$0x9] =	wrdreg s16  }
0xa: {  	s29 =	simm.s32 $0x600;
	s7 =	smul.u32 $0x14000, s8;
	[dreg:$0xa] =	wrdreg s18  }
0xb: {  	s0 =	sand.u32 $0x1, s0;
	s25 =	smul.u32 $0x50000, s8;
	[dreg:$0xb] =	wrdreg s19  }
0xc: {  	s30 =	simm.s32 $0xE00;
	s4 =	smul.u32 $0x28000, s0;
	[dreg:$0xc] =	wrdreg s20  }
0xd: {  	s31 =	simm.s32 $0x680;
	s6 =	smul.u32 $0x140000, s0;
	[dreg:$0xd] =	wrdreg s21  }
0xe: {  	s0 =	ssub.s32 $0x2, s0;
	s12 =	simm.s32 $0x1000;
	[dreg:$0xe] =	wrdreg s22  }
0xf: {  	s14 =	simm.s32 $0x800;
	s16 =	simm.s32 $0x1;
	[dreg:$0xf] =	wrdreg s23  }
0x10: {  	s18 =	simm.s32 $0x2;
	[dreg:$0x10] =	wrdreg s24;
	s19 =	simm.s32 $0x3  }
0x11: {  	s20 =	simm.s32 $0x4;
	s21 =	simm.s32 $0xC00;
	s22 =	simm.s32 $0x480  }
0x12: {  	s23 =	simm.s32 $0xC80;
	s26 =	sshrl.u32 s0, $0x1;
	s5 =	sadd.s32 s5, s4  }
0x13: {  	s4 =	sadd.s32 $0x2BA00, s1;
	s6 =	sadd.s32 s7, s6;
	s0 =	ssub.s32 s0, s26  }
0x14: {  	s7 =	sshrl.u32 s25, $0x2;
	s25 =	simm.s32 $0xB80;
	s26 =	simm.s32 $0x400  }
0x15: {  	s5 =	sshrl.u32 s5, $0x3;
	s6 =	sshrl.u32 s6, $0x3;
	[dreg:$0x11] =	wrdreg s25  }
0x16: {  	s0 =	smax.u32 s0, $0x1;
	[dreg:$0x12] =	wrdreg s26;
	s5 =	sadd.s32 s5, s1  }
0x17: {  	s1 =	sadd.s32 s6, s1;
	s6 =	sadd.s32 s7, s2;
	[dreg:$0x15] =	wrdreg s0  }
0x18: {  	s24 =	simm.s32 $0x500;
	s8 =	sadd.s32 $0x21A00, s5;
	[dreg:$0x13] =	wrdreg s6  }
0x19: {  	s9 =	simm.s32 $0x0;
	s1 =	sadd.s32 $0x52C00, s1;
	[dreg:$0x3] =	wrdreg s8  }
0x1a: {  	s25 =	simm.s32 $0xD00;
	s5 =	sadd.s32 $0xDA00, s5;
	[dreg:$0x14] =	wrdreg s1  }
0x1b: {  	s26 =	simm.s32 $0x580;
	s11 =	sadd.s32 $0x4000, s6;
	[dreg:$0x4] =	wrdreg s5  }
0x1c: {  	s0 =	simm.s32 $0x700;
	s13 =	sadd.s32 $0x8000, s6;
	[dreg:$0x16] =	wrdreg s11  }
0x1d: {  	s7 =	simm.s32 $0x780;
	s15 =	sadd.s32 $0xC000, s6;
	[dreg:$0x17] =	wrdreg s13  }
0x1e: {  	s17 =	sadd.s32 $0x10000, s6;
	s6 =	simm.s32 $0xF00;
	[dreg:$0x18] =	wrdreg s15  }
0x1f: {  	[dreg:$0x19] =	wrdreg s17;
	s13 =	simm.s32 $0x5;
	s15 =	simm.s32 $0x80  }
0x20: {  	v0 =	vimm.f32 $0.0e+00;
	s17 =	simm.s32 $0x5000;
	s1 =	simm.s32 $0xE80;
	s8 =	simm.s32 $0xF80  }
.LBB2_1:
0x21: {  	s10 =	simm.s32 $0x0;
	s11 =	simm.s32 $0x200  }
.LBB2_2:
0x22: {  	p0 =	sne.s32 s11, $0xFE00;
	[tilespmem:s10+$0x1070] =	vst v0  }
0x23: {  	[tilespmem:s10+$0x1000] =	vst v0  }
0x24: {  	[tilespmem:s10+$0x1010] =	vst v0  }
.Ltmp0:
0x25: {  	[tilespmem:s10+$0x1020] =	vst v0;
	(pc) =	sbr.rel @p0 .LBB2_2-.Ltmp0, $4  }
0x26: {  	[tilespmem:s10+$0x1030] =	vst v0  }
0x27: {  	[tilespmem:s10+$0x1040] =	vst v0  }
0x28: {  	[tilespmem:s10+$0x1050] =	vst v0  }
0x29: {  	[tilespmem:s10+$0x1060] =	vst v0;
	s10 =	sshra.s32 s11, $0x2;
	s11 =	sadd.s32 $0x200, s11  }
0x2a: {  	[tilespmem:s10+$0x1070] =	vst v0  }
0x2b: {  	[tilespmem:s10+$0x1000] =	vst v0  }
0x2c: {  	[tilespmem:s10+$0x1010] =	vst v0  }
0x2d: {  	[tilespmem:s10+$0x1020] =	vst v0  }
0x2e: {  	[tilespmem:s10+$0x1030] =	vst v0  }
0x2f: {  	[tilespmem:s10+$0x1040] =	vst v0  }
0x30: {  	[dreg:$0x1a] =	wrdreg s9;
	[tilespmem:s10+$0x1050] =	vst v0  }
0x31: {  	[tilespmem:s10+$0x1060] =	vst v0;
	s5 =	rddreg [dreg:$0x13]  }
0x32: {  	[spmem:s5] =	stream.linear.scatter [tilespmem:s12], [sflag:$0x5], $0x4000, $0x38;
	[tilespmem:$0x1D000] =	vst v63  }
0x33: {  	_ =	swait.ge [sflag:s13], $0x4000  }
0x34: {  	[sflag:s13] =	ssyncset.done $0x0  }
0x35: {  	s10 =	rddreg [dreg:$0x16];
	[sflag:s13] =	ssyncadd.s32 $0xFFFFC000  }
0x36: {  	[spmem:s10] =	stream.linear.scatter [tilespmem:s12], [sflag:$0x5], $0x4000, $0x38;
	[tilespmem:$0x1D000] =	vst v63  }
0x37: {  	_ =	swait.ge [sflag:s13], $0x4000  }
0x38: {  	[sflag:s13] =	ssyncset.done $0x0  }
0x39: {  	s11 =	rddreg [dreg:$0x17];
	[sflag:s13] =	ssyncadd.s32 $0xFFFFC000  }
0x3a: {  	[spmem:s11] =	stream.linear.scatter [tilespmem:s12], [sflag:$0x5], $0x4000, $0x38;
	[tilespmem:$0x1D000] =	vst v63  }
0x3b: {  	_ =	swait.ge [sflag:s13], $0x4000  }
0x3c: {  	[sflag:s13] =	ssyncset.done $0x0  }
0x3d: {  	s9 =	rddreg [dreg:$0x18];
	[sflag:s13] =	ssyncadd.s32 $0xFFFFC000  }
0x3e: {  	[spmem:s9] =	stream.linear.scatter [tilespmem:s12], [sflag:$0x5], $0x4000, $0x38;
	[tilespmem:$0x1D000] =	vst v63  }
0x3f: {  	_ =	swait.ge [sflag:s13], $0x4000  }
0x40: {  	[sflag:s13] =	ssyncset.done $0x0  }
0x41: {  	s10 =	rddreg [dreg:$0x19];
	[sflag:s13] =	ssyncadd.s32 $0xFFFFC000  }
0x42: {  	[spmem:s10] =	stream.linear.scatter [tilespmem:s12], [sflag:$0x5], $0x4000, $0x38;
	[tilespmem:$0x1D000] =	vst v63  }
0x43: {  	_ =	swait.ge [sflag:s13], $0x4000  }
0x44: {  	[sflag:s13] =	ssyncset.done $0x0  }
0x45: {  	[sflag:s13] =	ssyncadd.s32 $0xFFFFC000  }
0x46: {  	[bflag:$0x0] =	sbarrier.arrive $0xFFFF  }
0x47: {  	s11 =	rddreg [dreg:$0x4]  }
0x48: {  	s5 =	sadd.s32 $0x0, s11  }
0x49: {  	[tilespmem:s3], [sflag:$0x5] =	stream.linear.gather [hbm4b:s5+s3], $0x800, $0x38;
	[tilespmem:$0x1D000] =	vst v63  }
0x4a: {  	_ =	swait.ge [sflag:s13], $0x800  }
0x4b: {  	s9 =	rddreg [dreg:$0x3];
	[sflag:s13] =	ssyncset.done $0x0  }
0x4c: {  	[sflag:s13] =	ssyncadd.s32 $0xFFFFF800;
	s5 =	sadd.s32 $0x0, s9  }
0x4d: {  	[tilespmem:s14], [sflag:$0x5] =	stream.linear.gather [hbm4b:s5+s3], $0x800, $0x38;
	[tilespmem:$0x1D000] =	vst v63  }
0x4e: {  	_ =	swait.ge [sflag:s13], $0x800  }
0x4f: {  	[sflag:s13] =	ssyncset.done $0x0  }
0x50: {  	[sflag:s13] =	ssyncadd.s32 $0xFFFFF800  }
0x51: {  	[tilespmem:s12], [sflag:$0x1] =	stream.indirect.gather [hbm4b:s4+s15], $0x80, s3, s15, $0xb8;
	[tilespmem:$0x1D000] =	vst v63  }
0x52: {  	_ =	swait.ge [sflag:s16], $0x4000  }
0x53: {  	[sflag:s16] =	ssyncset.done $0x0  }
0x54: {  	[sflag:s16] =	ssyncadd.s32 $0xFFFFC000  }
0x55: {  	[spmem:s2] =	stream.indirect.scatter.add.f32 [tilespmem:s12], [sflag:$0x3], $0x80, s14, s15, $0xb8;
	[tilespmem:$0x1D000] =	vst v63  }
0x56: {  	_ = 	snop  }
0x57: {  	[tilespmem:s17], [sflag:$0x2] =	stream.indirect.gather [hbm4b:s4+s15], $0x80, s15, s15, $0xb8;
	[tilespmem:$0x1D000] =	vst v63  }
0x58: {  	_ =	swait.ge [sflag:s18], $0x4000  }
0x59: {  	[sflag:s18] =	ssyncset.done $0x0  }
0x5a: {  	s10 =	rddreg [dreg:$0x5];
	[sflag:s18] =	ssyncadd.s32 $0xFFFFC000  }
0x5b: {  	[spmem:s2] =	stream.indirect.scatter.add.f32 [tilespmem:s17], [sflag:$0x4], $0x80, s10, s15, $0xb8;
	[tilespmem:$0x1D000] =	vst v63  }
0x5c: {  	_ =	swait.ge [sflag:s19], $0x4000  }
0x5d: {  	[sflag:s19] =	ssyncset.done $0x0  }
0x5e: {  	s11 =	rddreg [dreg:$0x6];
	[sflag:s19] =	ssyncadd.s32 $0xFFFFC000  }
0x5f: {  	[tilespmem:s12], [sflag:$0x1] =	stream.indirect.gather [hbm4b:s4+s15], $0x80, s11, s15, $0xb8;
	[tilespmem:$0x1D000] =	vst v63  }
0x60: {  	_ =	swait.ge [sflag:s16], $0x4000  }
0x61: {  	[sflag:s16] =	ssyncset.done $0x0  }
0x62: {  	s9 =	rddreg [dreg:$0x7];
	[sflag:s16] =	ssyncadd.s32 $0xFFFFC000  }
0x63: {  	[spmem:s2] =	stream.indirect.scatter.add.f32 [tilespmem:s12], [sflag:$0x3], $0x80, s9, s15, $0xb8;
	[tilespmem:$0x1D000] =	vst v63  }
0x64: {  	_ =	swait.ge [sflag:s20], $0x4000  }
0x65: {  	[sflag:s20] =	ssyncset.done $0x0  }
0x66: {  	s10 =	rddreg [dreg:$0x8];
	[sflag:s20] =	ssyncadd.s32 $0xFFFFC000  }
0x67: {  	[tilespmem:s17], [sflag:$0x2] =	stream.indirect.gather [hbm4b:s4+s15], $0x80, s10, s15, $0xb8;
	[tilespmem:$0x1D000] =	vst v63  }
0x68: {  	_ =	swait.ge [sflag:s18], $0x4000  }
0x69: {  	[sflag:s18] =	ssyncset.done $0x0  }
0x6a: {  	s11 =	rddreg [dreg:$0x9];
	[sflag:s18] =	ssyncadd.s32 $0xFFFFC000  }
0x6b: {  	[spmem:s2] =	stream.indirect.scatter.add.f32 [tilespmem:s17], [sflag:$0x4], $0x80, s11, s15, $0xb8;
	[tilespmem:$0x1D000] =	vst v63  }
0x6c: {  	_ =	swait.ge [sflag:s19], $0x4000  }
0x6d: {  	[sflag:s19] =	ssyncset.done $0x0  }
0x6e: {  	s9 =	rddreg [dreg:$0xa];
	[sflag:s19] =	ssyncadd.s32 $0xFFFFC000  }
0x6f: {  	[tilespmem:s12], [sflag:$0x1] =	stream.indirect.gather [hbm4b:s4+s15], $0x80, s9, s15, $0xb8;
	[tilespmem:$0x1D000] =	vst v63  }
0x70: {  	_ =	swait.ge [sflag:s16], $0x4000  }
0x71: {  	[sflag:s16] =	ssyncset.done $0x0  }
0x72: {  	s10 =	rddreg [dreg:$0xb];
	[sflag:s16] =	ssyncadd.s32 $0xFFFFC000  }
0x73: {  	[spmem:s2] =	stream.indirect.scatter.add.f32 [tilespmem:s12], [sflag:$0x3], $0x80, s10, s15, $0xb8;
	[tilespmem:$0x1D000] =	vst v63  }
0x74: {  	_ =	swait.ge [sflag:s20], $0x4000  }
0x75: {  	[sflag:s20] =	ssyncset.done $0x0  }
0x76: {  	s11 =	rddreg [dreg:$0xc];
	[sflag:s20] =	ssyncadd.s32 $0xFFFFC000  }
0x77: {  	[tilespmem:s17], [sflag:$0x2] =	stream.indirect.gather [hbm4b:s4+s15], $0x80, s11, s15, $0xb8;
	[tilespmem:$0x1D000] =	vst v63  }
0x78: {  	_ =	swait.ge [sflag:s18], $0x4000  }
0x79: {  	[sflag:s18] =	ssyncset.done $0x0  }
0x7a: {  	s9 =	rddreg [dreg:$0xd];
	[sflag:s18] =	ssyncadd.s32 $0xFFFFC000  }
0x7b: {  	[spmem:s2] =	stream.indirect.scatter.add.f32 [tilespmem:s17], [sflag:$0x4], $0x80, s9, s15, $0xb8;
	[tilespmem:$0x1D000] =	vst v63  }
0x7c: {  	_ =	swait.ge [sflag:s19], $0x4000  }
0x7d: {  	[sflag:s19] =	ssyncset.done $0x0  }
0x7e: {  	s10 =	rddreg [dreg:$0xe];
	[sflag:s19] =	ssyncadd.s32 $0xFFFFC000  }
0x7f: {  	[tilespmem:s12], [sflag:$0x1] =	stream.indirect.gather [hbm4b:s4+s15], $0x80, s10, s15, $0xb8;
	[tilespmem:$0x1D000] =	vst v63  }
0x80: {  	_ =	swait.ge [sflag:s16], $0x4000  }
0x81: {  	[sflag:s16] =	ssyncset.done $0x0  }
0x82: {  	s11 =	rddreg [dreg:$0xf];
	[sflag:s16] =	ssyncadd.s32 $0xFFFFC000  }
0x83: {  	[spmem:s2] =	stream.indirect.scatter.add.f32 [tilespmem:s12], [sflag:$0x3], $0x80, s11, s15, $0xb8;
	[tilespmem:$0x1D000] =	vst v63  }
0x84: {  	_ =	swait.ge [sflag:s20], $0x4000  }
0x85: {  	[sflag:s20] =	ssyncset.done $0x0  }
0x86: {  	s9 =	rddreg [dreg:$0x10];
	[sflag:s20] =	ssyncadd.s32 $0xFFFFC000  }
0x87: {  	[tilespmem:s17], [sflag:$0x2] =	stream.indirect.gather [hbm4b:s4+s15], $0x80, s9, s15, $0xb8;
	[tilespmem:$0x1D000] =	vst v63  }
0x88: {  	_ =	swait.ge [sflag:s18], $0x4000  }
0x89: {  	[sflag:s18] =	ssyncset.done $0x0  }
0x8a: {  	s10 =	rddreg [dreg:$0x11];
	[sflag:s18] =	ssyncadd.s32 $0xFFFFC000  }
0x8b: {  	[spmem:s2] =	stream.indirect.scatter.add.f32 [tilespmem:s17], [sflag:$0x4], $0x80, s10, s15, $0xb8;
	[tilespmem:$0x1D000] =	vst v63  }
0x8c: {  	_ =	swait.ge [sflag:s19], $0x4000  }
0x8d: {  	[sflag:s19] =	ssyncset.done $0x0  }
0x8e: {  	s11 =	rddreg [dreg:$0x12];
	[sflag:s19] =	ssyncadd.s32 $0xFFFFC000  }
0x8f: {  	[tilespmem:s12], [sflag:$0x1] =	stream.indirect.gather [hbm4b:s4+s15], $0x80, s11, s15, $0xb8;
	[tilespmem:$0x1D000] =	vst v63  }
0x90: {  	_ =	swait.ge [sflag:s16], $0x4000  }
0x91: {  	[sflag:s16] =	ssyncset.done $0x0  }
0x92: {  	[sflag:s16] =	ssyncadd.s32 $0xFFFFC000  }
0x93: {  	[spmem:s2] =	stream.indirect.scatter.add.f32 [tilespmem:s12], [sflag:$0x3], $0x80, s21, s15, $0xb8;
	[tilespmem:$0x1D000] =	vst v63  }
0x94: {  	_ =	swait.ge [sflag:s20], $0x4000  }
0x95: {  	[sflag:s20] =	ssyncset.done $0x0  }
0x96: {  	[sflag:s20] =	ssyncadd.s32 $0xFFFFC000  }
0x97: {  	[tilespmem:s17], [sflag:$0x2] =	stream.indirect.gather [hbm4b:s4+s15], $0x80, s22, s15, $0xb8;
	[tilespmem:$0x1D000] =	vst v63  }
0x98: {  	_ =	swait.ge [sflag:s18], $0x4000  }
0x99: {  	[sflag:s18] =	ssyncset.done $0x0  }
0x9a: {  	[sflag:s18] =	ssyncadd.s32 $0xFFFFC000  }
0x9b: {  	[spmem:s2] =	stream.indirect.scatter.add.f32 [tilespmem:s17], [sflag:$0x4], $0x80, s23, s15, $0xb8;
	[tilespmem:$0x1D000] =	vst v63  }
0x9c: {  	_ =	swait.ge [sflag:s19], $0x4000  }
0x9d: {  	[sflag:s19] =	ssyncset.done $0x0  }
0x9e: {  	[sflag:s19] =	ssyncadd.s32 $0xFFFFC000  }
0x9f: {  	[tilespmem:s12], [sflag:$0x1] =	stream.indirect.gather [hbm4b:s4+s15], $0x80, s24, s15, $0xb8;
	[tilespmem:$0x1D000] =	vst v63  }
0xa0: {  	_ =	swait.ge [sflag:s16], $0x4000  }
0xa1: {  	[sflag:s16] =	ssyncset.done $0x0  }
0xa2: {  	[sflag:s16] =	ssyncadd.s32 $0xFFFFC000  }
0xa3: {  	[spmem:s2] =	stream.indirect.scatter.add.f32 [tilespmem:s12], [sflag:$0x3], $0x80, s25, s15, $0xb8;
	[tilespmem:$0x1D000] =	vst v63  }
0xa4: {  	_ =	swait.ge [sflag:s20], $0x4000  }
0xa5: {  	[sflag:s20] =	ssyncset.done $0x0  }
0xa6: {  	[sflag:s20] =	ssyncadd.s32 $0xFFFFC000  }
0xa7: {  	[tilespmem:s17], [sflag:$0x2] =	stream.indirect.gather [hbm4b:s4+s15], $0x80, s26, s15, $0xb8;
	[tilespmem:$0x1D000] =	vst v63  }
0xa8: {  	_ =	swait.ge [sflag:s18], $0x4000  }
0xa9: {  	[sflag:s18] =	ssyncset.done $0x0  }
0xaa: {  	[sflag:s18] =	ssyncadd.s32 $0xFFFFC000  }
0xab: {  	[spmem:s2] =	stream.indirect.scatter.add.f32 [tilespmem:s17], [sflag:$0x4], $0x80, s28, s15, $0xb8;
	[tilespmem:$0x1D000] =	vst v63  }
0xac: {  	_ =	swait.ge [sflag:s19], $0x4000  }
0xad: {  	[sflag:s19] =	ssyncset.done $0x0  }
0xae: {  	[sflag:s19] =	ssyncadd.s32 $0xFFFFC000  }
0xaf: {  	[tilespmem:s12], [sflag:$0x1] =	stream.indirect.gather [hbm4b:s4+s15], $0x80, s29, s15, $0xb8;
	[tilespmem:$0x1D000] =	vst v63  }
0xb0: {  	_ =	swait.ge [sflag:s16], $0x4000  }
0xb1: {  	[sflag:s16] =	ssyncset.done $0x0  }
0xb2: {  	[sflag:s16] =	ssyncadd.s32 $0xFFFFC000  }
0xb3: {  	[spmem:s2] =	stream.indirect.scatter.add.f32 [tilespmem:s12], [sflag:$0x3], $0x80, s30, s15, $0xb8;
	[tilespmem:$0x1D000] =	vst v63  }
0xb4: {  	_ =	swait.ge [sflag:s20], $0x4000  }
0xb5: {  	[sflag:s20] =	ssyncset.done $0x0  }
0xb6: {  	[sflag:s20] =	ssyncadd.s32 $0xFFFFC000  }
0xb7: {  	[tilespmem:s17], [sflag:$0x2] =	stream.indirect.gather [hbm4b:s4+s15], $0x80, s31, s15, $0xb8;
	[tilespmem:$0x1D000] =	vst v63  }
0xb8: {  	_ =	swait.ge [sflag:s18], $0x4000  }
0xb9: {  	[sflag:s18] =	ssyncset.done $0x0  }
0xba: {  	[sflag:s18] =	ssyncadd.s32 $0xFFFFC000  }
0xbb: {  	[spmem:s2] =	stream.indirect.scatter.add.f32 [tilespmem:s17], [sflag:$0x4], $0x80, s1, s15, $0xb8;
	[tilespmem:$0x1D000] =	vst v63  }
0xbc: {  	_ =	swait.ge [sflag:s19], $0x4000  }
0xbd: {  	[sflag:s19] =	ssyncset.done $0x0  }
0xbe: {  	[sflag:s19] =	ssyncadd.s32 $0xFFFFC000  }
0xbf: {  	[tilespmem:s12], [sflag:$0x1] =	stream.indirect.gather [hbm4b:s4+s15], $0x80, s0, s15, $0xb8;
	[tilespmem:$0x1D000] =	vst v63  }
0xc0: {  	_ =	swait.ge [sflag:s16], $0x4000  }
0xc1: {  	[sflag:s16] =	ssyncset.done $0x0  }
0xc2: {  	[sflag:s16] =	ssyncadd.s32 $0xFFFFC000  }
0xc3: {  	[spmem:s2] =	stream.indirect.scatter.add.f32 [tilespmem:s12], [sflag:$0x3], $0x80, s6, s15, $0xb8;
	[tilespmem:$0x1D000] =	vst v63  }
0xc4: {  	_ =	swait.ge [sflag:s20], $0x4000  }
0xc5: {  	[sflag:s20] =	ssyncset.done $0x0  }
0xc6: {  	[sflag:s20] =	ssyncadd.s32 $0xFFFFC000  }
0xc7: {  	[tilespmem:s17], [sflag:$0x2] =	stream.indirect.gather [hbm4b:s4+s15], $0x80, s7, s15, $0xb8;
	[tilespmem:$0x1D000] =	vst v63  }
0xc8: {  	_ =	swait.ge [sflag:s18], $0x4000  }
0xc9: {  	[sflag:s18] =	ssyncset.done $0x0  }
0xca: {  	[sflag:s18] =	ssyncadd.s32 $0xFFFFC000  }
0xcb: {  	[spmem:s2] =	stream.indirect.scatter.add.f32 [tilespmem:s17], [sflag:$0x4], $0x80, s8, s15, $0xb8;
	[tilespmem:$0x1D000] =	vst v63  }
0xcc: {  	_ =	swait.ge [sflag:s19], $0x4000  }
0xcd: {  	[sflag:s19] =	ssyncset.done $0x0  }
0xce: {  	[sflag:s19] =	ssyncadd.s32 $0xFFFFC000  }
0xcf: {  	s10 =	simm.s32 $0x100;
	_ =	swait.ge [sflag:s20], $0x4000  }
0xd0: {  	s11 =	simm.s32 $0x200;
	s5 =	rddreg [dreg:$0x4];
	[sflag:s20] =	ssyncset.done $0x0  }
.LBB2_4:
0xd1: {  	[sflag:s20] =	ssyncadd.s32 $0xFFFFC000;
	s5 =	sadd.s32 s10, s5  }
0xd2: {  	[tilespmem:s3], [sflag:$0x5] =	stream.linear.gather [hbm4b:s5+s3], $0x800, $0x38;
	[tilespmem:$0x1D000] =	vst v63  }
0xd3: {  	_ =	swait.ge [sflag:s13], $0x800  }
0xd4: {  	s5 =	rddreg [dreg:$0x3];
	[sflag:s13] =	ssyncset.done $0x0  }
0xd5: {  	[sflag:s13] =	ssyncadd.s32 $0xFFFFF800;
	s5 =	sadd.s32 s10, s5  }
0xd6: {  	[tilespmem:s14], [sflag:$0x5] =	stream.linear.gather [hbm4b:s5+s3], $0x800, $0x38;
	[tilespmem:$0x1D000] =	vst v63  }
0xd7: {  	_ =	swait.ge [sflag:s13], $0x800  }
0xd8: {  	[sflag:s13] =	ssyncset.done $0x0  }
0xd9: {  	[sflag:s13] =	ssyncadd.s32 $0xFFFFF800  }
0xda: {  	[tilespmem:s12], [sflag:$0x1] =	stream.indirect.gather [hbm4b:s4+s15], $0x80, s3, s15, $0xb8;
	[tilespmem:$0x1D000] =	vst v63  }
0xdb: {  	_ =	swait.ge [sflag:s16], $0x4000  }
0xdc: {  	[sflag:s16] =	ssyncset.done $0x0  }
0xdd: {  	[sflag:s16] =	ssyncadd.s32 $0xFFFFC000  }
0xde: {  	[spmem:s2] =	stream.indirect.scatter.add.f32 [tilespmem:s12], [sflag:$0x3], $0x80, s14, s15, $0xb8;
	[tilespmem:$0x1D000] =	vst v63  }
0xdf: {  	_ = 	snop  }
0xe0: {  	[tilespmem:s17], [sflag:$0x2] =	stream.indirect.gather [hbm4b:s4+s15], $0x80, s15, s15, $0xb8;
	[tilespmem:$0x1D000] =	vst v63  }
0xe1: {  	_ =	swait.ge [sflag:s18], $0x4000  }
0xe2: {  	s9 =	smov.u32 s11;
	[sflag:s18] =	ssyncset.done $0x0  }
0xe3: {  	s10 =	smov.u32 s9;
	s9 =	rddreg [dreg:$0x5];
	[sflag:s18] =	ssyncadd.s32 $0xFFFFC000  }
0xe4: {  	[spmem:s2] =	stream.indirect.scatter.add.f32 [tilespmem:s17], [sflag:$0x4], $0x80, s9, s15, $0xb8;
	[tilespmem:$0x1D000] =	vst v63  }
0xe5: {  	_ =	swait.ge [sflag:s19], $0x4000  }
0xe6: {  	[sflag:s19] =	ssyncset.done $0x0  }
0xe7: {  	s9 =	rddreg [dreg:$0x6];
	[sflag:s19] =	ssyncadd.s32 $0xFFFFC000  }
0xe8: {  	[tilespmem:s12], [sflag:$0x1] =	stream.indirect.gather [hbm4b:s4+s15], $0x80, s9, s15, $0xb8;
	[tilespmem:$0x1D000] =	vst v63  }
0xe9: {  	_ =	swait.ge [sflag:s16], $0x4000  }
0xea: {  	[sflag:s16] =	ssyncset.done $0x0  }
0xeb: {  	s9 =	rddreg [dreg:$0x7];
	[sflag:s16] =	ssyncadd.s32 $0xFFFFC000  }
0xec: {  	[spmem:s2] =	stream.indirect.scatter.add.f32 [tilespmem:s12], [sflag:$0x3], $0x80, s9, s15, $0xb8;
	[tilespmem:$0x1D000] =	vst v63  }
0xed: {  	_ =	swait.ge [sflag:s20], $0x4000  }
0xee: {  	[sflag:s20] =	ssyncset.done $0x0  }
0xef: {  	s9 =	rddreg [dreg:$0x8];
	[sflag:s20] =	ssyncadd.s32 $0xFFFFC000  }
0xf0: {  	[tilespmem:s17], [sflag:$0x2] =	stream.indirect.gather [hbm4b:s4+s15], $0x80, s9, s15, $0xb8;
	[tilespmem:$0x1D000] =	vst v63  }
0xf1: {  	_ =	swait.ge [sflag:s18], $0x4000  }
0xf2: {  	[sflag:s18] =	ssyncset.done $0x0  }
0xf3: {  	s9 =	rddreg [dreg:$0x9];
	[sflag:s18] =	ssyncadd.s32 $0xFFFFC000  }
0xf4: {  	[spmem:s2] =	stream.indirect.scatter.add.f32 [tilespmem:s17], [sflag:$0x4], $0x80, s9, s15, $0xb8;
	[tilespmem:$0x1D000] =	vst v63  }
0xf5: {  	_ =	swait.ge [sflag:s19], $0x4000  }
0xf6: {  	[sflag:s19] =	ssyncset.done $0x0  }
0xf7: {  	s9 =	rddreg [dreg:$0xa];
	[sflag:s19] =	ssyncadd.s32 $0xFFFFC000  }
0xf8: {  	[tilespmem:s12], [sflag:$0x1] =	stream.indirect.gather [hbm4b:s4+s15], $0x80, s9, s15, $0xb8;
	[tilespmem:$0x1D000] =	vst v63  }
0xf9: {  	_ =	swait.ge [sflag:s16], $0x4000  }
0xfa: {  	[sflag:s16] =	ssyncset.done $0x0  }
0xfb: {  	s9 =	rddreg [dreg:$0xb];
	[sflag:s16] =	ssyncadd.s32 $0xFFFFC000  }
0xfc: {  	[spmem:s2] =	stream.indirect.scatter.add.f32 [tilespmem:s12], [sflag:$0x3], $0x80, s9, s15, $0xb8;
	[tilespmem:$0x1D000] =	vst v63  }
0xfd: {  	_ =	swait.ge [sflag:s20], $0x4000  }
0xfe: {  	[sflag:s20] =	ssyncset.done $0x0  }
0xff: {  	s9 =	rddreg [dreg:$0xc];
	[sflag:s20] =	ssyncadd.s32 $0xFFFFC000  }
0x100: {  	[tilespmem:s17], [sflag:$0x2] =	stream.indirect.gather [hbm4b:s4+s15], $0x80, s9, s15, $0xb8;
	[tilespmem:$0x1D000] =	vst v63  }
0x101: {  	_ =	swait.ge [sflag:s18], $0x4000  }
0x102: {  	[sflag:s18] =	ssyncset.done $0x0  }
0x103: {  	s9 =	rddreg [dreg:$0xd];
	[sflag:s18] =	ssyncadd.s32 $0xFFFFC000  }
0x104: {  	[spmem:s2] =	stream.indirect.scatter.add.f32 [tilespmem:s17], [sflag:$0x4], $0x80, s9, s15, $0xb8;
	[tilespmem:$0x1D000] =	vst v63  }
0x105: {  	_ =	swait.ge [sflag:s19], $0x4000  }
0x106: {  	[sflag:s19] =	ssyncset.done $0x0  }
0x107: {  	s9 =	rddreg [dreg:$0xe];
	[sflag:s19] =	ssyncadd.s32 $0xFFFFC000  }
0x108: {  	[tilespmem:s12], [sflag:$0x1] =	stream.indirect.gather [hbm4b:s4+s15], $0x80, s9, s15, $0xb8;
	[tilespmem:$0x1D000] =	vst v63  }
0x109: {  	_ =	swait.ge [sflag:s16], $0x4000  }
0x10a: {  	[sflag:s16] =	ssyncset.done $0x0  }
0x10b: {  	s9 =	rddreg [dreg:$0xf];
	[sflag:s16] =	ssyncadd.s32 $0xFFFFC000  }
0x10c: {  	[spmem:s2] =	stream.indirect.scatter.add.f32 [tilespmem:s12], [sflag:$0x3], $0x80, s9, s15, $0xb8;
	[tilespmem:$0x1D000] =	vst v63  }
0x10d: {  	_ =	swait.ge [sflag:s20], $0x4000  }
0x10e: {  	[sflag:s20] =	ssyncset.done $0x0  }
0x10f: {  	s9 =	rddreg [dreg:$0x10];
	[sflag:s20] =	ssyncadd.s32 $0xFFFFC000  }
0x110: {  	[tilespmem:s17], [sflag:$0x2] =	stream.indirect.gather [hbm4b:s4+s15], $0x80, s9, s15, $0xb8;
	[tilespmem:$0x1D000] =	vst v63  }
0x111: {  	_ =	swait.ge [sflag:s18], $0x4000  }
0x112: {  	[sflag:s18] =	ssyncset.done $0x0  }
0x113: {  	s9 =	rddreg [dreg:$0x11];
	[sflag:s18] =	ssyncadd.s32 $0xFFFFC000  }
0x114: {  	[spmem:s2] =	stream.indirect.scatter.add.f32 [tilespmem:s17], [sflag:$0x4], $0x80, s9, s15, $0xb8;
	[tilespmem:$0x1D000] =	vst v63  }
0x115: {  	_ =	swait.ge [sflag:s19], $0x4000  }
0x116: {  	[sflag:s19] =	ssyncset.done $0x0  }
0x117: {  	s9 =	rddreg [dreg:$0x12];
	[sflag:s19] =	ssyncadd.s32 $0xFFFFC000  }
0x118: {  	[tilespmem:s12], [sflag:$0x1] =	stream.indirect.gather [hbm4b:s4+s15], $0x80, s9, s15, $0xb8;
	[tilespmem:$0x1D000] =	vst v63  }
0x119: {  	_ =	swait.ge [sflag:s16], $0x4000  }
0x11a: {  	[sflag:s16] =	ssyncset.done $0x0  }
0x11b: {  	[sflag:s16] =	ssyncadd.s32 $0xFFFFC000  }
0x11c: {  	[spmem:s2] =	stream.indirect.scatter.add.f32 [tilespmem:s12], [sflag:$0x3], $0x80, s21, s15, $0xb8;
	[tilespmem:$0x1D000] =	vst v63  }
0x11d: {  	_ =	swait.ge [sflag:s20], $0x4000  }
0x11e: {  	[sflag:s20] =	ssyncset.done $0x0  }
0x11f: {  	[sflag:s20] =	ssyncadd.s32 $0xFFFFC000  }
0x120: {  	[tilespmem:s17], [sflag:$0x2] =	stream.indirect.gather [hbm4b:s4+s15], $0x80, s22, s15, $0xb8;
	[tilespmem:$0x1D000] =	vst v63  }
0x121: {  	_ =	swait.ge [sflag:s18], $0x4000  }
0x122: {  	[sflag:s18] =	ssyncset.done $0x0  }
0x123: {  	[sflag:s18] =	ssyncadd.s32 $0xFFFFC000  }
0x124: {  	[spmem:s2] =	stream.indirect.scatter.add.f32 [tilespmem:s17], [sflag:$0x4], $0x80, s23, s15, $0xb8;
	[tilespmem:$0x1D000] =	vst v63  }
0x125: {  	_ =	swait.ge [sflag:s19], $0x4000  }
0x126: {  	[sflag:s19] =	ssyncset.done $0x0  }
0x127: {  	[sflag:s19] =	ssyncadd.s32 $0xFFFFC000  }
0x128: {  	[tilespmem:s12], [sflag:$0x1] =	stream.indirect.gather [hbm4b:s4+s15], $0x80, s24, s15, $0xb8;
	[tilespmem:$0x1D000] =	vst v63  }
0x129: {  	_ =	swait.ge [sflag:s16], $0x4000  }
0x12a: {  	[sflag:s16] =	ssyncset.done $0x0  }
0x12b: {  	[sflag:s16] =	ssyncadd.s32 $0xFFFFC000  }
0x12c: {  	[spmem:s2] =	stream.indirect.scatter.add.f32 [tilespmem:s12], [sflag:$0x3], $0x80, s25, s15, $0xb8;
	[tilespmem:$0x1D000] =	vst v63  }
0x12d: {  	_ =	swait.ge [sflag:s20], $0x4000  }
0x12e: {  	[sflag:s20] =	ssyncset.done $0x0  }
0x12f: {  	[sflag:s20] =	ssyncadd.s32 $0xFFFFC000  }
0x130: {  	[tilespmem:s17], [sflag:$0x2] =	stream.indirect.gather [hbm4b:s4+s15], $0x80, s26, s15, $0xb8;
	[tilespmem:$0x1D000] =	vst v63  }
0x131: {  	_ =	swait.ge [sflag:s18], $0x4000  }
0x132: {  	[sflag:s18] =	ssyncset.done $0x0  }
0x133: {  	[sflag:s18] =	ssyncadd.s32 $0xFFFFC000  }
0x134: {  	[spmem:s2] =	stream.indirect.scatter.add.f32 [tilespmem:s17], [sflag:$0x4], $0x80, s28, s15, $0xb8;
	[tilespmem:$0x1D000] =	vst v63  }
0x135: {  	_ =	swait.ge [sflag:s19], $0x4000  }
0x136: {  	[sflag:s19] =	ssyncset.done $0x0  }
0x137: {  	[sflag:s19] =	ssyncadd.s32 $0xFFFFC000  }
0x138: {  	[tilespmem:s12], [sflag:$0x1] =	stream.indirect.gather [hbm4b:s4+s15], $0x80, s29, s15, $0xb8;
	[tilespmem:$0x1D000] =	vst v63  }
0x139: {  	_ =	swait.ge [sflag:s16], $0x4000  }
0x13a: {  	[sflag:s16] =	ssyncset.done $0x0  }
0x13b: {  	[sflag:s16] =	ssyncadd.s32 $0xFFFFC000  }
0x13c: {  	[spmem:s2] =	stream.indirect.scatter.add.f32 [tilespmem:s12], [sflag:$0x3], $0x80, s30, s15, $0xb8;
	[tilespmem:$0x1D000] =	vst v63  }
0x13d: {  	_ =	swait.ge [sflag:s20], $0x4000  }
0x13e: {  	[sflag:s20] =	ssyncset.done $0x0  }
0x13f: {  	[sflag:s20] =	ssyncadd.s32 $0xFFFFC000  }
0x140: {  	[tilespmem:s17], [sflag:$0x2] =	stream.indirect.gather [hbm4b:s4+s15], $0x80, s31, s15, $0xb8;
	[tilespmem:$0x1D000] =	vst v63  }
0x141: {  	_ =	swait.ge [sflag:s18], $0x4000  }
0x142: {  	[sflag:s18] =	ssyncset.done $0x0  }
0x143: {  	[sflag:s18] =	ssyncadd.s32 $0xFFFFC000  }
0x144: {  	[spmem:s2] =	stream.indirect.scatter.add.f32 [tilespmem:s17], [sflag:$0x4], $0x80, s1, s15, $0xb8;
	[tilespmem:$0x1D000] =	vst v63  }
0x145: {  	_ =	swait.ge [sflag:s19], $0x4000  }
0x146: {  	[sflag:s19] =	ssyncset.done $0x0  }
0x147: {  	[sflag:s19] =	ssyncadd.s32 $0xFFFFC000  }
0x148: {  	[tilespmem:s12], [sflag:$0x1] =	stream.indirect.gather [hbm4b:s4+s15], $0x80, s0, s15, $0xb8;
	[tilespmem:$0x1D000] =	vst v63  }
0x149: {  	_ =	swait.ge [sflag:s16], $0x4000  }
0x14a: {  	[sflag:s16] =	ssyncset.done $0x0  }
0x14b: {  	[sflag:s16] =	ssyncadd.s32 $0xFFFFC000  }
0x14c: {  	[spmem:s2] =	stream.indirect.scatter.add.f32 [tilespmem:s12], [sflag:$0x3], $0x80, s6, s15, $0xb8;
	[tilespmem:$0x1D000] =	vst v63  }
0x14d: {  	_ =	swait.ge [sflag:s20], $0x4000  }
0x14e: {  	[sflag:s20] =	ssyncset.done $0x0  }
0x14f: {  	[sflag:s20] =	ssyncadd.s32 $0xFFFFC000  }
0x150: {  	[tilespmem:s17], [sflag:$0x2] =	stream.indirect.gather [hbm4b:s4+s15], $0x80, s7, s15, $0xb8;
	[tilespmem:$0x1D000] =	vst v63  }
0x151: {  	_ =	swait.ge [sflag:s18], $0x4000  }
0x152: {  	[sflag:s18] =	ssyncset.done $0x0  }
0x153: {  	p0 =	sne.s32 s11, $0x400;
	[sflag:s18] =	ssyncadd.s32 $0xFFFFC000  }
0x154: {  	[spmem:s2] =	stream.indirect.scatter.add.f32 [tilespmem:s17], [sflag:$0x4], $0x80, s8, s15, $0xb8;
	[tilespmem:$0x1D000] =	vst v63  }
.Ltmp1:
0x155: {  	_ =	swait.ge [sflag:s19], $0x4000;
	(pc) =	sbr.rel @p0 .LBB2_4-.Ltmp1, $4  }
0x156: {  	[sflag:s19] =	ssyncset.done $0x0  }
0x157: {  	[sflag:s19] =	ssyncadd.s32 $0xFFFFC000  }
0x158: {  	_ =	swait.ge [sflag:s20], $0x4000  }
0x159: {  	s11 =	sadd.s32 $0x100, s11;
	s5 =	rddreg [dreg:$0x4];
	[sflag:s20] =	ssyncset.done $0x0  }
0x15a: {  	[sflag:s20] =	ssyncadd.s32 $0xFFFFC000;
	s5 =	sadd.s32 s10, s5  }
0x15b: {  	[tilespmem:s3], [sflag:$0x5] =	stream.linear.gather [hbm4b:s5+s3], $0x800, $0x38;
	[tilespmem:$0x1D000] =	vst v63  }
0x15c: {  	_ =	swait.ge [sflag:s13], $0x800  }
0x15d: {  	s9 =	rddreg [dreg:$0x3];
	[sflag:s13] =	ssyncset.done $0x0  }
0x15e: {  	[sflag:s13] =	ssyncadd.s32 $0xFFFFF800;
	s5 =	sadd.s32 s10, s9  }
0x15f: {  	[tilespmem:s14], [sflag:$0x5] =	stream.linear.gather [hbm4b:s5+s3], $0x800, $0x38;
	[tilespmem:$0x1D000] =	vst v63  }
0x160: {  	_ =	swait.ge [sflag:s13], $0x800  }
0x161: {  	[sflag:s13] =	ssyncset.done $0x0  }
0x162: {  	[sflag:s13] =	ssyncadd.s32 $0xFFFFF800  }
0x163: {  	[tilespmem:s12], [sflag:$0x1] =	stream.indirect.gather [hbm4b:s4+s15], $0x80, s3, s15, $0xb8;
	[tilespmem:$0x1D000] =	vst v63  }
0x164: {  	_ =	swait.ge [sflag:s16], $0x4000  }
0x165: {  	[sflag:s16] =	ssyncset.done $0x0  }
0x166: {  	[sflag:s16] =	ssyncadd.s32 $0xFFFFC000  }
0x167: {  	[spmem:s2] =	stream.indirect.scatter.add.f32 [tilespmem:s12], [sflag:$0x3], $0x80, s14, s15, $0xb8;
	[tilespmem:$0x1D000] =	vst v63  }
0x168: {  	_ = 	snop  }
0x169: {  	[tilespmem:s17], [sflag:$0x2] =	stream.indirect.gather [hbm4b:s4+s15], $0x80, s15, s15, $0xb8;
	[tilespmem:$0x1D000] =	vst v63  }
0x16a: {  	_ =	swait.ge [sflag:s18], $0x4000  }
0x16b: {  	[sflag:s18] =	ssyncset.done $0x0  }
0x16c: {  	s11 =	rddreg [dreg:$0x5];
	[sflag:s18] =	ssyncadd.s32 $0xFFFFC000  }
0x16d: {  	[spmem:s2] =	stream.indirect.scatter.add.f32 [tilespmem:s17], [sflag:$0x4], $0x80, s11, s15, $0xb8;
	[tilespmem:$0x1D000] =	vst v63  }
0x16e: {  	_ =	swait.ge [sflag:s19], $0x4000  }
0x16f: {  	[sflag:s19] =	ssyncset.done $0x0  }
0x170: {  	s9 =	rddreg [dreg:$0x6];
	[sflag:s19] =	ssyncadd.s32 $0xFFFFC000  }
0x171: {  	[tilespmem:s12], [sflag:$0x1] =	stream.indirect.gather [hbm4b:s4+s15], $0x80, s9, s15, $0xb8;
	[tilespmem:$0x1D000] =	vst v63  }
0x172: {  	_ =	swait.ge [sflag:s16], $0x4000  }
0x173: {  	[sflag:s16] =	ssyncset.done $0x0  }
0x174: {  	s10 =	rddreg [dreg:$0x7];
	[sflag:s16] =	ssyncadd.s32 $0xFFFFC000  }
0x175: {  	[spmem:s2] =	stream.indirect.scatter.add.f32 [tilespmem:s12], [sflag:$0x3], $0x80, s10, s15, $0xb8;
	[tilespmem:$0x1D000] =	vst v63  }
0x176: {  	_ =	swait.ge [sflag:s20], $0x4000  }
0x177: {  	[sflag:s20] =	ssyncset.done $0x0  }
0x178: {  	s11 =	rddreg [dreg:$0x8];
	[sflag:s20] =	ssyncadd.s32 $0xFFFFC000  }
0x179: {  	[tilespmem:s17], [sflag:$0x2] =	stream.indirect.gather [hbm4b:s4+s15], $0x80, s11, s15, $0xb8;
	[tilespmem:$0x1D000] =	vst v63  }
0x17a: {  	_ =	swait.ge [sflag:s18], $0x4000  }
0x17b: {  	[sflag:s18] =	ssyncset.done $0x0  }
0x17c: {  	s9 =	rddreg [dreg:$0x9];
	[sflag:s18] =	ssyncadd.s32 $0xFFFFC000  }
0x17d: {  	[spmem:s2] =	stream.indirect.scatter.add.f32 [tilespmem:s17], [sflag:$0x4], $0x80, s9, s15, $0xb8;
	[tilespmem:$0x1D000] =	vst v63  }
0x17e: {  	_ =	swait.ge [sflag:s19], $0x4000  }
0x17f: {  	[sflag:s19] =	ssyncset.done $0x0  }
0x180: {  	s10 =	rddreg [dreg:$0xa];
	[sflag:s19] =	ssyncadd.s32 $0xFFFFC000  }
0x181: {  	[tilespmem:s12], [sflag:$0x1] =	stream.indirect.gather [hbm4b:s4+s15], $0x80, s10, s15, $0xb8;
	[tilespmem:$0x1D000] =	vst v63  }
0x182: {  	_ =	swait.ge [sflag:s16], $0x4000  }
0x183: {  	[sflag:s16] =	ssyncset.done $0x0  }
0x184: {  	s11 =	rddreg [dreg:$0xb];
	[sflag:s16] =	ssyncadd.s32 $0xFFFFC000  }
0x185: {  	[spmem:s2] =	stream.indirect.scatter.add.f32 [tilespmem:s12], [sflag:$0x3], $0x80, s11, s15, $0xb8;
	[tilespmem:$0x1D000] =	vst v63  }
0x186: {  	_ =	swait.ge [sflag:s20], $0x4000  }
0x187: {  	[sflag:s20] =	ssyncset.done $0x0  }
0x188: {  	s9 =	rddreg [dreg:$0xc];
	[sflag:s20] =	ssyncadd.s32 $0xFFFFC000  }
0x189: {  	[tilespmem:s17], [sflag:$0x2] =	stream.indirect.gather [hbm4b:s4+s15], $0x80, s9, s15, $0xb8;
	[tilespmem:$0x1D000] =	vst v63  }
0x18a: {  	_ =	swait.ge [sflag:s18], $0x4000  }
0x18b: {  	[sflag:s18] =	ssyncset.done $0x0  }
0x18c: {  	s10 =	rddreg [dreg:$0xd];
	[sflag:s18] =	ssyncadd.s32 $0xFFFFC000  }
0x18d: {  	[spmem:s2] =	stream.indirect.scatter.add.f32 [tilespmem:s17], [sflag:$0x4], $0x80, s10, s15, $0xb8;
	[tilespmem:$0x1D000] =	vst v63  }
0x18e: {  	_ =	swait.ge [sflag:s19], $0x4000  }
0x18f: {  	[sflag:s19] =	ssyncset.done $0x0  }
0x190: {  	s11 =	rddreg [dreg:$0xe];
	[sflag:s19] =	ssyncadd.s32 $0xFFFFC000  }
0x191: {  	[tilespmem:s12], [sflag:$0x1] =	stream.indirect.gather [hbm4b:s4+s15], $0x80, s11, s15, $0xb8;
	[tilespmem:$0x1D000] =	vst v63  }
0x192: {  	_ =	swait.ge [sflag:s16], $0x4000  }
0x193: {  	[sflag:s16] =	ssyncset.done $0x0  }
0x194: {  	s9 =	rddreg [dreg:$0xf];
	[sflag:s16] =	ssyncadd.s32 $0xFFFFC000  }
0x195: {  	[spmem:s2] =	stream.indirect.scatter.add.f32 [tilespmem:s12], [sflag:$0x3], $0x80, s9, s15, $0xb8;
	[tilespmem:$0x1D000] =	vst v63  }
0x196: {  	_ =	swait.ge [sflag:s20], $0x4000  }
0x197: {  	[sflag:s20] =	ssyncset.done $0x0  }
0x198: {  	s10 =	rddreg [dreg:$0x10];
	[sflag:s20] =	ssyncadd.s32 $0xFFFFC000  }
0x199: {  	[tilespmem:s17], [sflag:$0x2] =	stream.indirect.gather [hbm4b:s4+s15], $0x80, s10, s15, $0xb8;
	[tilespmem:$0x1D000] =	vst v63  }
0x19a: {  	_ =	swait.ge [sflag:s18], $0x4000  }
0x19b: {  	[sflag:s18] =	ssyncset.done $0x0  }
0x19c: {  	s11 =	rddreg [dreg:$0x11];
	[sflag:s18] =	ssyncadd.s32 $0xFFFFC000  }
0x19d: {  	[spmem:s2] =	stream.indirect.scatter.add.f32 [tilespmem:s17], [sflag:$0x4], $0x80, s11, s15, $0xb8;
	[tilespmem:$0x1D000] =	vst v63  }
0x19e: {  	_ =	swait.ge [sflag:s19], $0x4000  }
0x19f: {  	[sflag:s19] =	ssyncset.done $0x0  }
0x1a0: {  	s9 =	rddreg [dreg:$0x12];
	[sflag:s19] =	ssyncadd.s32 $0xFFFFC000  }
0x1a1: {  	[tilespmem:s12], [sflag:$0x1] =	stream.indirect.gather [hbm4b:s4+s15], $0x80, s9, s15, $0xb8;
	[tilespmem:$0x1D000] =	vst v63  }
0x1a2: {  	_ =	swait.ge [sflag:s16], $0x4000  }
0x1a3: {  	[sflag:s16] =	ssyncset.done $0x0  }
0x1a4: {  	[sflag:s16] =	ssyncadd.s32 $0xFFFFC000  }
0x1a5: {  	[spmem:s2] =	stream.indirect.scatter.add.f32 [tilespmem:s12], [sflag:$0x3], $0x80, s21, s15, $0xb8;
	[tilespmem:$0x1D000] =	vst v63  }
0x1a6: {  	_ =	swait.ge [sflag:s20], $0x4000  }
0x1a7: {  	[sflag:s20] =	ssyncset.done $0x0  }
0x1a8: {  	[sflag:s20] =	ssyncadd.s32 $0xFFFFC000  }
0x1a9: {  	[tilespmem:s17], [sflag:$0x2] =	stream.indirect.gather [hbm4b:s4+s15], $0x80, s22, s15, $0xb8;
	[tilespmem:$0x1D000] =	vst v63  }
0x1aa: {  	_ =	swait.ge [sflag:s18], $0x4000  }
0x1ab: {  	[sflag:s18] =	ssyncset.done $0x0  }
0x1ac: {  	[sflag:s18] =	ssyncadd.s32 $0xFFFFC000  }
0x1ad: {  	[spmem:s2] =	stream.indirect.scatter.add.f32 [tilespmem:s17], [sflag:$0x4], $0x80, s23, s15, $0xb8;
	[tilespmem:$0x1D000] =	vst v63  }
0x1ae: {  	_ =	swait.ge [sflag:s19], $0x4000  }
0x1af: {  	[sflag:s19] =	ssyncset.done $0x0  }
0x1b0: {  	[sflag:s19] =	ssyncadd.s32 $0xFFFFC000  }
0x1b1: {  	[tilespmem:s12], [sflag:$0x1] =	stream.indirect.gather [hbm4b:s4+s15], $0x80, s24, s15, $0xb8;
	[tilespmem:$0x1D000] =	vst v63  }
0x1b2: {  	_ =	swait.ge [sflag:s16], $0x4000  }
0x1b3: {  	[sflag:s16] =	ssyncset.done $0x0  }
0x1b4: {  	[sflag:s16] =	ssyncadd.s32 $0xFFFFC000  }
0x1b5: {  	[spmem:s2] =	stream.indirect.scatter.add.f32 [tilespmem:s12], [sflag:$0x3], $0x80, s25, s15, $0xb8;
	[tilespmem:$0x1D000] =	vst v63  }
0x1b6: {  	_ =	swait.ge [sflag:s20], $0x4000  }
0x1b7: {  	[sflag:s20] =	ssyncset.done $0x0  }
0x1b8: {  	[sflag:s20] =	ssyncadd.s32 $0xFFFFC000  }
0x1b9: {  	[tilespmem:s17], [sflag:$0x2] =	stream.indirect.gather [hbm4b:s4+s15], $0x80, s26, s15, $0xb8;
	[tilespmem:$0x1D000] =	vst v63  }
0x1ba: {  	_ =	swait.ge [sflag:s18], $0x4000  }
0x1bb: {  	[sflag:s18] =	ssyncset.done $0x0  }
0x1bc: {  	[sflag:s18] =	ssyncadd.s32 $0xFFFFC000  }
0x1bd: {  	[spmem:s2] =	stream.indirect.scatter.add.f32 [tilespmem:s17], [sflag:$0x4], $0x80, s28, s15, $0xb8;
	[tilespmem:$0x1D000] =	vst v63  }
0x1be: {  	_ =	swait.ge [sflag:s19], $0x4000  }
0x1bf: {  	[sflag:s19] =	ssyncset.done $0x0  }
0x1c0: {  	[sflag:s19] =	ssyncadd.s32 $0xFFFFC000  }
0x1c1: {  	[tilespmem:s12], [sflag:$0x1] =	stream.indirect.gather [hbm4b:s4+s15], $0x80, s29, s15, $0xb8;
	[tilespmem:$0x1D000] =	vst v63  }
0x1c2: {  	_ =	swait.ge [sflag:s16], $0x4000  }
0x1c3: {  	[sflag:s16] =	ssyncset.done $0x0  }
0x1c4: {  	[sflag:s16] =	ssyncadd.s32 $0xFFFFC000  }
0x1c5: {  	[spmem:s2] =	stream.indirect.scatter.add.f32 [tilespmem:s12], [sflag:$0x3], $0x80, s30, s15, $0xb8;
	[tilespmem:$0x1D000] =	vst v63  }
0x1c6: {  	_ =	swait.ge [sflag:s20], $0x4000  }
0x1c7: {  	[sflag:s20] =	ssyncset.done $0x0  }
0x1c8: {  	[sflag:s20] =	ssyncadd.s32 $0xFFFFC000  }
0x1c9: {  	[tilespmem:s17], [sflag:$0x2] =	stream.indirect.gather [hbm4b:s4+s15], $0x80, s31, s15, $0xb8;
	[tilespmem:$0x1D000] =	vst v63  }
0x1ca: {  	_ =	swait.ge [sflag:s18], $0x4000  }
0x1cb: {  	[sflag:s18] =	ssyncset.done $0x0  }
0x1cc: {  	[sflag:s18] =	ssyncadd.s32 $0xFFFFC000  }
0x1cd: {  	[spmem:s2] =	stream.indirect.scatter.add.f32 [tilespmem:s17], [sflag:$0x4], $0x80, s1, s15, $0xb8;
	[tilespmem:$0x1D000] =	vst v63  }
0x1ce: {  	_ =	swait.ge [sflag:s19], $0x4000  }
0x1cf: {  	[sflag:s19] =	ssyncset.done $0x0  }
0x1d0: {  	[sflag:s19] =	ssyncadd.s32 $0xFFFFC000  }
0x1d1: {  	[tilespmem:s12], [sflag:$0x1] =	stream.indirect.gather [hbm4b:s4+s15], $0x80, s0, s15, $0xb8;
	[tilespmem:$0x1D000] =	vst v63  }
0x1d2: {  	_ =	swait.ge [sflag:s16], $0x4000  }
0x1d3: {  	[sflag:s16] =	ssyncset.done $0x0  }
0x1d4: {  	[sflag:s16] =	ssyncadd.s32 $0xFFFFC000  }
0x1d5: {  	[spmem:s2] =	stream.indirect.scatter.add.f32 [tilespmem:s12], [sflag:$0x3], $0x80, s6, s15, $0xb8;
	[tilespmem:$0x1D000] =	vst v63  }
0x1d6: {  	_ =	swait.ge [sflag:s20], $0x4000  }
0x1d7: {  	[sflag:s20] =	ssyncset.done $0x0  }
0x1d8: {  	[sflag:s20] =	ssyncadd.s32 $0xFFFFC000  }
0x1d9: {  	[tilespmem:s17], [sflag:$0x2] =	stream.indirect.gather [hbm4b:s4+s15], $0x80, s7, s15, $0xb8;
	[tilespmem:$0x1D000] =	vst v63  }
0x1da: {  	_ =	swait.ge [sflag:s18], $0x4000  }
0x1db: {  	[sflag:s18] =	ssyncset.done $0x0  }
0x1dc: {  	[sflag:s18] =	ssyncadd.s32 $0xFFFFC000  }
0x1dd: {  	[spmem:s2] =	stream.indirect.scatter.add.f32 [tilespmem:s17], [sflag:$0x4], $0x80, s8, s15, $0xb8;
	[tilespmem:$0x1D000] =	vst v63  }
0x1de: {  	_ =	swait.ge [sflag:s19], $0x4000  }
0x1df: {  	[sflag:s19] =	ssyncset.done $0x0  }
0x1e0: {  	[sflag:s19] =	ssyncadd.s32 $0xFFFFC000  }
0x1e1: {  	_ =	swait.ge [sflag:s20], $0x4000  }
0x1e2: {  	[sflag:s20] =	ssyncset.done $0x0  }
0x1e3: {  	[sflag:s20] =	ssyncadd.s32 $0xFFFFC000  }
0x1e4: {  	s10 =	stileid.u32;
	[bflag:$0x0] =	sbarrier.arrive $0xFFFF  }
0x1e5: {  	s5 =	sshll.u32 s10, $0x6;
	s9 =	rddreg [dreg:$0x13]  }
0x1e6: {  	s5 =	sor.u32 $0x1C05, s5;
	s11 =	rddreg [dreg:$0x14];
	s9 =	sshrl.u32 s9, $0x3  }
0x1e7: {  	[hbm:s11], [sflag:s5] =	dma.local [spmem:s9], $0x2800  }
0x1e8: {  	_ =	swait.ge [sflag:s13], $0x2800  }
0x1e9: {  	s10 =	rddreg [dreg:$0x1a]  }
0x1ea: {  	s11 =	rddreg [dreg:$0x15];
	s9 =	sadd.s32 $0x1, s10  }
0x1eb: {  	p0 =	sne.s32 s9, s11  }
.Ltmp2:
0x1ec: {  	_ = 	snop;
	(pc) =	sbr.rel @p0 .LBB2_1-.Ltmp2, $3  }
0x1ed: {  	_ =	sdelay $0x1  }
0x1ee: {  	[sflag:s13] =	ssyncset.done $0x0  }
0x1ef: {  	[sflag:s13] =	ssyncadd.s32 $0xFFFFD800  }
0x1f0: {  	_ =	sfence.sel $0x180000  }
0x1f1: {  	[bflag:$0x0] =	sbarrier.arrive $0xFFFF  }
0x1f2: {  	_ =	strace $0x90000050  }
0x1f3: {  	s0 =	stileid.u32;
	[bflag:$0x2] =	sbarrier.arrive $0xFFFF  }
0x1f4: {  	p0 =	sne.s32 s0, $0x0;
	s0 =	rddreg [dreg:$0x2]  }
0x1f5: {  	s0 =	sadd.s32 @!p0 $0x100000, s0  }
0x1f6: {  	[sflag:s0] =	ssyncadd.tile.s32 @!p0 $0x1;
	_ =	shalt  }
.Lfunc_end2:
_tile_overlayer_lowered:
.L_overlay_start_2:
0x1f7: {  	(tag) =	ssettag $0x2  }
0x1f8: {  	s0 =	rddreg [dreg:$0x0];
	s2 =	stileid.u32  }
0x1f9: {  	s1 =	rddreg [dreg:$0x1];
	p0 =	sne.s32 s2, $0x0  }
0x1fa: {  	s3 =	rddreg [dreg:$0x2];
	[bflag:$0x3] =	sbarrier.arrive $0xFFFF;
	s2 =	simm.s32 @!p0 $0x1C05  }
0x1fb: {  	[timem:s3], [sflag:s2] =	dma.local @!p0 [hbm:s0], s1  }
0x1fc: {  	s0 =	simm.s32 @!p0 $0x5  }
0x1fd: {  	_ =	swait.ge @!p0 [sflag:s0], s1  }
0x1fe: {  	s1 =	ssub.s32 @!p0 $0x0, s1;
	[sflag:s0] =	ssyncset.done @!p0 $0x0  }
0x1ff: {  	[sflag:s0] =	ssyncadd.s32 @!p0 s1  }
0x200: {  	[bflag:$0x3] =	sbarrier.arrive $0xFFFF  }
0x201: {  	_ =	shalt  }

</sc_bundles>
